<compile_context>
chip_gen: v7x
topology: tpu7x:2x2x1
jax: 0.10.2.dev20260603
libtpu: 0.0.44.dev20260713+nightly
codegen_flags: <defaults>
</compile_context>

<pallas_src>
import functools

import jax
import jax.numpy as jnp
from jax import lax
from jax.experimental import pallas as pl
from jax.experimental.pallas import tpu as pltpu
from jax.experimental.pallas import tpu_sc as plsc

_NCHAN, _NPIX, _NNZ = 8, 1024, 2_000_000
_FLAT = _NCHAN * _NPIX * _NPIX
_NC, _NS = 2, 16
_NW = _NC * _NS
_B = 4096
_W = 19456
_L = 16
_UNROLL = 8


def _make_gather(size, nblk):
    work = _B * nblk
    mesh = plsc.VectorSubcoreMesh(core_axis_name="c", subcore_axis_name="s")

    @functools.partial(
        pl.kernel,
        mesh=mesh,
        out_type=(
            jax.ShapeDtypeStruct((size,), jnp.float32),
            jax.ShapeDtypeStruct((size,), jnp.float32),
        ),
        scratch_types=[
            pltpu.VMEM((_B,), jnp.int32),
            pltpu.VMEM((_B,), jnp.int32),
            pltpu.VMEM((2 * _B,), jnp.int32),
            pltpu.VMEM((2 * _B,), jnp.int32),
            pltpu.VMEM((2 * _B,), jnp.float32),
            pltpu.VMEM((2 * _B,), jnp.float32),
            pltpu.VMEM_SHARED((_NS * 2 * _W,), jnp.float32),
            pltpu.VMEM_SHARED((_NS * 2 * _W,), jnp.float32),
            pltpu.SemaphoreType.DMA,
            pltpu.SemaphoreType.DMA,
            pltpu.SemaphoreType.DMA,
            pltpu.SemaphoreType.DMA,
            pltpu.SemaphoreType.DMA,
            pltpu.SemaphoreType.DMA,
            pltpu.SemaphoreType.DMA,
            pltpu.SemaphoreType.DMA,
            pltpu.SemaphoreType.DMA,
        ],
    )
    def gather_kernel(re_hbm, im_hbm, idx_hbm, out_re, out_im,
                      idx0, idx1, loc0, loc1, pair0, pair1,
                      win0, win1,
                      sidx0, sidx1, swin0, swin1, sg,
                      sst_re0, sst_re1, sst_im0, sst_im1):
        idx_b = (idx0, idx1)
        loc_b = (loc0, loc1)
        pair_b = (pair0, pair1)
        win_b = (win0, win1)
        sidx = (sidx0, sidx1)
        swin = (swin0, swin1)
        sst_re = (sst_re0, sst_re1)
        sst_im = (sst_im0, sst_im1)

        cid = lax.axis_index("c")
        sid = lax.axis_index("s")
        wid = sid * _NC + cid
        base = jnp.minimum(wid * work, size - work)
        wbase = sid * 2 * _W
        wbase_dma = pl.multiple_of(wbase, 128)
        wbase_im_dma = pl.multiple_of(wbase + _W, 128)

        def stage(g, p, active):
            iv = idx_b[p]
            lv = loc_b[p]
            lo = iv[pl.ds(0, _L)][0]
            hi = iv[pl.ds(_B - _L, _L)][_L - 1]
            wstart = jnp.minimum((lo >> 7) << 7, _FLAT - _W)
            fast = (hi - wstart) < _W

            @pl.when(fast & active)
            def _():
                pltpu.async_copy(
                    re_hbm.at[pl.ds(pl.multiple_of(wstart, 128), _W)],
                    win_b[p].at[pl.ds(wbase_dma, _W)], swin[p])
                pltpu.async_copy(
                    im_hbm.at[pl.ds(pl.multiple_of(wstart, 128), _W)],
                    win_b[p].at[pl.ds(wbase_im_dma, _W)], swin[p])

                shift = wstart - wbase

                def inner(o, c):
                    for u in range(_UNROLL):
                        i = (o * _UNROLL + u) * _L
                        a = iv[pl.ds(i, _L)] - shift
                        lv[pl.ds(i, _L)] = a
                        lv[pl.ds(_B + i, _L)] = a + _W
                    return c

                lax.fori_loop(0, _B // (_L * _UNROLL), inner, 0)

            return fast

        def drain(g, p, fast):
            @pl.when(g >= 2)
            def _():
                pltpu.make_async_copy(
                    pair_b[p].at[pl.ds(0, _B)],
                    out_re.at[pl.ds(0, _B)], sst_re[p]).wait()
                pltpu.make_async_copy(
                    pair_b[p].at[pl.ds(_B, _B)],
                    out_im.at[pl.ds(0, _B)], sst_im[p]).wait()

            @pl.when(fast)
            def _():
                pltpu.make_async_copy(
                    re_hbm.at[pl.ds(0, _W)],
                    win_b[p].at[pl.ds(wbase_dma, _W)], swin[p]).wait()
                pltpu.make_async_copy(
                    im_hbm.at[pl.ds(0, _W)],
                    win_b[p].at[pl.ds(wbase_im_dma, _W)], swin[p]).wait()
                pltpu.async_copy(win_b[p].at[loc_b[p]], pair_b[p], sg).wait()

            @pl.when(jnp.logical_not(fast))
            def _():
                cg_re = pltpu.async_copy(
                    re_hbm.at[idx_b[p]], pair_b[p].at[pl.ds(0, _B)], sg)
                cg_im = pltpu.async_copy(
                    im_hbm.at[idx_b[p]], pair_b[p].at[pl.ds(_B, _B)], sg)
                cg_re.wait()
                cg_im.wait()

            off = base + g * _B
            pltpu.async_copy(
                pair_b[p].at[pl.ds(0, _B)], out_re.at[pl.ds(off, _B)],
                sst_re[p])
            pltpu.async_copy(
                pair_b[p].at[pl.ds(_B, _B)], out_im.at[pl.ds(off, _B)],
                sst_im[p])

        pltpu.sync_copy(idx_hbm.at[pl.ds(base, _B)], idx0)
        fast0 = stage(0, 0, jnp.bool_(True))
        pltpu.async_copy(idx_hbm.at[pl.ds(base + _B, _B)], idx1, sidx1)

        def body(g, fast_g):
            for par in range(2):
                gg = g * 2 + par
                p = par
                q = 1 - par
                have_next = gg + 1 < nblk

                @pl.when(have_next)
                def _():
                    pltpu.make_async_copy(
                        idx_hbm.at[pl.ds(0, _B)], idx_b[q], sidx[q]).wait()

                fast_next = stage(gg + 1, q, have_next)

                drain(gg, p, fast_g)

                @pl.when(gg + 2 < nblk)
                def _():
                    pltpu.async_copy(
                        idx_hbm.at[pl.ds(base + (gg + 2) * _B, _B)],
                        idx_b[p], sidx[p])

                fast_g = fast_next
            return fast_g

        lax.fori_loop(0, nblk // 2, body, fast0)

        for p in range(2):
            pltpu.make_async_copy(
                pair_b[p].at[pl.ds(0, _B)],
                out_re.at[pl.ds(0, _B)], sst_re[p]).wait()
            pltpu.make_async_copy(
                pair_b[p].at[pl.ds(_B, _B)],
                out_im.at[pl.ds(0, _B)], sst_im[p]).wait()

    return gather_kernel


def kernel(modelVisibilityCube_real, modelVisibilityCube_imag, mask_idx):
    re_flat = modelVisibilityCube_real.reshape(-1)
    im_flat = modelVisibilityCube_imag.reshape(-1)
    half = _NNZ // 2
    gather = _make_gather(half, 8)
    re_a, im_a = gather(re_flat, im_flat, mask_idx[:half])
    re_b, im_b = gather(re_flat, im_flat, mask_idx[half:])
    z_a = jax.lax.complex(re_a, im_a)
    z_b = jax.lax.complex(re_b, im_b)
    return jnp.concatenate([z_a, z_b])

# --- scband reference (transcript-rebuilt; emitter-appended) ---
"""Pipeline reference for scband-gridded-dataset-2310692405904 (READ-ONLY COPY).

The authoritative reference and input builder live on the scoring server;
editing this copy changes nothing except your own understanding.
"""

import jax, jax.numpy as jnp
import numpy as np

NCHAN = 8
NPIX = 1024
NNZ = 2000000


def setup_inputs(seed: int = 0) -> dict:
    key = jax.random.key(seed)
    k1, k2, k3 = jax.random.split(key, 3)
    cube_real = jax.random.normal(k1, (NCHAN, NPIX, NPIX), dtype=jnp.float32)
    cube_imag = jax.random.normal(k2, (NCHAN, NPIX, NPIX), dtype=jnp.float32)
    # Boolean mask in packed format, represented as sorted flat indices of its
    # True entries (row-major order), which is exactly what masked_select reads.
    mask_idx = jnp.sort(
        jax.random.randint(k3, (NNZ,), 0, NCHAN * NPIX * NPIX, dtype=jnp.int32)
    )
    return {
        "modelVisibilityCube_real": cube_real,
        "modelVisibilityCube_imag": cube_imag,
        "mask_idx": mask_idx,
    }


def reference(modelVisibilityCube_real, modelVisibilityCube_imag, mask_idx):
    # GriddedDataset.forward: masked_select of real and imag parts of the
    # (nchan, npix, npix) model visibility cube, collapsed to a 1D complex vector.
    # masked_select over a boolean mask == gather of the flattened cube at the
    # row-major flat indices of the True mask entries.
    re = jnp.take(modelVisibilityCube_real.reshape(-1), mask_idx)
    im = jnp.take(modelVisibilityCube_imag.reshape(-1), mask_idx)
    return jax.lax.complex(re, im)

if __name__ == "__main__":
    import jax
    _d = setup_inputs()
    print(jax.jit(kernel)(*tuple(_d.values())))

</pallas_src>

<mosaic_0001>
#map = affine_map<(d0, d1) -> (0)>
module attributes {stable_mosaic.version = 14 : i64} {
  func.func @gather_kernel(%arg0: i32, %arg1: i32, %arg2: memref<8388608xf32, #tpu.memory_space<hbm>>, %arg3: memref<8388608xf32, #tpu.memory_space<hbm>>, %arg4: memref<1000000xi32, #tpu.memory_space<hbm>>, %arg5: memref<1000000xf32, #tpu.memory_space<hbm>>, %arg6: memref<1000000xf32, #tpu.memory_space<hbm>>, %arg7: memref<4096xi32, #tpu.memory_space<vmem>>, %arg8: memref<4096xi32, #tpu.memory_space<vmem>>, %arg9: memref<8192xi32, #tpu.memory_space<vmem>>, %arg10: memref<8192xi32, #tpu.memory_space<vmem>>, %arg11: memref<8192xf32, #tpu.memory_space<vmem>>, %arg12: memref<8192xf32, #tpu.memory_space<vmem>>, %arg13: memref<622592xf32, #tpu.memory_space<vmem_shared>>, %arg14: memref<622592xf32, #tpu.memory_space<vmem_shared>>, %arg15: memref<!tpu.dma_semaphore, #tpu.memory_space<semaphore_mem>>, %arg16: memref<!tpu.dma_semaphore, #tpu.memory_space<semaphore_mem>>, %arg17: memref<!tpu.dma_semaphore, #tpu.memory_space<semaphore_mem>>, %arg18: memref<!tpu.dma_semaphore, #tpu.memory_space<semaphore_mem>>, %arg19: memref<!tpu.dma_semaphore, #tpu.memory_space<semaphore_mem>>, %arg20: memref<!tpu.dma_semaphore, #tpu.memory_space<semaphore_mem>>, %arg21: memref<!tpu.dma_semaphore, #tpu.memory_space<semaphore_mem>>, %arg22: memref<!tpu.dma_semaphore, #tpu.memory_space<semaphore_mem>>, %arg23: memref<!tpu.dma_semaphore, #tpu.memory_space<semaphore_mem>>) attributes {dimension_semantics = [#tpu.dimension_semantics<core_parallel>, #tpu.dimension_semantics<subcore_parallel>], iteration_bounds = array<i64: 2, 16>, scalar_prefetch = 0 : i64, scratch_operands = 17 : i64, tpu.core_type = #tpu.core_type<sc_vector_subcore>, window_params = [{transform_indices = #map}, {transform_indices = #map}, {transform_indices = #map}, {transform_indices = #map}, {transform_indices = #map}]} {
    %mul3A = arith.constant 2 : i32
    %mul3A_0 = arith.muli %arg1, %mul3A : i32
    %add3A = arith.addi %mul3A_0, %arg0 : i32
    %mul3A_1 = arith.constant 32768 : i32
    %mul3A_2 = arith.muli %add3A, %mul3A_1 : i32
    %min3A = arith.constant 967232 : i32
    %min3A_3 = arith.minsi %mul3A_2, %min3A : i32
    %mul3A_4 = arith.constant 2 : i32
    %mul3A_5 = arith.muli %arg1, %mul3A_4 : i32
    %mul3A_6 = arith.constant 19456 : i32
    %mul3A_7 = arith.muli %mul3A_5, %mul3A_6 : i32
    %multiple_of3A = tpu.assume_multiple %mul3A_7, 128 : i32
    %add3A_8 = arith.constant 19456 : i32
    %add3A_9 = arith.addi %mul3A_7, %add3A_8 : i32
    %multiple_of3A_10 = tpu.assume_multiple %add3A_9, 128 : i32
    "tpu.region"() ({
      %run_scoped3A = tpu.sem_alloc : memref<!tpu.dma_semaphore, #tpu.memory_space<semaphore_mem>>
      %dma_start3A_64 = tpu.memref_slice %arg4[%min3A_3] : memref<1000000xi32, #tpu.memory_space<hbm>> -> memref<4096xi32, #tpu.memory_space<hbm>>
      %dma_start3A_65 = tpu.memref_slice %arg4[%min3A_3] : memref<1000000xi32, #tpu.memory_space<hbm>> -> memref<4096xi32, #tpu.memory_space<hbm>>
      tpu.enqueue_dma source(%dma_start3A_65 : memref<4096xi32, #tpu.memory_space<hbm>>) target(%arg7 : memref<4096xi32, #tpu.memory_space<vmem>>) target_semaphore(%run_scoped3A : memref<!tpu.dma_semaphore, #tpu.memory_space<semaphore_mem>>)
      %dma_wait3A_66 = tpu.memref_slice %arg4[%min3A_3] : memref<1000000xi32, #tpu.memory_space<hbm>> -> memref<4096xi32, #tpu.memory_space<hbm>>
      %dma_wait3A_67 = tpu.memref_slice %arg4[%min3A_3] : memref<1000000xi32, #tpu.memory_space<hbm>> -> memref<4096xi32, #tpu.memory_space<hbm>>
      tpu.wait_dma2 semaphore(%run_scoped3A : memref<!tpu.dma_semaphore, #tpu.memory_space<semaphore_mem>>) src(%dma_wait3A_67 : memref<4096xi32, #tpu.memory_space<hbm>>) dst(%arg7 : memref<4096xi32, #tpu.memory_space<vmem>>)
      tpu.yield
    }) : () -> ()
    %get3A = arith.constant 0 : index
    %get3A_11 = tpu.vector_load %arg7[%get3A] {strides = array<i32>} : memref<4096xi32, #tpu.memory_space<vmem>>, vector<16xi32>,
    %get3A_12 = vector.shape_cast %get3A_11 : vector<16xi32> to vector<16xi32>
    %slice3A = vector.extract_strided_slice %get3A_12 {offsets = [0], sizes = [1], strides = [1]} : vector<16xi32> to vector<1xi32>
    %squeeze3A = vector.extract %slice3A[0] : i32 from vector<1xi32>
    %get3A_13 = arith.constant 4080 : index
    %get3A_14 = tpu.vector_load %arg7[%get3A_13] {strides = array<i32>} : memref<4096xi32, #tpu.memory_space<vmem>>, vector<16xi32>,
    %get3A_15 = vector.shape_cast %get3A_14 : vector<16xi32> to vector<16xi32>
    %slice3A_16 = vector.extract_strided_slice %get3A_15 {offsets = [15], sizes = [1], strides = [1]} : vector<16xi32> to vector<1xi32>
    %squeeze3A_17 = vector.extract %slice3A_16[0] : i32 from vector<1xi32>
    %shift_right_arithmetic3A = arith.constant 7 : i32
    %shift_right_arithmetic3A_18 = arith.shrsi %squeeze3A, %shift_right_arithmetic3A : i32
    %shift_left3A = arith.constant 7 : i32
    %shift_left3A_19 = arith.shli %shift_right_arithmetic3A_18, %shift_left3A : i32
    %min3A_20 = arith.constant 8369152 : i32
    %min3A_21 = arith.minsi %shift_left3A_19, %min3A_20 : i32
    %sub3A = arith.subi %squeeze3A_17, %min3A_21 : i32
    %lt3A = arith.constant 19456 : i32
    %lt3A_22 = arith.cmpi slt, %sub3A, %lt3A : i32
    %and3A = arith.constant true
    %and3A_23 = arith.andi %lt3A_22, %and3A : i1
    %convert_element_type3A = arith.extui %and3A_23 : i1 to i32
    %cond3A = arith.constant 0 : i32
    %cond3A_24 = arith.cmpi ne, %convert_element_type3A, %cond3A : i32
    scf.if %cond3A_24 {
      %multiple_of3A_64 = tpu.assume_multiple %min3A_21, 128 : i32
      %dma_start3A_65 = tpu.memref_slice %arg13[%multiple_of3A] : memref<622592xf32, #tpu.memory_space<vmem_shared>> -> memref<19456xf32, #tpu.memory_space<vmem_shared>>
      %dma_start3A_66 = tpu.memref_slice %arg2[%multiple_of3A_64] : memref<8388608xf32, #tpu.memory_space<hbm>> -> memref<19456xf32, #tpu.memory_space<hbm>>
      tpu.enqueue_dma source(%dma_start3A_66 : memref<19456xf32, #tpu.memory_space<hbm>>) target(%dma_start3A_65 : memref<19456xf32, #tpu.memory_space<vmem_shared>>) target_semaphore(%arg17 : memref<!tpu.dma_semaphore, #tpu.memory_space<semaphore_mem>>)
      %multiple_of3A_67 = tpu.assume_multiple %min3A_21, 128 : i32
      %dma_start3A_68 = tpu.memref_slice %arg13[%multiple_of3A_10] : memref<622592xf32, #tpu.memory_space<vmem_shared>> -> memref<19456xf32, #tpu.memory_space<vmem_shared>>
      %dma_start3A_69 = tpu.memref_slice %arg3[%multiple_of3A_67] : memref<8388608xf32, #tpu.memory_space<hbm>> -> memref<19456xf32, #tpu.memory_space<hbm>>
      tpu.enqueue_dma source(%dma_start3A_69 : memref<19456xf32, #tpu.memory_space<hbm>>) target(%dma_start3A_68 : memref<19456xf32, #tpu.memory_space<vmem_shared>>) target_semaphore(%arg17 : memref<!tpu.dma_semaphore, #tpu.memory_space<semaphore_mem>>)
      %sub3A_70 = arith.subi %min3A_21, %mul3A_7 : i32
      %scan3A_71 = arith.constant 0 : i32
      %scan3A_72 = arith.constant 0 : i32
      %scan3A_73 = arith.constant 32 : i32
      %scan3A_74 = arith.addi %scan3A_72, %scan3A_73 : i32
      %scan3A_75 = arith.constant 1 : i32
      scf.for %scan3A_77 = %scan3A_72 to %scan3A_74 step %scan3A_75  : i32 {
        %mul3A_78 = arith.constant 8 : i32
        %mul3A_79 = arith.muli %scan3A_77, %mul3A_78 : i32
        %add3A_80 = arith.constant 0 : i32
        %add3A_81 = arith.addi %mul3A_79, %add3A_80 : i32
        %mul3A_82 = arith.constant 16 : i32
        %mul3A_83 = arith.muli %add3A_81, %mul3A_82 : i32
        %get3A_84 = arith.index_cast %mul3A_83 : i32 to index
        %get3A_85 = tpu.vector_load %arg7[%get3A_84] {strides = array<i32>} : memref<4096xi32, #tpu.memory_space<vmem>>, vector<16xi32>,
        %get3A_86 = vector.shape_cast %get3A_85 : vector<16xi32> to vector<16xi32>
        %sub3A_87 = vector.broadcast %sub3A_70 : i32 to vector<16xi32>
        %sub3A_88 = arith.subi %get3A_86, %sub3A_87 : vector<16xi32>
        %swap3A = arith.index_cast %mul3A_83 : i32 to index
        %swap3A_89 = tpu.vector_load %arg9[%swap3A] {strides = array<i32>} : memref<8192xi32, #tpu.memory_space<vmem>>, vector<16xi32>,
        %swap3A_90 = vector.shape_cast %swap3A_89 : vector<16xi32> to vector<16xi32>
        %swap3A_91 = vector.shape_cast %sub3A_88 : vector<16xi32> to vector<16xi32>
        tpu.vector_store %arg9[%swap3A], %swap3A_91 {strides = array<i32>} : memref<8192xi32, #tpu.memory_space<vmem>>, vector<16xi32>,
        %add3A_92 = arith.constant 19456 : i32
        %add3A_93 = vector.broadcast %add3A_92 : i32 to vector<16xi32>
        %add3A_94 = arith.addi %sub3A_88, %add3A_93 : vector<16xi32>
        %add3A_95 = arith.constant 4096 : i32
        %add3A_96 = arith.addi %add3A_95, %mul3A_83 : i32
        %swap3A_97 = arith.index_cast %add3A_96 : i32 to index
        %swap3A_98 = tpu.vector_load %arg9[%swap3A_97] {strides = array<i32>} : memref<8192xi32, #tpu.memory_space<vmem>>, vector<16xi32>,
        %swap3A_99 = vector.shape_cast %swap3A_98 : vector<16xi32> to vector<16xi32>
        %swap3A_100 = vector.shape_cast %add3A_94 : vector<16xi32> to vector<16xi32>
        tpu.vector_store %arg9[%swap3A_97], %swap3A_100 {strides = array<i32>} : memref<8192xi32, #tpu.memory_space<vmem>>, vector<16xi32>,
        %mul3A_101 = arith.constant 8 : i32
        %mul3A_102 = arith.muli %scan3A_77, %mul3A_101 : i32
        %add3A_103 = arith.constant 1 : i32
        %add3A_104 = arith.addi %mul3A_102, %add3A_103 : i32
        %mul3A_105 = arith.constant 16 : i32
        %mul3A_106 = arith.muli %add3A_104, %mul3A_105 : i32
        %get3A_107 = arith.index_cast %mul3A_106 : i32 to index
        %get3A_108 = tpu.vector_load %arg7[%get3A_107] {strides = array<i32>} : memref<4096xi32, #tpu.memory_space<vmem>>, vector<16xi32>,
        %get3A_109 = vector.shape_cast %get3A_108 : vector<16xi32> to vector<16xi32>
        %sub3A_110 = vector.broadcast %sub3A_70 : i32 to vector<16xi32>
        %sub3A_111 = arith.subi %get3A_109, %sub3A_110 : vector<16xi32>
        %swap3A_112 = arith.index_cast %mul3A_106 : i32 to index
        %swap3A_113 = tpu.vector_load %arg9[%swap3A_112] {strides = array<i32>} : memref<8192xi32, #tpu.memory_space<vmem>>, vector<16xi32>,
        %swap3A_114 = vector.shape_cast %swap3A_113 : vector<16xi32> to vector<16xi32>
        %swap3A_115 = vector.shape_cast %sub3A_111 : vector<16xi32> to vector<16xi32>
        tpu.vector_store %arg9[%swap3A_112], %swap3A_115 {strides = array<i32>} : memref<8192xi32, #tpu.memory_space<vmem>>, vector<16xi32>,
        %add3A_116 = arith.constant 19456 : i32
        %add3A_117 = vector.broadcast %add3A_116 : i32 to vector<16xi32>
        %add3A_118 = arith.addi %sub3A_111, %add3A_117 : vector<16xi32>
        %add3A_119 = arith.constant 4096 : i32
        %add3A_120 = arith.addi %add3A_119, %mul3A_106 : i32
        %swap3A_121 = arith.index_cast %add3A_120 : i32 to index
        %swap3A_122 = tpu.vector_load %arg9[%swap3A_121] {strides = array<i32>} : memref<8192xi32, #tpu.memory_space<vmem>>, vector<16xi32>,
        %swap3A_123 = vector.shape_cast %swap3A_122 : vector<16xi32> to vector<16xi32>
        %swap3A_124 = vector.shape_cast %add3A_118 : vector<16xi32> to vector<16xi32>
        tpu.vector_store %arg9[%swap3A_121], %swap3A_124 {strides = array<i32>} : memref<8192xi32, #tpu.memory_space<vmem>>, vector<16xi32>,
        %mul3A_125 = arith.constant 8 : i32
        %mul3A_126 = arith.muli %scan3A_77, %mul3A_125 : i32
        %add3A_127 = arith.constant 2 : i32
        %add3A_128 = arith.addi %mul3A_126, %add3A_127 : i32
        %mul3A_129 = arith.constant 16 : i32
        %mul3A_130 = arith.muli %add3A_128, %mul3A_129 : i32
        %get3A_131 = arith.index_cast %mul3A_130 : i32 to index
        %get3A_132 = tpu.vector_load %arg7[%get3A_131] {strides = array<i32>} : memref<4096xi32, #tpu.memory_space<vmem>>, vector<16xi32>,
        %get3A_133 = vector.shape_cast %get3A_132 : vector<16xi32> to vector<16xi32>
        %sub3A_134 = vector.broadcast %sub3A_70 : i32 to vector<16xi32>
        %sub3A_135 = arith.subi %get3A_133, %sub3A_134 : vector<16xi32>
        %swap3A_136 = arith.index_cast %mul3A_130 : i32 to index
        %swap3A_137 = tpu.vector_load %arg9[%swap3A_136] {strides = array<i32>} : memref<8192xi32, #tpu.memory_space<vmem>>, vector<16xi32>,
        %swap3A_138 = vector.shape_cast %swap3A_137 : vector<16xi32> to vector<16xi32>
        %swap3A_139 = vector.shape_cast %sub3A_135 : vector<16xi32> to vector<16xi32>
        tpu.vector_store %arg9[%swap3A_136], %swap3A_139 {strides = array<i32>} : memref<8192xi32, #tpu.memory_space<vmem>>, vector<16xi32>,
        %add3A_140 = arith.constant 19456 : i32
        %add3A_141 = vector.broadcast %add3A_140 : i32 to vector<16xi32>
        %add3A_142 = arith.addi %sub3A_135, %add3A_141 : vector<16xi32>
        %add3A_143 = arith.constant 4096 : i32
        %add3A_144 = arith.addi %add3A_143, %mul3A_130 : i32
        %swap3A_145 = arith.index_cast %add3A_144 : i32 to index
        %swap3A_146 = tpu.vector_load %arg9[%swap3A_145] {strides = array<i32>} : memref<8192xi32, #tpu.memory_space<vmem>>, vector<16xi32>,
        %swap3A_147 = vector.shape_cast %swap3A_146 : vector<16xi32> to vector<16xi32>
        %swap3A_148 = vector.shape_cast %add3A_142 : vector<16xi32> to vector<16xi32>
        tpu.vector_store %arg9[%swap3A_145], %swap3A_148 {strides = array<i32>} : memref<8192xi32, #tpu.memory_space<vmem>>, vector<16xi32>,
        %mul3A_149 = arith.constant 8 : i32
        %mul3A_150 = arith.muli %scan3A_77, %mul3A_149 : i32
        %add3A_151 = arith.constant 3 : i32
        %add3A_152 = arith.addi %mul3A_150, %add3A_151 : i32
        %mul3A_153 = arith.constant 16 : i32
        %mul3A_154 = arith.muli %add3A_152, %mul3A_153 : i32
        %get3A_155 = arith.index_cast %mul3A_154 : i32 to index
        %get3A_156 = tpu.vector_load %arg7[%get3A_155] {strides = array<i32>} : memref<4096xi32, #tpu.memory_space<vmem>>, vector<16xi32>,
        %get3A_157 = vector.shape_cast %get3A_156 : vector<16xi32> to vector<16xi32>
        %sub3A_158 = vector.broadcast %sub3A_70 : i32 to vector<16xi32>
        %sub3A_159 = arith.subi %get3A_157, %sub3A_158 : vector<16xi32>
        %swap3A_160 = arith.index_cast %mul3A_154 : i32 to index
        %swap3A_161 = tpu.vector_load %arg9[%swap3A_160] {strides = array<i32>} : memref<8192xi32, #tpu.memory_space<vmem>>, vector<16xi32>,
        %swap3A_162 = vector.shape_cast %swap3A_161 : vector<16xi32> to vector<16xi32>
        %swap3A_163 = vector.shape_cast %sub3A_159 : vector<16xi32> to vector<16xi32>
        tpu.vector_store %arg9[%swap3A_160], %swap3A_163 {strides = array<i32>} : memref<8192xi32, #tpu.memory_space<vmem>>, vector<16xi32>,
        %add3A_164 = arith.constant 19456 : i32
        %add3A_165 = vector.broadcast %add3A_164 : i32 to vector<16xi32>
        %add3A_166 = arith.addi %sub3A_159, %add3A_165 : vector<16xi32>
        %add3A_167 = arith.constant 4096 : i32
        %add3A_168 = arith.addi %add3A_167, %mul3A_154 : i32
        %swap3A_169 = arith.index_cast %add3A_168 : i32 to index
        %swap3A_170 = tpu.vector_load %arg9[%swap3A_169] {strides = array<i32>} : memref<8192xi32, #tpu.memory_space<vmem>>, vector<16xi32>,
        %swap3A_171 = vector.shape_cast %swap3A_170 : vector<16xi32> to vector<16xi32>
        %swap3A_172 = vector.shape_cast %add3A_166 : vector<16xi32> to vector<16xi32>
        tpu.vector_store %arg9[%swap3A_169], %swap3A_172 {strides = array<i32>} : memref<8192xi32, #tpu.memory_space<vmem>>, vector<16xi32>,
        %mul3A_173 = arith.constant 8 : i32
        %mul3A_174 = arith.muli %scan3A_77, %mul3A_173 : i32
        %add3A_175 = arith.constant 4 : i32
        %add3A_176 = arith.addi %mul3A_174, %add3A_175 : i32
        %mul3A_177 = arith.constant 16 : i32
        %mul3A_178 = arith.muli %add3A_176, %mul3A_177 : i32
        %get3A_179 = arith.index_cast %mul3A_178 : i32 to index
        %get3A_180 = tpu.vector_load %arg7[%get3A_179] {strides = array<i32>} : memref<4096xi32, #tpu.memory_space<vmem>>, vector<16xi32>,
        %get3A_181 = vector.shape_cast %get3A_180 : vector<16xi32> to vector<16xi32>
        %sub3A_182 = vector.broadcast %sub3A_70 : i32 to vector<16xi32>
        %sub3A_183 = arith.subi %get3A_181, %sub3A_182 : vector<16xi32>
        %swap3A_184 = arith.index_cast %mul3A_178 : i32 to index
        %swap3A_185 = tpu.vector_load %arg9[%swap3A_184] {strides = array<i32>} : memref<8192xi32, #tpu.memory_space<vmem>>, vector<16xi32>,
        %swap3A_186 = vector.shape_cast %swap3A_185 : vector<16xi32> to vector<16xi32>
        %swap3A_187 = vector.shape_cast %sub3A_183 : vector<16xi32> to vector<16xi32>
        tpu.vector_store %arg9[%swap3A_184], %swap3A_187 {strides = array<i32>} : memref<8192xi32, #tpu.memory_space<vmem>>, vector<16xi32>,
        %add3A_188 = arith.constant 19456 : i32
        %add3A_189 = vector.broadcast %add3A_188 : i32 to vector<16xi32>
        %add3A_190 = arith.addi %sub3A_183, %add3A_189 : vector<16xi32>
        %add3A_191 = arith.constant 4096 : i32
        %add3A_192 = arith.addi %add3A_191, %mul3A_178 : i32
        %swap3A_193 = arith.index_cast %add3A_192 : i32 to index
        %swap3A_194 = tpu.vector_load %arg9[%swap3A_193] {strides = array<i32>} : memref<8192xi32, #tpu.memory_space<vmem>>, vector<16xi32>,
        %swap3A_195 = vector.shape_cast %swap3A_194 : vector<16xi32> to vector<16xi32>
        %swap3A_196 = vector.shape_cast %add3A_190 : vector<16xi32> to vector<16xi32>
        tpu.vector_store %arg9[%swap3A_193], %swap3A_196 {strides = array<i32>} : memref<8192xi32, #tpu.memory_space<vmem>>, vector<16xi32>,
        %mul3A_197 = arith.constant 8 : i32
        %mul3A_198 = arith.muli %scan3A_77, %mul3A_197 : i32
        %add3A_199 = arith.constant 5 : i32
        %add3A_200 = arith.addi %mul3A_198, %add3A_199 : i32
        %mul3A_201 = arith.constant 16 : i32
        %mul3A_202 = arith.muli %add3A_200, %mul3A_201 : i32
        %get3A_203 = arith.index_cast %mul3A_202 : i32 to index
        %get3A_204 = tpu.vector_load %arg7[%get3A_203] {strides = array<i32>} : memref<4096xi32, #tpu.memory_space<vmem>>, vector<16xi32>,
        %get3A_205 = vector.shape_cast %get3A_204 : vector<16xi32> to vector<16xi32>
        %sub3A_206 = vector.broadcast %sub3A_70 : i32 to vector<16xi32>
        %sub3A_207 = arith.subi %get3A_205, %sub3A_206 : vector<16xi32>
        %swap3A_208 = arith.index_cast %mul3A_202 : i32 to index
        %swap3A_209 = tpu.vector_load %arg9[%swap3A_208] {strides = array<i32>} : memref<8192xi32, #tpu.memory_space<vmem>>, vector<16xi32>,
        %swap3A_210 = vector.shape_cast %swap3A_209 : vector<16xi32> to vector<16xi32>
        %swap3A_211 = vector.shape_cast %sub3A_207 : vector<16xi32> to vector<16xi32>
        tpu.vector_store %arg9[%swap3A_208], %swap3A_211 {strides = array<i32>} : memref<8192xi32, #tpu.memory_space<vmem>>, vector<16xi32>,
        %add3A_212 = arith.constant 19456 : i32
        %add3A_213 = vector.broadcast %add3A_212 : i32 to vector<16xi32>
        %add3A_214 = arith.addi %sub3A_207, %add3A_213 : vector<16xi32>
        %add3A_215 = arith.constant 4096 : i32
        %add3A_216 = arith.addi %add3A_215, %mul3A_202 : i32
        %swap3A_217 = arith.index_cast %add3A_216 : i32 to index
        %swap3A_218 = tpu.vector_load %arg9[%swap3A_217] {strides = array<i32>} : memref<8192xi32, #tpu.memory_space<vmem>>, vector<16xi32>,
        %swap3A_219 = vector.shape_cast %swap3A_218 : vector<16xi32> to vector<16xi32>
        %swap3A_220 = vector.shape_cast %add3A_214 : vector<16xi32> to vector<16xi32>
        tpu.vector_store %arg9[%swap3A_217], %swap3A_220 {strides = array<i32>} : memref<8192xi32, #tpu.memory_space<vmem>>, vector<16xi32>,
        %mul3A_221 = arith.constant 8 : i32
        %mul3A_222 = arith.muli %scan3A_77, %mul3A_221 : i32
        %add3A_223 = arith.constant 6 : i32
        %add3A_224 = arith.addi %mul3A_222, %add3A_223 : i32
        %mul3A_225 = arith.constant 16 : i32
        %mul3A_226 = arith.muli %add3A_224, %mul3A_225 : i32
        %get3A_227 = arith.index_cast %mul3A_226 : i32 to index
        %get3A_228 = tpu.vector_load %arg7[%get3A_227] {strides = array<i32>} : memref<4096xi32, #tpu.memory_space<vmem>>, vector<16xi32>,
        %get3A_229 = vector.shape_cast %get3A_228 : vector<16xi32> to vector<16xi32>
        %sub3A_230 = vector.broadcast %sub3A_70 : i32 to vector<16xi32>
        %sub3A_231 = arith.subi %get3A_229, %sub3A_230 : vector<16xi32>
        %swap3A_232 = arith.index_cast %mul3A_226 : i32 to index
        %swap3A_233 = tpu.vector_load %arg9[%swap3A_232] {strides = array<i32>} : memref<8192xi32, #tpu.memory_space<vmem>>, vector<16xi32>,
        %swap3A_234 = vector.shape_cast %swap3A_233 : vector<16xi32> to vector<16xi32>
        %swap3A_235 = vector.shape_cast %sub3A_231 : vector<16xi32> to vector<16xi32>
        tpu.vector_store %arg9[%swap3A_232], %swap3A_235 {strides = array<i32>} : memref<8192xi32, #tpu.memory_space<vmem>>, vector<16xi32>,
        %add3A_236 = arith.constant 19456 : i32
        %add3A_237 = vector.broadcast %add3A_236 : i32 to vector<16xi32>
        %add3A_238 = arith.addi %sub3A_231, %add3A_237 : vector<16xi32>
        %add3A_239 = arith.constant 4096 : i32
        %add3A_240 = arith.addi %add3A_239, %mul3A_226 : i32
        %swap3A_241 = arith.index_cast %add3A_240 : i32 to index
        %swap3A_242 = tpu.vector_load %arg9[%swap3A_241] {strides = array<i32>} : memref<8192xi32, #tpu.memory_space<vmem>>, vector<16xi32>,
        %swap3A_243 = vector.shape_cast %swap3A_242 : vector<16xi32> to vector<16xi32>
        %swap3A_244 = vector.shape_cast %add3A_238 : vector<16xi32> to vector<16xi32>
        tpu.vector_store %arg9[%swap3A_241], %swap3A_244 {strides = array<i32>} : memref<8192xi32, #tpu.memory_space<vmem>>, vector<16xi32>,
        %mul3A_245 = arith.constant 8 : i32
        %mul3A_246 = arith.muli %scan3A_77, %mul3A_245 : i32
        %add3A_247 = arith.constant 7 : i32
        %add3A_248 = arith.addi %mul3A_246, %add3A_247 : i32
        %mul3A_249 = arith.constant 16 : i32
        %mul3A_250 = arith.muli %add3A_248, %mul3A_249 : i32
        %get3A_251 = arith.index_cast %mul3A_250 : i32 to index
        %get3A_252 = tpu.vector_load %arg7[%get3A_251] {strides = array<i32>} : memref<4096xi32, #tpu.memory_space<vmem>>, vector<16xi32>,
        %get3A_253 = vector.shape_cast %get3A_252 : vector<16xi32> to vector<16xi32>
        %sub3A_254 = vector.broadcast %sub3A_70 : i32 to vector<16xi32>
        %sub3A_255 = arith.subi %get3A_253, %sub3A_254 : vector<16xi32>
        %swap3A_256 = arith.index_cast %mul3A_250 : i32 to index
        %swap3A_257 = tpu.vector_load %arg9[%swap3A_256] {strides = array<i32>} : memref<8192xi32, #tpu.memory_space<vmem>>, vector<16xi32>,
        %swap3A_258 = vector.shape_cast %swap3A_257 : vector<16xi32> to vector<16xi32>
        %swap3A_259 = vector.shape_cast %sub3A_255 : vector<16xi32> to vector<16xi32>
        tpu.vector_store %arg9[%swap3A_256], %swap3A_259 {strides = array<i32>} : memref<8192xi32, #tpu.memory_space<vmem>>, vector<16xi32>,
        %add3A_260 = arith.constant 19456 : i32
        %add3A_261 = vector.broadcast %add3A_260 : i32 to vector<16xi32>
        %add3A_262 = arith.addi %sub3A_255, %add3A_261 : vector<16xi32>
        %add3A_263 = arith.constant 4096 : i32
        %add3A_264 = arith.addi %add3A_263, %mul3A_250 : i32
        %swap3A_265 = arith.index_cast %add3A_264 : i32 to index
        %swap3A_266 = tpu.vector_load %arg9[%swap3A_265] {strides = array<i32>} : memref<8192xi32, #tpu.memory_space<vmem>>, vector<16xi32>,
        %swap3A_267 = vector.shape_cast %swap3A_266 : vector<16xi32> to vector<16xi32>
        %swap3A_268 = vector.shape_cast %add3A_262 : vector<16xi32> to vector<16xi32>
        tpu.vector_store %arg9[%swap3A_265], %swap3A_268 {strides = array<i32>} : memref<8192xi32, #tpu.memory_space<vmem>>, vector<16xi32>,
      }
      %scan3A_76 = arith.constant 32 : i32
    } else {
    }
    %add3A_25 = arith.constant 4096 : i32
    %add3A_26 = arith.addi %min3A_3, %add3A_25 : i32
    %dma_start3A = tpu.memref_slice %arg4[%add3A_26] : memref<1000000xi32, #tpu.memory_space<hbm>> -> memref<4096xi32, #tpu.memory_space<hbm>>
    %dma_start3A_27 = tpu.memref_slice %arg4[%add3A_26] : memref<1000000xi32, #tpu.memory_space<hbm>> -> memref<4096xi32, #tpu.memory_space<hbm>>
    tpu.enqueue_dma source(%dma_start3A_27 : memref<4096xi32, #tpu.memory_space<hbm>>) target(%arg8 : memref<4096xi32, #tpu.memory_space<vmem>>) target_semaphore(%arg16 : memref<!tpu.dma_semaphore, #tpu.memory_space<semaphore_mem>>)
    %scan3A = arith.constant 0 : i32
    %scan3A_28 = arith.constant 4 : i32
    %scan3A_29 = arith.addi %scan3A, %scan3A_28 : i32
    %scan3A_30 = arith.constant 1 : i32
    %scan3A_31 = scf.for %scan3A_64 = %scan3A to %scan3A_29 step %scan3A_30 iter_args(%scan3A_65 = %lt3A_22) -> (i1)  : i32 {
      %mul3A_66 = arith.constant 2 : i32
      %mul3A_67 = arith.muli %scan3A_64, %mul3A_66 : i32
      %add3A_68 = arith.constant 0 : i32
      %add3A_69 = arith.addi %mul3A_67, %add3A_68 : i32
      %add3A_70 = arith.constant 1 : i32
      %add3A_71 = arith.addi %add3A_69, %add3A_70 : i32
      %lt3A_72 = arith.constant 8 : i32
      %lt3A_73 = arith.cmpi slt, %add3A_71, %lt3A_72 : i32
      %convert_element_type3A_74 = arith.extui %lt3A_73 : i1 to i32
      %cond3A_75 = arith.constant 0 : i32
      %cond3A_76 = arith.cmpi ne, %convert_element_type3A_74, %cond3A_75 : i32
      scf.if %cond3A_76 {
        %dma_wait3A_206 = arith.constant 0 : i32
        %dma_wait3A_207 = tpu.memref_slice %arg4[%dma_wait3A_206] : memref<1000000xi32, #tpu.memory_space<hbm>> -> memref<4096xi32, #tpu.memory_space<hbm>>
        %dma_wait3A_208 = arith.constant 0 : i32
        %dma_wait3A_209 = tpu.memref_slice %arg4[%dma_wait3A_208] : memref<1000000xi32, #tpu.memory_space<hbm>> -> memref<4096xi32, #tpu.memory_space<hbm>>
        tpu.wait_dma2 semaphore(%arg16 : memref<!tpu.dma_semaphore, #tpu.memory_space<semaphore_mem>>) src(%dma_wait3A_209 : memref<4096xi32, #tpu.memory_space<hbm>>) dst(%arg8 : memref<4096xi32, #tpu.memory_space<vmem>>)
      } else {
      }
      %add3A_77 = arith.constant 1 : i32
      %add3A_78 = arith.addi %add3A_69, %add3A_77 : i32
      %get3A_79 = arith.constant 0 : index
      %get3A_80 = tpu.vector_load %arg8[%get3A_79] {strides = array<i32>} : memref<4096xi32, #tpu.memory_space<vmem>>, vector<16xi32>,
      %get3A_81 = vector.shape_cast %get3A_80 : vector<16xi32> to vector<16xi32>
      %slice3A_82 = vector.extract_strided_slice %get3A_81 {offsets = [0], sizes = [1], strides = [1]} : vector<16xi32> to vector<1xi32>
      %squeeze3A_83 = vector.extract %slice3A_82[0] : i32 from vector<1xi32>
      %get3A_84 = arith.constant 4080 : index
      %get3A_85 = tpu.vector_load %arg8[%get3A_84] {strides = array<i32>} : memref<4096xi32, #tpu.memory_space<vmem>>, vector<16xi32>,
      %get3A_86 = vector.shape_cast %get3A_85 : vector<16xi32> to vector<16xi32>
      %slice3A_87 = vector.extract_strided_slice %get3A_86 {offsets = [15], sizes = [1], strides = [1]} : vector<16xi32> to vector<1xi32>
      %squeeze3A_88 = vector.extract %slice3A_87[0] : i32 from vector<1xi32>
      %shift_right_arithmetic3A_89 = arith.constant 7 : i32
      %shift_right_arithmetic3A_90 = arith.shrsi %squeeze3A_83, %shift_right_arithmetic3A_89 : i32
      %shift_left3A_91 = arith.constant 7 : i32
      %shift_left3A_92 = arith.shli %shift_right_arithmetic3A_90, %shift_left3A_91 : i32
      %min3A_93 = arith.constant 8369152 : i32
      %min3A_94 = arith.minsi %shift_left3A_92, %min3A_93 : i32
      %sub3A_95 = arith.subi %squeeze3A_88, %min3A_94 : i32
      %lt3A_96 = arith.constant 19456 : i32
      %lt3A_97 = arith.cmpi slt, %sub3A_95, %lt3A_96 : i32
      %and3A_98 = arith.andi %lt3A_97, %lt3A_73 : i1
      %convert_element_type3A_99 = arith.extui %and3A_98 : i1 to i32
      %cond3A_100 = arith.constant 0 : i32
      %cond3A_101 = arith.cmpi ne, %convert_element_type3A_99, %cond3A_100 : i32
      scf.if %cond3A_101 {
        %multiple_of3A_206 = tpu.assume_multiple %min3A_94, 128 : i32
        %dma_start3A_207 = tpu.memref_slice %arg14[%multiple_of3A] : memref<622592xf32, #tpu.memory_space<vmem_shared>> -> memref<19456xf32, #tpu.memory_space<vmem_shared>>
        %dma_start3A_208 = tpu.memref_slice %arg2[%multiple_of3A_206] : memref<8388608xf32, #tpu.memory_space<hbm>> -> memref<19456xf32, #tpu.memory_space<hbm>>
        tpu.enqueue_dma source(%dma_start3A_208 : memref<19456xf32, #tpu.memory_space<hbm>>) target(%dma_start3A_207 : memref<19456xf32, #tpu.memory_space<vmem_shared>>) target_semaphore(%arg18 : memref<!tpu.dma_semaphore, #tpu.memory_space<semaphore_mem>>)
        %multiple_of3A_209 = tpu.assume_multiple %min3A_94, 128 : i32
        %dma_start3A_210 = tpu.memref_slice %arg14[%multiple_of3A_10] : memref<622592xf32, #tpu.memory_space<vmem_shared>> -> memref<19456xf32, #tpu.memory_space<vmem_shared>>
        %dma_start3A_211 = tpu.memref_slice %arg3[%multiple_of3A_209] : memref<8388608xf32, #tpu.memory_space<hbm>> -> memref<19456xf32, #tpu.memory_space<hbm>>
        tpu.enqueue_dma source(%dma_start3A_211 : memref<19456xf32, #tpu.memory_space<hbm>>) target(%dma_start3A_210 : memref<19456xf32, #tpu.memory_space<vmem_shared>>) target_semaphore(%arg18 : memref<!tpu.dma_semaphore, #tpu.memory_space<semaphore_mem>>)
        %sub3A_212 = arith.subi %min3A_94, %mul3A_7 : i32
        %scan3A_213 = arith.constant 0 : i32
        %scan3A_214 = arith.constant 0 : i32
        %scan3A_215 = arith.constant 32 : i32
        %scan3A_216 = arith.addi %scan3A_214, %scan3A_215 : i32
        %scan3A_217 = arith.constant 1 : i32
        scf.for %scan3A_219 = %scan3A_214 to %scan3A_216 step %scan3A_217  : i32 {
          %mul3A_220 = arith.constant 8 : i32
          %mul3A_221 = arith.muli %scan3A_219, %mul3A_220 : i32
          %add3A_222 = arith.constant 0 : i32
          %add3A_223 = arith.addi %mul3A_221, %add3A_222 : i32
          %mul3A_224 = arith.constant 16 : i32
          %mul3A_225 = arith.muli %add3A_223, %mul3A_224 : i32
          %get3A_226 = arith.index_cast %mul3A_225 : i32 to index
          %get3A_227 = tpu.vector_load %arg8[%get3A_226] {strides = array<i32>} : memref<4096xi32, #tpu.memory_space<vmem>>, vector<16xi32>,
          %get3A_228 = vector.shape_cast %get3A_227 : vector<16xi32> to vector<16xi32>
          %sub3A_229 = vector.broadcast %sub3A_212 : i32 to vector<16xi32>
          %sub3A_230 = arith.subi %get3A_228, %sub3A_229 : vector<16xi32>
          %swap3A = arith.index_cast %mul3A_225 : i32 to index
          %swap3A_231 = tpu.vector_load %arg10[%swap3A] {strides = array<i32>} : memref<8192xi32, #tpu.memory_space<vmem>>, vector<16xi32>,
          %swap3A_232 = vector.shape_cast %swap3A_231 : vector<16xi32> to vector<16xi32>
          %swap3A_233 = vector.shape_cast %sub3A_230 : vector<16xi32> to vector<16xi32>
          tpu.vector_store %arg10[%swap3A], %swap3A_233 {strides = array<i32>} : memref<8192xi32, #tpu.memory_space<vmem>>, vector<16xi32>,
          %add3A_234 = arith.constant 19456 : i32
          %add3A_235 = vector.broadcast %add3A_234 : i32 to vector<16xi32>
          %add3A_236 = arith.addi %sub3A_230, %add3A_235 : vector<16xi32>
          %add3A_237 = arith.constant 4096 : i32
          %add3A_238 = arith.addi %add3A_237, %mul3A_225 : i32
          %swap3A_239 = arith.index_cast %add3A_238 : i32 to index
          %swap3A_240 = tpu.vector_load %arg10[%swap3A_239] {strides = array<i32>} : memref<8192xi32, #tpu.memory_space<vmem>>, vector<16xi32>,
          %swap3A_241 = vector.shape_cast %swap3A_240 : vector<16xi32> to vector<16xi32>
          %swap3A_242 = vector.shape_cast %add3A_236 : vector<16xi32> to vector<16xi32>
          tpu.vector_store %arg10[%swap3A_239], %swap3A_242 {strides = array<i32>} : memref<8192xi32, #tpu.memory_space<vmem>>, vector<16xi32>,
          %mul3A_243 = arith.constant 8 : i32
          %mul3A_244 = arith.muli %scan3A_219, %mul3A_243 : i32
          %add3A_245 = arith.constant 1 : i32
          %add3A_246 = arith.addi %mul3A_244, %add3A_245 : i32
          %mul3A_247 = arith.constant 16 : i32
          %mul3A_248 = arith.muli %add3A_246, %mul3A_247 : i32
          %get3A_249 = arith.index_cast %mul3A_248 : i32 to index
          %get3A_250 = tpu.vector_load %arg8[%get3A_249] {strides = array<i32>} : memref<4096xi32, #tpu.memory_space<vmem>>, vector<16xi32>,
          %get3A_251 = vector.shape_cast %get3A_250 : vector<16xi32> to vector<16xi32>
          %sub3A_252 = vector.broadcast %sub3A_212 : i32 to vector<16xi32>
          %sub3A_253 = arith.subi %get3A_251, %sub3A_252 : vector<16xi32>
          %swap3A_254 = arith.index_cast %mul3A_248 : i32 to index
          %swap3A_255 = tpu.vector_load %arg10[%swap3A_254] {strides = array<i32>} : memref<8192xi32, #tpu.memory_space<vmem>>, vector<16xi32>,
          %swap3A_256 = vector.shape_cast %swap3A_255 : vector<16xi32> to vector<16xi32>
          %swap3A_257 = vector.shape_cast %sub3A_253 : vector<16xi32> to vector<16xi32>
          tpu.vector_store %arg10[%swap3A_254], %swap3A_257 {strides = array<i32>} : memref<8192xi32, #tpu.memory_space<vmem>>, vector<16xi32>,
          %add3A_258 = arith.constant 19456 : i32
          %add3A_259 = vector.broadcast %add3A_258 : i32 to vector<16xi32>
          %add3A_260 = arith.addi %sub3A_253, %add3A_259 : vector<16xi32>
          %add3A_261 = arith.constant 4096 : i32
          %add3A_262 = arith.addi %add3A_261, %mul3A_248 : i32
          %swap3A_263 = arith.index_cast %add3A_262 : i32 to index
          %swap3A_264 = tpu.vector_load %arg10[%swap3A_263] {strides = array<i32>} : memref<8192xi32, #tpu.memory_space<vmem>>, vector<16xi32>,
          %swap3A_265 = vector.shape_cast %swap3A_264 : vector<16xi32> to vector<16xi32>
          %swap3A_266 = vector.shape_cast %add3A_260 : vector<16xi32> to vector<16xi32>
          tpu.vector_store %arg10[%swap3A_263], %swap3A_266 {strides = array<i32>} : memref<8192xi32, #tpu.memory_space<vmem>>, vector<16xi32>,
          %mul3A_267 = arith.constant 8 : i32
          %mul3A_268 = arith.muli %scan3A_219, %mul3A_267 : i32
          %add3A_269 = arith.constant 2 : i32
          %add3A_270 = arith.addi %mul3A_268, %add3A_269 : i32
          %mul3A_271 = arith.constant 16 : i32
          %mul3A_272 = arith.muli %add3A_270, %mul3A_271 : i32
          %get3A_273 = arith.index_cast %mul3A_272 : i32 to index
          %get3A_274 = tpu.vector_load %arg8[%get3A_273] {strides = array<i32>} : memref<4096xi32, #tpu.memory_space<vmem>>, vector<16xi32>,
          %get3A_275 = vector.shape_cast %get3A_274 : vector<16xi32> to vector<16xi32>
          %sub3A_276 = vector.broadcast %sub3A_212 : i32 to vector<16xi32>
          %sub3A_277 = arith.subi %get3A_275, %sub3A_276 : vector<16xi32>
          %swap3A_278 = arith.index_cast %mul3A_272 : i32 to index
          %swap3A_279 = tpu.vector_load %arg10[%swap3A_278] {strides = array<i32>} : memref<8192xi32, #tpu.memory_space<vmem>>, vector<16xi32>,
          %swap3A_280 = vector.shape_cast %swap3A_279 : vector<16xi32> to vector<16xi32>
          %swap3A_281 = vector.shape_cast %sub3A_277 : vector<16xi32> to vector<16xi32>
          tpu.vector_store %arg10[%swap3A_278], %swap3A_281 {strides = array<i32>} : memref<8192xi32, #tpu.memory_space<vmem>>, vector<16xi32>,
          %add3A_282 = arith.constant 19456 : i32
          %add3A_283 = vector.broadcast %add3A_282 : i32 to vector<16xi32>
          %add3A_284 = arith.addi %sub3A_277, %add3A_283 : vector<16xi32>
          %add3A_285 = arith.constant 4096 : i32
          %add3A_286 = arith.addi %add3A_285, %mul3A_272 : i32
          %swap3A_287 = arith.index_cast %add3A_286 : i32 to index
          %swap3A_288 = tpu.vector_load %arg10[%swap3A_287] {strides = array<i32>} : memref<8192xi32, #tpu.memory_space<vmem>>, vector<16xi32>,
          %swap3A_289 = vector.shape_cast %swap3A_288 : vector<16xi32> to vector<16xi32>
          %swap3A_290 = vector.shape_cast %add3A_284 : vector<16xi32> to vector<16xi32>
          tpu.vector_store %arg10[%swap3A_287], %swap3A_290 {strides = array<i32>} : memref<8192xi32, #tpu.memory_space<vmem>>, vector<16xi32>,
          %mul3A_291 = arith.constant 8 : i32
          %mul3A_292 = arith.muli %scan3A_219, %mul3A_291 : i32
          %add3A_293 = arith.constant 3 : i32
          %add3A_294 = arith.addi %mul3A_292, %add3A_293 : i32
          %mul3A_295 = arith.constant 16 : i32
          %mul3A_296 = arith.muli %add3A_294, %mul3A_295 : i32
          %get3A_297 = arith.index_cast %mul3A_296 : i32 to index
          %get3A_298 = tpu.vector_load %arg8[%get3A_297] {strides = array<i32>} : memref<4096xi32, #tpu.memory_space<vmem>>, vector<16xi32>,
          %get3A_299 = vector.shape_cast %get3A_298 : vector<16xi32> to vector<16xi32>
          %sub3A_300 = vector.broadcast %sub3A_212 : i32 to vector<16xi32>
          %sub3A_301 = arith.subi %get3A_299, %sub3A_300 : vector<16xi32>
          %swap3A_302 = arith.index_cast %mul3A_296 : i32 to index
          %swap3A_303 = tpu.vector_load %arg10[%swap3A_302] {strides = array<i32>} : memref<8192xi32, #tpu.memory_space<vmem>>, vector<16xi32>,
          %swap3A_304 = vector.shape_cast %swap3A_303 : vector<16xi32> to vector<16xi32>
          %swap3A_305 = vector.shape_cast %sub3A_301 : vector<16xi32> to vector<16xi32>
          tpu.vector_store %arg10[%swap3A_302], %swap3A_305 {strides = array<i32>} : memref<8192xi32, #tpu.memory_space<vmem>>, vector<16xi32>,
          %add3A_306 = arith.constant 19456 : i32
          %add3A_307 = vector.broadcast %add3A_306 : i32 to vector<16xi32>
          %add3A_308 = arith.addi %sub3A_301, %add3A_307 : vector<16xi32>
          %add3A_309 = arith.constant 4096 : i32
          %add3A_310 = arith.addi %add3A_309, %mul3A_296 : i32
          %swap3A_311 = arith.index_cast %add3A_310 : i32 to index
          %swap3A_312 = tpu.vector_load %arg10[%swap3A_311] {strides = array<i32>} : memref<8192xi32, #tpu.memory_space<vmem>>, vector<16xi32>,
          %swap3A_313 = vector.shape_cast %swap3A_312 : vector<16xi32> to vector<16xi32>
          %swap3A_314 = vector.shape_cast %add3A_308 : vector<16xi32> to vector<16xi32>
          tpu.vector_store %arg10[%swap3A_311], %swap3A_314 {strides = array<i32>} : memref<8192xi32, #tpu.memory_space<vmem>>, vector<16xi32>,
          %mul3A_315 = arith.constant 8 : i32
          %mul3A_316 = arith.muli %scan3A_219, %mul3A_315 : i32
          %add3A_317 = arith.constant 4 : i32
          %add3A_318 = arith.addi %mul3A_316, %add3A_317 : i32
          %mul3A_319 = arith.constant 16 : i32
          %mul3A_320 = arith.muli %add3A_318, %mul3A_319 : i32
          %get3A_321 = arith.index_cast %mul3A_320 : i32 to index
          %get3A_322 = tpu.vector_load %arg8[%get3A_321] {strides = array<i32>} : memref<4096xi32, #tpu.memory_space<vmem>>, vector<16xi32>,
          %get3A_323 = vector.shape_cast %get3A_322 : vector<16xi32> to vector<16xi32>
          %sub3A_324 = vector.broadcast %sub3A_212 : i32 to vector<16xi32>
          %sub3A_325 = arith.subi %get3A_323, %sub3A_324 : vector<16xi32>
          %swap3A_326 = arith.index_cast %mul3A_320 : i32 to index
          %swap3A_327 = tpu.vector_load %arg10[%swap3A_326] {strides = array<i32>} : memref<8192xi32, #tpu.memory_space<vmem>>, vector<16xi32>,
          %swap3A_328 = vector.shape_cast %swap3A_327 : vector<16xi32> to vector<16xi32>
          %swap3A_329 = vector.shape_cast %sub3A_325 : vector<16xi32> to vector<16xi32>
          tpu.vector_store %arg10[%swap3A_326], %swap3A_329 {strides = array<i32>} : memref<8192xi32, #tpu.memory_space<vmem>>, vector<16xi32>,
          %add3A_330 = arith.constant 19456 : i32
          %add3A_331 = vector.broadcast %add3A_330 : i32 to vector<16xi32>
          %add3A_332 = arith.addi %sub3A_325, %add3A_331 : vector<16xi32>
          %add3A_333 = arith.constant 4096 : i32
          %add3A_334 = arith.addi %add3A_333, %mul3A_320 : i32
          %swap3A_335 = arith.index_cast %add3A_334 : i32 to index
          %swap3A_336 = tpu.vector_load %arg10[%swap3A_335] {strides = array<i32>} : memref<8192xi32, #tpu.memory_space<vmem>>, vector<16xi32>,
          %swap3A_337 = vector.shape_cast %swap3A_336 : vector<16xi32> to vector<16xi32>
          %swap3A_338 = vector.shape_cast %add3A_332 : vector<16xi32> to vector<16xi32>
          tpu.vector_store %arg10[%swap3A_335], %swap3A_338 {strides = array<i32>} : memref<8192xi32, #tpu.memory_space<vmem>>, vector<16xi32>,
          %mul3A_339 = arith.constant 8 : i32
          %mul3A_340 = arith.muli %scan3A_219, %mul3A_339 : i32
          %add3A_341 = arith.constant 5 : i32
          %add3A_342 = arith.addi %mul3A_340, %add3A_341 : i32
          %mul3A_343 = arith.constant 16 : i32
          %mul3A_344 = arith.muli %add3A_342, %mul3A_343 : i32
          %get3A_345 = arith.index_cast %mul3A_344 : i32 to index
          %get3A_346 = tpu.vector_load %arg8[%get3A_345] {strides = array<i32>} : memref<4096xi32, #tpu.memory_space<vmem>>, vector<16xi32>,
          %get3A_347 = vector.shape_cast %get3A_346 : vector<16xi32> to vector<16xi32>
          %sub3A_348 = vector.broadcast %sub3A_212 : i32 to vector<16xi32>
          %sub3A_349 = arith.subi %get3A_347, %sub3A_348 : vector<16xi32>
          %swap3A_350 = arith.index_cast %mul3A_344 : i32 to index
          %swap3A_351 = tpu.vector_load %arg10[%swap3A_350] {strides = array<i32>} : memref<8192xi32, #tpu.memory_space<vmem>>, vector<16xi32>,
          %swap3A_352 = vector.shape_cast %swap3A_351 : vector<16xi32> to vector<16xi32>
          %swap3A_353 = vector.shape_cast %sub3A_349 : vector<16xi32> to vector<16xi32>
          tpu.vector_store %arg10[%swap3A_350], %swap3A_353 {strides = array<i32>} : memref<8192xi32, #tpu.memory_space<vmem>>, vector<16xi32>,
          %add3A_354 = arith.constant 19456 : i32
          %add3A_355 = vector.broadcast %add3A_354 : i32 to vector<16xi32>
          %add3A_356 = arith.addi %sub3A_349, %add3A_355 : vector<16xi32>
          %add3A_357 = arith.constant 4096 : i32
          %add3A_358 = arith.addi %add3A_357, %mul3A_344 : i32
          %swap3A_359 = arith.index_cast %add3A_358 : i32 to index
          %swap3A_360 = tpu.vector_load %arg10[%swap3A_359] {strides = array<i32>} : memref<8192xi32, #tpu.memory_space<vmem>>, vector<16xi32>,
          %swap3A_361 = vector.shape_cast %swap3A_360 : vector<16xi32> to vector<16xi32>
          %swap3A_362 = vector.shape_cast %add3A_356 : vector<16xi32> to vector<16xi32>
          tpu.vector_store %arg10[%swap3A_359], %swap3A_362 {strides = array<i32>} : memref<8192xi32, #tpu.memory_space<vmem>>, vector<16xi32>,
          %mul3A_363 = arith.constant 8 : i32
          %mul3A_364 = arith.muli %scan3A_219, %mul3A_363 : i32
          %add3A_365 = arith.constant 6 : i32
          %add3A_366 = arith.addi %mul3A_364, %add3A_365 : i32
          %mul3A_367 = arith.constant 16 : i32
          %mul3A_368 = arith.muli %add3A_366, %mul3A_367 : i32
          %get3A_369 = arith.index_cast %mul3A_368 : i32 to index
          %get3A_370 = tpu.vector_load %arg8[%get3A_369] {strides = array<i32>} : memref<4096xi32, #tpu.memory_space<vmem>>, vector<16xi32>,
          %get3A_371 = vector.shape_cast %get3A_370 : vector<16xi32> to vector<16xi32>
          %sub3A_372 = vector.broadcast %sub3A_212 : i32 to vector<16xi32>
          %sub3A_373 = arith.subi %get3A_371, %sub3A_372 : vector<16xi32>
          %swap3A_374 = arith.index_cast %mul3A_368 : i32 to index
          %swap3A_375 = tpu.vector_load %arg10[%swap3A_374] {strides = array<i32>} : memref<8192xi32, #tpu.memory_space<vmem>>, vector<16xi32>,
          %swap3A_376 = vector.shape_cast %swap3A_375 : vector<16xi32> to vector<16xi32>
          %swap3A_377 = vector.shape_cast %sub3A_373 : vector<16xi32> to vector<16xi32>
          tpu.vector_store %arg10[%swap3A_374], %swap3A_377 {strides = array<i32>} : memref<8192xi32, #tpu.memory_space<vmem>>, vector<16xi32>,
          %add3A_378 = arith.constant 19456 : i32
          %add3A_379 = vector.broadcast %add3A_378 : i32 to vector<16xi32>
          %add3A_380 = arith.addi %sub3A_373, %add3A_379 : vector<16xi32>
          %add3A_381 = arith.constant 4096 : i32
          %add3A_382 = arith.addi %add3A_381, %mul3A_368 : i32
          %swap3A_383 = arith.index_cast %add3A_382 : i32 to index
          %swap3A_384 = tpu.vector_load %arg10[%swap3A_383] {strides = array<i32>} : memref<8192xi32, #tpu.memory_space<vmem>>, vector<16xi32>,
          %swap3A_385 = vector.shape_cast %swap3A_384 : vector<16xi32> to vector<16xi32>
          %swap3A_386 = vector.shape_cast %add3A_380 : vector<16xi32> to vector<16xi32>
          tpu.vector_store %arg10[%swap3A_383], %swap3A_386 {strides = array<i32>} : memref<8192xi32, #tpu.memory_space<vmem>>, vector<16xi32>,
          %mul3A_387 = arith.constant 8 : i32
          %mul3A_388 = arith.muli %scan3A_219, %mul3A_387 : i32
          %add3A_389 = arith.constant 7 : i32
          %add3A_390 = arith.addi %mul3A_388, %add3A_389 : i32
          %mul3A_391 = arith.constant 16 : i32
          %mul3A_392 = arith.muli %add3A_390, %mul3A_391 : i32
          %get3A_393 = arith.index_cast %mul3A_392 : i32 to index
          %get3A_394 = tpu.vector_load %arg8[%get3A_393] {strides = array<i32>} : memref<4096xi32, #tpu.memory_space<vmem>>, vector<16xi32>,
          %get3A_395 = vector.shape_cast %get3A_394 : vector<16xi32> to vector<16xi32>
          %sub3A_396 = vector.broadcast %sub3A_212 : i32 to vector<16xi32>
          %sub3A_397 = arith.subi %get3A_395, %sub3A_396 : vector<16xi32>
          %swap3A_398 = arith.index_cast %mul3A_392 : i32 to index
          %swap3A_399 = tpu.vector_load %arg10[%swap3A_398] {strides = array<i32>} : memref<8192xi32, #tpu.memory_space<vmem>>, vector<16xi32>,
          %swap3A_400 = vector.shape_cast %swap3A_399 : vector<16xi32> to vector<16xi32>
          %swap3A_401 = vector.shape_cast %sub3A_397 : vector<16xi32> to vector<16xi32>
          tpu.vector_store %arg10[%swap3A_398], %swap3A_401 {strides = array<i32>} : memref<8192xi32, #tpu.memory_space<vmem>>, vector<16xi32>,
          %add3A_402 = arith.constant 19456 : i32
          %add3A_403 = vector.broadcast %add3A_402 : i32 to vector<16xi32>
          %add3A_404 = arith.addi %sub3A_397, %add3A_403 : vector<16xi32>
          %add3A_405 = arith.constant 4096 : i32
          %add3A_406 = arith.addi %add3A_405, %mul3A_392 : i32
          %swap3A_407 = arith.index_cast %add3A_406 : i32 to index
          %swap3A_408 = tpu.vector_load %arg10[%swap3A_407] {strides = array<i32>} : memref<8192xi32, #tpu.memory_space<vmem>>, vector<16xi32>,
          %swap3A_409 = vector.shape_cast %swap3A_408 : vector<16xi32> to vector<16xi32>
          %swap3A_410 = vector.shape_cast %add3A_404 : vector<16xi32> to vector<16xi32>
          tpu.vector_store %arg10[%swap3A_407], %swap3A_410 {strides = array<i32>} : memref<8192xi32, #tpu.memory_space<vmem>>, vector<16xi32>,
        }
        %scan3A_218 = arith.constant 32 : i32
      } else {
      }
      %ge3A = arith.constant 2 : i32
      %ge3A_102 = arith.cmpi sge, %add3A_69, %ge3A : i32
      %convert_element_type3A_103 = arith.extui %ge3A_102 : i1 to i32
      %cond3A_104 = arith.constant 0 : i32
      %cond3A_105 = arith.cmpi ne, %convert_element_type3A_103, %cond3A_104 : i32
      scf.if %cond3A_105 {
        %dma_wait3A_206 = arith.constant 0 : i32
        %dma_wait3A_207 = tpu.memref_slice %arg11[%dma_wait3A_206] : memref<8192xf32, #tpu.memory_space<vmem>> -> memref<4096xf32, #tpu.memory_space<vmem>>
        %dma_wait3A_208 = arith.constant 0 : i32
        %dma_wait3A_209 = tpu.memref_slice %arg5[%dma_wait3A_208] : memref<1000000xf32, #tpu.memory_space<hbm>> -> memref<4096xf32, #tpu.memory_space<hbm>>
        %dma_wait3A_210 = arith.constant 0 : i32
        %dma_wait3A_211 = tpu.memref_slice %arg5[%dma_wait3A_210] : memref<1000000xf32, #tpu.memory_space<hbm>> -> memref<4096xf32, #tpu.memory_space<hbm>>
        %dma_wait3A_212 = arith.constant 0 : i32
        %dma_wait3A_213 = tpu.memref_slice %arg11[%dma_wait3A_212] : memref<8192xf32, #tpu.memory_space<vmem>> -> memref<4096xf32, #tpu.memory_space<vmem>>
        tpu.wait_dma2 semaphore(%arg20 : memref<!tpu.dma_semaphore, #tpu.memory_space<semaphore_mem>>) src(%dma_wait3A_213 : memref<4096xf32, #tpu.memory_space<vmem>>) dst(%dma_wait3A_211 : memref<4096xf32, #tpu.memory_space<hbm>>)
        %dma_wait3A_214 = arith.constant 4096 : i32
        %dma_wait3A_215 = tpu.memref_slice %arg11[%dma_wait3A_214] : memref<8192xf32, #tpu.memory_space<vmem>> -> memref<4096xf32, #tpu.memory_space<vmem>>
        %dma_wait3A_216 = arith.constant 0 : i32
        %dma_wait3A_217 = tpu.memref_slice %arg6[%dma_wait3A_216] : memref<1000000xf32, #tpu.memory_space<hbm>> -> memref<4096xf32, #tpu.memory_space<hbm>>
        %dma_wait3A_218 = arith.constant 0 : i32
        %dma_wait3A_219 = tpu.memref_slice %arg6[%dma_wait3A_218] : memref<1000000xf32, #tpu.memory_space<hbm>> -> memref<4096xf32, #tpu.memory_space<hbm>>
        %dma_wait3A_220 = arith.constant 4096 : i32
        %dma_wait3A_221 = tpu.memref_slice %arg11[%dma_wait3A_220] : memref<8192xf32, #tpu.memory_space<vmem>> -> memref<4096xf32, #tpu.memory_space<vmem>>
        tpu.wait_dma2 semaphore(%arg22 : memref<!tpu.dma_semaphore, #tpu.memory_space<semaphore_mem>>) src(%dma_wait3A_221 : memref<4096xf32, #tpu.memory_space<vmem>>) dst(%dma_wait3A_219 : memref<4096xf32, #tpu.memory_space<hbm>>)
      } else {
      }
      %convert_element_type3A_106 = arith.extui %scan3A_65 : i1 to i32
      %cond3A_107 = arith.constant 0 : i32
      %cond3A_108 = arith.cmpi ne, %convert_element_type3A_106, %cond3A_107 : i32
      scf.if %cond3A_108 {
        %dma_wait3A_206 = tpu.memref_slice %arg13[%multiple_of3A] : memref<622592xf32, #tpu.memory_space<vmem_shared>> -> memref<19456xf32, #tpu.memory_space<vmem_shared>>
        %dma_wait3A_207 = arith.constant 0 : i32
        %dma_wait3A_208 = tpu.memref_slice %arg2[%dma_wait3A_207] : memref<8388608xf32, #tpu.memory_space<hbm>> -> memref<19456xf32, #tpu.memory_space<hbm>>
        tpu.wait_dma2 semaphore(%arg17 : memref<!tpu.dma_semaphore, #tpu.memory_space<semaphore_mem>>) src(%dma_wait3A_208 : memref<19456xf32, #tpu.memory_space<hbm>>) dst(%dma_wait3A_206 : memref<19456xf32, #tpu.memory_space<vmem_shared>>)
        %dma_wait3A_209 = tpu.memref_slice %arg13[%multiple_of3A_10] : memref<622592xf32, #tpu.memory_space<vmem_shared>> -> memref<19456xf32, #tpu.memory_space<vmem_shared>>
        %dma_wait3A_210 = arith.constant 0 : i32
        %dma_wait3A_211 = tpu.memref_slice %arg3[%dma_wait3A_210] : memref<8388608xf32, #tpu.memory_space<hbm>> -> memref<19456xf32, #tpu.memory_space<hbm>>
        tpu.wait_dma2 semaphore(%arg17 : memref<!tpu.dma_semaphore, #tpu.memory_space<semaphore_mem>>) src(%dma_wait3A_211 : memref<19456xf32, #tpu.memory_space<hbm>>) dst(%dma_wait3A_209 : memref<19456xf32, #tpu.memory_space<vmem_shared>>)
        %dma_start3A_212 = arith.constant 0 : i32
        %dma_start3A_213 = tpu.memref_slice %arg13[%dma_start3A_212] : memref<622592xf32, #tpu.memory_space<vmem_shared>> -> memref<622592xf32, #tpu.memory_space<vmem_shared>>
        tpu.enqueue_indirect_dma source(%dma_start3A_213 : memref<622592xf32, #tpu.memory_space<vmem_shared>>) target(%arg11 : memref<8192xf32, #tpu.memory_space<vmem>>) offsets(%arg9 : memref<8192xi32, #tpu.memory_space<vmem>>) semaphore(%arg19 : memref<!tpu.dma_semaphore, #tpu.memory_space<semaphore_mem>>)
        %dma_wait3A_214 = arith.constant 0 : i32
        %dma_wait3A_215 = tpu.memref_slice %arg13[%dma_wait3A_214] : memref<622592xf32, #tpu.memory_space<vmem_shared>> -> memref<622592xf32, #tpu.memory_space<vmem_shared>>
        tpu.wait_indirect_dma semaphore(%arg19 : memref<!tpu.dma_semaphore, #tpu.memory_space<semaphore_mem>>) src(%dma_wait3A_215 : memref<622592xf32, #tpu.memory_space<vmem_shared>>) dst(%arg11 : memref<8192xf32, #tpu.memory_space<vmem>>)
      } else {
      }
      %not3A = arith.constant true
      %not3A_109 = arith.xori %scan3A_65, %not3A : i1
      %convert_element_type3A_110 = arith.extui %not3A_109 : i1 to i32
      %cond3A_111 = arith.constant 0 : i32
      %cond3A_112 = arith.cmpi ne, %convert_element_type3A_110, %cond3A_111 : i32
      scf.if %cond3A_112 {
        %dma_start3A_206 = arith.constant 0 : i32
        %dma_start3A_207 = tpu.memref_slice %arg11[%dma_start3A_206] : memref<8192xf32, #tpu.memory_space<vmem>> -> memref<4096xf32, #tpu.memory_space<vmem>>
        %dma_start3A_208 = arith.constant 0 : i32
        %dma_start3A_209 = tpu.memref_slice %arg2[%dma_start3A_208] : memref<8388608xf32, #tpu.memory_space<hbm>> -> memref<8388608xf32, #tpu.memory_space<hbm>>
        tpu.enqueue_indirect_dma source(%dma_start3A_209 : memref<8388608xf32, #tpu.memory_space<hbm>>) target(%dma_start3A_207 : memref<4096xf32, #tpu.memory_space<vmem>>) offsets(%arg7 : memref<4096xi32, #tpu.memory_space<vmem>>) semaphore(%arg19 : memref<!tpu.dma_semaphore, #tpu.memory_space<semaphore_mem>>)
        %dma_start3A_210 = arith.constant 4096 : i32
        %dma_start3A_211 = tpu.memref_slice %arg11[%dma_start3A_210] : memref<8192xf32, #tpu.memory_space<vmem>> -> memref<4096xf32, #tpu.memory_space<vmem>>
        %dma_start3A_212 = arith.constant 0 : i32
        %dma_start3A_213 = tpu.memref_slice %arg3[%dma_start3A_212] : memref<8388608xf32, #tpu.memory_space<hbm>> -> memref<8388608xf32, #tpu.memory_space<hbm>>
        tpu.enqueue_indirect_dma source(%dma_start3A_213 : memref<8388608xf32, #tpu.memory_space<hbm>>) target(%dma_start3A_211 : memref<4096xf32, #tpu.memory_space<vmem>>) offsets(%arg7 : memref<4096xi32, #tpu.memory_space<vmem>>) semaphore(%arg19 : memref<!tpu.dma_semaphore, #tpu.memory_space<semaphore_mem>>)
        %dma_wait3A_214 = arith.constant 0 : i32
        %dma_wait3A_215 = tpu.memref_slice %arg11[%dma_wait3A_214] : memref<8192xf32, #tpu.memory_space<vmem>> -> memref<4096xf32, #tpu.memory_space<vmem>>
        %dma_wait3A_216 = arith.constant 0 : i32
        %dma_wait3A_217 = tpu.memref_slice %arg2[%dma_wait3A_216] : memref<8388608xf32, #tpu.memory_space<hbm>> -> memref<8388608xf32, #tpu.memory_space<hbm>>
        tpu.wait_indirect_dma semaphore(%arg19 : memref<!tpu.dma_semaphore, #tpu.memory_space<semaphore_mem>>) src(%dma_wait3A_217 : memref<8388608xf32, #tpu.memory_space<hbm>>) dst(%dma_wait3A_215 : memref<4096xf32, #tpu.memory_space<vmem>>)
        %dma_wait3A_218 = arith.constant 4096 : i32
        %dma_wait3A_219 = tpu.memref_slice %arg11[%dma_wait3A_218] : memref<8192xf32, #tpu.memory_space<vmem>> -> memref<4096xf32, #tpu.memory_space<vmem>>
        %dma_wait3A_220 = arith.constant 0 : i32
        %dma_wait3A_221 = tpu.memref_slice %arg3[%dma_wait3A_220] : memref<8388608xf32, #tpu.memory_space<hbm>> -> memref<8388608xf32, #tpu.memory_space<hbm>>
        tpu.wait_indirect_dma semaphore(%arg19 : memref<!tpu.dma_semaphore, #tpu.memory_space<semaphore_mem>>) src(%dma_wait3A_221 : memref<8388608xf32, #tpu.memory_space<hbm>>) dst(%dma_wait3A_219 : memref<4096xf32, #tpu.memory_space<vmem>>)
      } else {
      }
      %mul3A_113 = arith.constant 4096 : i32
      %mul3A_114 = arith.muli %add3A_69, %mul3A_113 : i32
      %add3A_115 = arith.addi %min3A_3, %mul3A_114 : i32
      %dma_start3A_116 = arith.constant 0 : i32
      %dma_start3A_117 = tpu.memref_slice %arg11[%dma_start3A_116] : memref<8192xf32, #tpu.memory_space<vmem>> -> memref<4096xf32, #tpu.memory_space<vmem>>
      %dma_start3A_118 = tpu.memref_slice %arg5[%add3A_115] : memref<1000000xf32, #tpu.memory_space<hbm>> -> memref<4096xf32, #tpu.memory_space<hbm>>
      %dma_start3A_119 = tpu.memref_slice %arg5[%add3A_115] : memref<1000000xf32, #tpu.memory_space<hbm>> -> memref<4096xf32, #tpu.memory_space<hbm>>
      %dma_start3A_120 = arith.constant 0 : i32
      %dma_start3A_121 = tpu.memref_slice %arg11[%dma_start3A_120] : memref<8192xf32, #tpu.memory_space<vmem>> -> memref<4096xf32, #tpu.memory_space<vmem>>
      tpu.enqueue_dma source(%dma_start3A_121 : memref<4096xf32, #tpu.memory_space<vmem>>) target(%dma_start3A_119 : memref<4096xf32, #tpu.memory_space<hbm>>) target_semaphore(%arg20 : memref<!tpu.dma_semaphore, #tpu.memory_space<semaphore_mem>>)
      %dma_start3A_122 = arith.constant 4096 : i32
      %dma_start3A_123 = tpu.memref_slice %arg11[%dma_start3A_122] : memref<8192xf32, #tpu.memory_space<vmem>> -> memref<4096xf32, #tpu.memory_space<vmem>>
      %dma_start3A_124 = tpu.memref_slice %arg6[%add3A_115] : memref<1000000xf32, #tpu.memory_space<hbm>> -> memref<4096xf32, #tpu.memory_space<hbm>>
      %dma_start3A_125 = tpu.memref_slice %arg6[%add3A_115] : memref<1000000xf32, #tpu.memory_space<hbm>> -> memref<4096xf32, #tpu.memory_space<hbm>>
      %dma_start3A_126 = arith.constant 4096 : i32
      %dma_start3A_127 = tpu.memref_slice %arg11[%dma_start3A_126] : memref<8192xf32, #tpu.memory_space<vmem>> -> memref<4096xf32, #tpu.memory_space<vmem>>
      tpu.enqueue_dma source(%dma_start3A_127 : memref<4096xf32, #tpu.memory_space<vmem>>) target(%dma_start3A_125 : memref<4096xf32, #tpu.memory_space<hbm>>) target_semaphore(%arg22 : memref<!tpu.dma_semaphore, #tpu.memory_space<semaphore_mem>>)
      %add3A_128 = arith.constant 2 : i32
      %add3A_129 = arith.addi %add3A_69, %add3A_128 : i32
      %lt3A_130 = arith.constant 8 : i32
      %lt3A_131 = arith.cmpi slt, %add3A_129, %lt3A_130 : i32
      %convert_element_type3A_132 = arith.extui %lt3A_131 : i1 to i32
      %cond3A_133 = arith.constant 0 : i32
      %cond3A_134 = arith.cmpi ne, %convert_element_type3A_132, %cond3A_133 : i32
      scf.if %cond3A_134 {
        %add3A_206 = arith.constant 2 : i32
        %add3A_207 = arith.addi %add3A_69, %add3A_206 : i32
        %mul3A_208 = arith.constant 4096 : i32
        %mul3A_209 = arith.muli %add3A_207, %mul3A_208 : i32
        %add3A_210 = arith.addi %min3A_3, %mul3A_209 : i32
        %dma_start3A_211 = tpu.memref_slice %arg4[%add3A_210] : memref<1000000xi32, #tpu.memory_space<hbm>> -> memref<4096xi32, #tpu.memory_space<hbm>>
        %dma_start3A_212 = tpu.memref_slice %arg4[%add3A_210] : memref<1000000xi32, #tpu.memory_space<hbm>> -> memref<4096xi32, #tpu.memory_space<hbm>>
        tpu.enqueue_dma source(%dma_start3A_212 : memref<4096xi32, #tpu.memory_space<hbm>>) target(%arg7 : memref<4096xi32, #tpu.memory_space<vmem>>) target_semaphore(%arg15 : memref<!tpu.dma_semaphore, #tpu.memory_space<semaphore_mem>>)
      } else {
      }
      %mul3A_135 = arith.constant 2 : i32
      %mul3A_136 = arith.muli %scan3A_64, %mul3A_135 : i32
      %add3A_137 = arith.constant 1 : i32
      %add3A_138 = arith.addi %mul3A_136, %add3A_137 : i32
      %add3A_139 = arith.constant 1 : i32
      %add3A_140 = arith.addi %add3A_138, %add3A_139 : i32
      %lt3A_141 = arith.constant 8 : i32
      %lt3A_142 = arith.cmpi slt, %add3A_140, %lt3A_141 : i32
      %convert_element_type3A_143 = arith.extui %lt3A_142 : i1 to i32
      %cond3A_144 = arith.constant 0 : i32
      %cond3A_145 = arith.cmpi ne, %convert_element_type3A_143, %cond3A_144 : i32
      scf.if %cond3A_145 {
        %dma_wait3A_206 = arith.constant 0 : i32
        %dma_wait3A_207 = tpu.memref_slice %arg4[%dma_wait3A_206] : memref<1000000xi32, #tpu.memory_space<hbm>> -> memref<4096xi32, #tpu.memory_space<hbm>>
        %dma_wait3A_208 = arith.constant 0 : i32
        %dma_wait3A_209 = tpu.memref_slice %arg4[%dma_wait3A_208] : memref<1000000xi32, #tpu.memory_space<hbm>> -> memref<4096xi32, #tpu.memory_space<hbm>>
        tpu.wait_dma2 semaphore(%arg15 : memref<!tpu.dma_semaphore, #tpu.memory_space<semaphore_mem>>) src(%dma_wait3A_209 : memref<4096xi32, #tpu.memory_space<hbm>>) dst(%arg7 : memref<4096xi32, #tpu.memory_space<vmem>>)
      } else {
      }
      %add3A_146 = arith.constant 1 : i32
      %add3A_147 = arith.addi %add3A_138, %add3A_146 : i32
      %get3A_148 = arith.constant 0 : index
      %get3A_149 = tpu.vector_load %arg7[%get3A_148] {strides = array<i32>} : memref<4096xi32, #tpu.memory_space<vmem>>, vector<16xi32>,
      %get3A_150 = vector.shape_cast %get3A_149 : vector<16xi32> to vector<16xi32>
      %slice3A_151 = vector.extract_strided_slice %get3A_150 {offsets = [0], sizes = [1], strides = [1]} : vector<16xi32> to vector<1xi32>
      %squeeze3A_152 = vector.extract %slice3A_151[0] : i32 from vector<1xi32>
      %get3A_153 = arith.constant 4080 : index
      %get3A_154 = tpu.vector_load %arg7[%get3A_153] {strides = array<i32>} : memref<4096xi32, #tpu.memory_space<vmem>>, vector<16xi32>,
      %get3A_155 = vector.shape_cast %get3A_154 : vector<16xi32> to vector<16xi32>
      %slice3A_156 = vector.extract_strided_slice %get3A_155 {offsets = [15], sizes = [1], strides = [1]} : vector<16xi32> to vector<1xi32>
      %squeeze3A_157 = vector.extract %slice3A_156[0] : i32 from vector<1xi32>
      %shift_right_arithmetic3A_158 = arith.constant 7 : i32
      %shift_right_arithmetic3A_159 = arith.shrsi %squeeze3A_152, %shift_right_arithmetic3A_158 : i32
      %shift_left3A_160 = arith.constant 7 : i32
      %shift_left3A_161 = arith.shli %shift_right_arithmetic3A_159, %shift_left3A_160 : i32
      %min3A_162 = arith.constant 8369152 : i32
      %min3A_163 = arith.minsi %shift_left3A_161, %min3A_162 : i32
      %sub3A_164 = arith.subi %squeeze3A_157, %min3A_163 : i32
      %lt3A_165 = arith.constant 19456 : i32
      %lt3A_166 = arith.cmpi slt, %sub3A_164, %lt3A_165 : i32
      %and3A_167 = arith.andi %lt3A_166, %lt3A_142 : i1
      %convert_element_type3A_168 = arith.extui %and3A_167 : i1 to i32
      %cond3A_169 = arith.constant 0 : i32
      %cond3A_170 = arith.cmpi ne, %convert_element_type3A_168, %cond3A_169 : i32
      scf.if %cond3A_170 {
        %multiple_of3A_206 = tpu.assume_multiple %min3A_163, 128 : i32
        %dma_start3A_207 = tpu.memref_slice %arg13[%multiple_of3A] : memref<622592xf32, #tpu.memory_space<vmem_shared>> -> memref<19456xf32, #tpu.memory_space<vmem_shared>>
        %dma_start3A_208 = tpu.memref_slice %arg2[%multiple_of3A_206] : memref<8388608xf32, #tpu.memory_space<hbm>> -> memref<19456xf32, #tpu.memory_space<hbm>>
        tpu.enqueue_dma source(%dma_start3A_208 : memref<19456xf32, #tpu.memory_space<hbm>>) target(%dma_start3A_207 : memref<19456xf32, #tpu.memory_space<vmem_shared>>) target_semaphore(%arg17 : memref<!tpu.dma_semaphore, #tpu.memory_space<semaphore_mem>>)
        %multiple_of3A_209 = tpu.assume_multiple %min3A_163, 128 : i32
        %dma_start3A_210 = tpu.memref_slice %arg13[%multiple_of3A_10] : memref<622592xf32, #tpu.memory_space<vmem_shared>> -> memref<19456xf32, #tpu.memory_space<vmem_shared>>
        %dma_start3A_211 = tpu.memref_slice %arg3[%multiple_of3A_209] : memref<8388608xf32, #tpu.memory_space<hbm>> -> memref<19456xf32, #tpu.memory_space<hbm>>
        tpu.enqueue_dma source(%dma_start3A_211 : memref<19456xf32, #tpu.memory_space<hbm>>) target(%dma_start3A_210 : memref<19456xf32, #tpu.memory_space<vmem_shared>>) target_semaphore(%arg17 : memref<!tpu.dma_semaphore, #tpu.memory_space<semaphore_mem>>)
        %sub3A_212 = arith.subi %min3A_163, %mul3A_7 : i32
        %scan3A_213 = arith.constant 0 : i32
        %scan3A_214 = arith.constant 0 : i32
        %scan3A_215 = arith.constant 32 : i32
        %scan3A_216 = arith.addi %scan3A_214, %scan3A_215 : i32
        %scan3A_217 = arith.constant 1 : i32
        scf.for %scan3A_219 = %scan3A_214 to %scan3A_216 step %scan3A_217  : i32 {
          %mul3A_220 = arith.constant 8 : i32
          %mul3A_221 = arith.muli %scan3A_219, %mul3A_220 : i32
          %add3A_222 = arith.constant 0 : i32
          %add3A_223 = arith.addi %mul3A_221, %add3A_222 : i32
          %mul3A_224 = arith.constant 16 : i32
          %mul3A_225 = arith.muli %add3A_223, %mul3A_224 : i32
          %get3A_226 = arith.index_cast %mul3A_225 : i32 to index
          %get3A_227 = tpu.vector_load %arg7[%get3A_226] {strides = array<i32>} : memref<4096xi32, #tpu.memory_space<vmem>>, vector<16xi32>,
          %get3A_228 = vector.shape_cast %get3A_227 : vector<16xi32> to vector<16xi32>
          %sub3A_229 = vector.broadcast %sub3A_212 : i32 to vector<16xi32>
          %sub3A_230 = arith.subi %get3A_228, %sub3A_229 : vector<16xi32>
          %swap3A = arith.index_cast %mul3A_225 : i32 to index
          %swap3A_231 = tpu.vector_load %arg9[%swap3A] {strides = array<i32>} : memref<8192xi32, #tpu.memory_space<vmem>>, vector<16xi32>,
          %swap3A_232 = vector.shape_cast %swap3A_231 : vector<16xi32> to vector<16xi32>
          %swap3A_233 = vector.shape_cast %sub3A_230 : vector<16xi32> to vector<16xi32>
          tpu.vector_store %arg9[%swap3A], %swap3A_233 {strides = array<i32>} : memref<8192xi32, #tpu.memory_space<vmem>>, vector<16xi32>,
          %add3A_234 = arith.constant 19456 : i32
          %add3A_235 = vector.broadcast %add3A_234 : i32 to vector<16xi32>
          %add3A_236 = arith.addi %sub3A_230, %add3A_235 : vector<16xi32>
          %add3A_237 = arith.constant 4096 : i32
          %add3A_238 = arith.addi %add3A_237, %mul3A_225 : i32
          %swap3A_239 = arith.index_cast %add3A_238 : i32 to index
          %swap3A_240 = tpu.vector_load %arg9[%swap3A_239] {strides = array<i32>} : memref<8192xi32, #tpu.memory_space<vmem>>, vector<16xi32>,
          %swap3A_241 = vector.shape_cast %swap3A_240 : vector<16xi32> to vector<16xi32>
          %swap3A_242 = vector.shape_cast %add3A_236 : vector<16xi32> to vector<16xi32>
          tpu.vector_store %arg9[%swap3A_239], %swap3A_242 {strides = array<i32>} : memref<8192xi32, #tpu.memory_space<vmem>>, vector<16xi32>,
          %mul3A_243 = arith.constant 8 : i32
          %mul3A_244 = arith.muli %scan3A_219, %mul3A_243 : i32
          %add3A_245 = arith.constant 1 : i32
          %add3A_246 = arith.addi %mul3A_244, %add3A_245 : i32
          %mul3A_247 = arith.constant 16 : i32
          %mul3A_248 = arith.muli %add3A_246, %mul3A_247 : i32
          %get3A_249 = arith.index_cast %mul3A_248 : i32 to index
          %get3A_250 = tpu.vector_load %arg7[%get3A_249] {strides = array<i32>} : memref<4096xi32, #tpu.memory_space<vmem>>, vector<16xi32>,
          %get3A_251 = vector.shape_cast %get3A_250 : vector<16xi32> to vector<16xi32>
          %sub3A_252 = vector.broadcast %sub3A_212 : i32 to vector<16xi32>
          %sub3A_253 = arith.subi %get3A_251, %sub3A_252 : vector<16xi32>
          %swap3A_254 = arith.index_cast %mul3A_248 : i32 to index
          %swap3A_255 = tpu.vector_load %arg9[%swap3A_254] {strides = array<i32>} : memref<8192xi32, #tpu.memory_space<vmem>>, vector<16xi32>,
          %swap3A_256 = vector.shape_cast %swap3A_255 : vector<16xi32> to vector<16xi32>
          %swap3A_257 = vector.shape_cast %sub3A_253 : vector<16xi32> to vector<16xi32>
          tpu.vector_store %arg9[%swap3A_254], %swap3A_257 {strides = array<i32>} : memref<8192xi32, #tpu.memory_space<vmem>>, vector<16xi32>,
          %add3A_258 = arith.constant 19456 : i32
          %add3A_259 = vector.broadcast %add3A_258 : i32 to vector<16xi32>
          %add3A_260 = arith.addi %sub3A_253, %add3A_259 : vector<16xi32>
          %add3A_261 = arith.constant 4096 : i32
          %add3A_262 = arith.addi %add3A_261, %mul3A_248 : i32
          %swap3A_263 = arith.index_cast %add3A_262 : i32 to index
          %swap3A_264 = tpu.vector_load %arg9[%swap3A_263] {strides = array<i32>} : memref<8192xi32, #tpu.memory_space<vmem>>, vector<16xi32>,
          %swap3A_265 = vector.shape_cast %swap3A_264 : vector<16xi32> to vector<16xi32>
          %swap3A_266 = vector.shape_cast %add3A_260 : vector<16xi32> to vector<16xi32>
          tpu.vector_store %arg9[%swap3A_263], %swap3A_266 {strides = array<i32>} : memref<8192xi32, #tpu.memory_space<vmem>>, vector<16xi32>,
          %mul3A_267 = arith.constant 8 : i32
          %mul3A_268 = arith.muli %scan3A_219, %mul3A_267 : i32
          %add3A_269 = arith.constant 2 : i32
          %add3A_270 = arith.addi %mul3A_268, %add3A_269 : i32
          %mul3A_271 = arith.constant 16 : i32
          %mul3A_272 = arith.muli %add3A_270, %mul3A_271 : i32
          %get3A_273 = arith.index_cast %mul3A_272 : i32 to index
          %get3A_274 = tpu.vector_load %arg7[%get3A_273] {strides = array<i32>} : memref<4096xi32, #tpu.memory_space<vmem>>, vector<16xi32>,
          %get3A_275 = vector.shape_cast %get3A_274 : vector<16xi32> to vector<16xi32>
          %sub3A_276 = vector.broadcast %sub3A_212 : i32 to vector<16xi32>
          %sub3A_277 = arith.subi %get3A_275, %sub3A_276 : vector<16xi32>
          %swap3A_278 = arith.index_cast %mul3A_272 : i32 to index
          %swap3A_279 = tpu.vector_load %arg9[%swap3A_278] {strides = array<i32>} : memref<8192xi32, #tpu.memory_space<vmem>>, vector<16xi32>,
          %swap3A_280 = vector.shape_cast %swap3A_279 : vector<16xi32> to vector<16xi32>
          %swap3A_281 = vector.shape_cast %sub3A_277 : vector<16xi32> to vector<16xi32>
          tpu.vector_store %arg9[%swap3A_278], %swap3A_281 {strides = array<i32>} : memref<8192xi32, #tpu.memory_space<vmem>>, vector<16xi32>,
          %add3A_282 = arith.constant 19456 : i32
          %add3A_283 = vector.broadcast %add3A_282 : i32 to vector<16xi32>
          %add3A_284 = arith.addi %sub3A_277, %add3A_283 : vector<16xi32>
          %add3A_285 = arith.constant 4096 : i32
          %add3A_286 = arith.addi %add3A_285, %mul3A_272 : i32
          %swap3A_287 = arith.index_cast %add3A_286 : i32 to index
          %swap3A_288 = tpu.vector_load %arg9[%swap3A_287] {strides = array<i32>} : memref<8192xi32, #tpu.memory_space<vmem>>, vector<16xi32>,
          %swap3A_289 = vector.shape_cast %swap3A_288 : vector<16xi32> to vector<16xi32>
          %swap3A_290 = vector.shape_cast %add3A_284 : vector<16xi32> to vector<16xi32>
          tpu.vector_store %arg9[%swap3A_287], %swap3A_290 {strides = array<i32>} : memref<8192xi32, #tpu.memory_space<vmem>>, vector<16xi32>,
          %mul3A_291 = arith.constant 8 : i32
          %mul3A_292 = arith.muli %scan3A_219, %mul3A_291 : i32
          %add3A_293 = arith.constant 3 : i32
          %add3A_294 = arith.addi %mul3A_292, %add3A_293 : i32
          %mul3A_295 = arith.constant 16 : i32
          %mul3A_296 = arith.muli %add3A_294, %mul3A_295 : i32
          %get3A_297 = arith.index_cast %mul3A_296 : i32 to index
          %get3A_298 = tpu.vector_load %arg7[%get3A_297] {strides = array<i32>} : memref<4096xi32, #tpu.memory_space<vmem>>, vector<16xi32>,
          %get3A_299 = vector.shape_cast %get3A_298 : vector<16xi32> to vector<16xi32>
          %sub3A_300 = vector.broadcast %sub3A_212 : i32 to vector<16xi32>
          %sub3A_301 = arith.subi %get3A_299, %sub3A_300 : vector<16xi32>
          %swap3A_302 = arith.index_cast %mul3A_296 : i32 to index
          %swap3A_303 = tpu.vector_load %arg9[%swap3A_302] {strides = array<i32>} : memref<8192xi32, #tpu.memory_space<vmem>>, vector<16xi32>,
          %swap3A_304 = vector.shape_cast %swap3A_303 : vector<16xi32> to vector<16xi32>
          %swap3A_305 = vector.shape_cast %sub3A_301 : vector<16xi32> to vector<16xi32>
          tpu.vector_store %arg9[%swap3A_302], %swap3A_305 {strides = array<i32>} : memref<8192xi32, #tpu.memory_space<vmem>>, vector<16xi32>,
          %add3A_306 = arith.constant 19456 : i32
          %add3A_307 = vector.broadcast %add3A_306 : i32 to vector<16xi32>
          %add3A_308 = arith.addi %sub3A_301, %add3A_307 : vector<16xi32>
          %add3A_309 = arith.constant 4096 : i32
          %add3A_310 = arith.addi %add3A_309, %mul3A_296 : i32
          %swap3A_311 = arith.index_cast %add3A_310 : i32 to index
          %swap3A_312 = tpu.vector_load %arg9[%swap3A_311] {strides = array<i32>} : memref<8192xi32, #tpu.memory_space<vmem>>, vector<16xi32>,
          %swap3A_313 = vector.shape_cast %swap3A_312 : vector<16xi32> to vector<16xi32>
          %swap3A_314 = vector.shape_cast %add3A_308 : vector<16xi32> to vector<16xi32>
          tpu.vector_store %arg9[%swap3A_311], %swap3A_314 {strides = array<i32>} : memref<8192xi32, #tpu.memory_space<vmem>>, vector<16xi32>,
          %mul3A_315 = arith.constant 8 : i32
          %mul3A_316 = arith.muli %scan3A_219, %mul3A_315 : i32
          %add3A_317 = arith.constant 4 : i32
          %add3A_318 = arith.addi %mul3A_316, %add3A_317 : i32
          %mul3A_319 = arith.constant 16 : i32
          %mul3A_320 = arith.muli %add3A_318, %mul3A_319 : i32
          %get3A_321 = arith.index_cast %mul3A_320 : i32 to index
          %get3A_322 = tpu.vector_load %arg7[%get3A_321] {strides = array<i32>} : memref<4096xi32, #tpu.memory_space<vmem>>, vector<16xi32>,
          %get3A_323 = vector.shape_cast %get3A_322 : vector<16xi32> to vector<16xi32>
          %sub3A_324 = vector.broadcast %sub3A_212 : i32 to vector<16xi32>
          %sub3A_325 = arith.subi %get3A_323, %sub3A_324 : vector<16xi32>
          %swap3A_326 = arith.index_cast %mul3A_320 : i32 to index
          %swap3A_327 = tpu.vector_load %arg9[%swap3A_326] {strides = array<i32>} : memref<8192xi32, #tpu.memory_space<vmem>>, vector<16xi32>,
          %swap3A_328 = vector.shape_cast %swap3A_327 : vector<16xi32> to vector<16xi32>
          %swap3A_329 = vector.shape_cast %sub3A_325 : vector<16xi32> to vector<16xi32>
          tpu.vector_store %arg9[%swap3A_326], %swap3A_329 {strides = array<i32>} : memref<8192xi32, #tpu.memory_space<vmem>>, vector<16xi32>,
          %add3A_330 = arith.constant 19456 : i32
          %add3A_331 = vector.broadcast %add3A_330 : i32 to vector<16xi32>
          %add3A_332 = arith.addi %sub3A_325, %add3A_331 : vector<16xi32>
          %add3A_333 = arith.constant 4096 : i32
          %add3A_334 = arith.addi %add3A_333, %mul3A_320 : i32
          %swap3A_335 = arith.index_cast %add3A_334 : i32 to index
          %swap3A_336 = tpu.vector_load %arg9[%swap3A_335] {strides = array<i32>} : memref<8192xi32, #tpu.memory_space<vmem>>, vector<16xi32>,
          %swap3A_337 = vector.shape_cast %swap3A_336 : vector<16xi32> to vector<16xi32>
          %swap3A_338 = vector.shape_cast %add3A_332 : vector<16xi32> to vector<16xi32>
          tpu.vector_store %arg9[%swap3A_335], %swap3A_338 {strides = array<i32>} : memref<8192xi32, #tpu.memory_space<vmem>>, vector<16xi32>,
          %mul3A_339 = arith.constant 8 : i32
          %mul3A_340 = arith.muli %scan3A_219, %mul3A_339 : i32
          %add3A_341 = arith.constant 5 : i32
          %add3A_342 = arith.addi %mul3A_340, %add3A_341 : i32
          %mul3A_343 = arith.constant 16 : i32
          %mul3A_344 = arith.muli %add3A_342, %mul3A_343 : i32
          %get3A_345 = arith.index_cast %mul3A_344 : i32 to index
          %get3A_346 = tpu.vector_load %arg7[%get3A_345] {strides = array<i32>} : memref<4096xi32, #tpu.memory_space<vmem>>, vector<16xi32>,
          %get3A_347 = vector.shape_cast %get3A_346 : vector<16xi32> to vector<16xi32>
          %sub3A_348 = vector.broadcast %sub3A_212 : i32 to vector<16xi32>
          %sub3A_349 = arith.subi %get3A_347, %sub3A_348 : vector<16xi32>
          %swap3A_350 = arith.index_cast %mul3A_344 : i32 to index
          %swap3A_351 = tpu.vector_load %arg9[%swap3A_350] {strides = array<i32>} : memref<8192xi32, #tpu.memory_space<vmem>>, vector<16xi32>,
          %swap3A_352 = vector.shape_cast %swap3A_351 : vector<16xi32> to vector<16xi32>
          %swap3A_353 = vector.shape_cast %sub3A_349 : vector<16xi32> to vector<16xi32>
          tpu.vector_store %arg9[%swap3A_350], %swap3A_353 {strides = array<i32>} : memref<8192xi32, #tpu.memory_space<vmem>>, vector<16xi32>,
          %add3A_354 = arith.constant 19456 : i32
          %add3A_355 = vector.broadcast %add3A_354 : i32 to vector<16xi32>
          %add3A_356 = arith.addi %sub3A_349, %add3A_355 : vector<16xi32>
          %add3A_357 = arith.constant 4096 : i32
          %add3A_358 = arith.addi %add3A_357, %mul3A_344 : i32
          %swap3A_359 = arith.index_cast %add3A_358 : i32 to index
          %swap3A_360 = tpu.vector_load %arg9[%swap3A_359] {strides = array<i32>} : memref<8192xi32, #tpu.memory_space<vmem>>, vector<16xi32>,
          %swap3A_361 = vector.shape_cast %swap3A_360 : vector<16xi32> to vector<16xi32>
          %swap3A_362 = vector.shape_cast %add3A_356 : vector<16xi32> to vector<16xi32>
          tpu.vector_store %arg9[%swap3A_359], %swap3A_362 {strides = array<i32>} : memref<8192xi32, #tpu.memory_space<vmem>>, vector<16xi32>,
          %mul3A_363 = arith.constant 8 : i32
          %mul3A_364 = arith.muli %scan3A_219, %mul3A_363 : i32
          %add3A_365 = arith.constant 6 : i32
          %add3A_366 = arith.addi %mul3A_364, %add3A_365 : i32
          %mul3A_367 = arith.constant 16 : i32
          %mul3A_368 = arith.muli %add3A_366, %mul3A_367 : i32
          %get3A_369 = arith.index_cast %mul3A_368 : i32 to index
          %get3A_370 = tpu.vector_load %arg7[%get3A_369] {strides = array<i32>} : memref<4096xi32, #tpu.memory_space<vmem>>, vector<16xi32>,
          %get3A_371 = vector.shape_cast %get3A_370 : vector<16xi32> to vector<16xi32>
          %sub3A_372 = vector.broadcast %sub3A_212 : i32 to vector<16xi32>
          %sub3A_373 = arith.subi %get3A_371, %sub3A_372 : vector<16xi32>
          %swap3A_374 = arith.index_cast %mul3A_368 : i32 to index
          %swap3A_375 = tpu.vector_load %arg9[%swap3A_374] {strides = array<i32>} : memref<8192xi32, #tpu.memory_space<vmem>>, vector<16xi32>,
          %swap3A_376 = vector.shape_cast %swap3A_375 : vector<16xi32> to vector<16xi32>
          %swap3A_377 = vector.shape_cast %sub3A_373 : vector<16xi32> to vector<16xi32>
          tpu.vector_store %arg9[%swap3A_374], %swap3A_377 {strides = array<i32>} : memref<8192xi32, #tpu.memory_space<vmem>>, vector<16xi32>,
          %add3A_378 = arith.constant 19456 : i32
          %add3A_379 = vector.broadcast %add3A_378 : i32 to vector<16xi32>
          %add3A_380 = arith.addi %sub3A_373, %add3A_379 : vector<16xi32>
          %add3A_381 = arith.constant 4096 : i32
          %add3A_382 = arith.addi %add3A_381, %mul3A_368 : i32
          %swap3A_383 = arith.index_cast %add3A_382 : i32 to index
          %swap3A_384 = tpu.vector_load %arg9[%swap3A_383] {strides = array<i32>} : memref<8192xi32, #tpu.memory_space<vmem>>, vector<16xi32>,
          %swap3A_385 = vector.shape_cast %swap3A_384 : vector<16xi32> to vector<16xi32>
          %swap3A_386 = vector.shape_cast %add3A_380 : vector<16xi32> to vector<16xi32>
          tpu.vector_store %arg9[%swap3A_383], %swap3A_386 {strides = array<i32>} : memref<8192xi32, #tpu.memory_space<vmem>>, vector<16xi32>,
          %mul3A_387 = arith.constant 8 : i32
          %mul3A_388 = arith.muli %scan3A_219, %mul3A_387 : i32
          %add3A_389 = arith.constant 7 : i32
          %add3A_390 = arith.addi %mul3A_388, %add3A_389 : i32
          %mul3A_391 = arith.constant 16 : i32
          %mul3A_392 = arith.muli %add3A_390, %mul3A_391 : i32
          %get3A_393 = arith.index_cast %mul3A_392 : i32 to index
          %get3A_394 = tpu.vector_load %arg7[%get3A_393] {strides = array<i32>} : memref<4096xi32, #tpu.memory_space<vmem>>, vector<16xi32>,
          %get3A_395 = vector.shape_cast %get3A_394 : vector<16xi32> to vector<16xi32>
          %sub3A_396 = vector.broadcast %sub3A_212 : i32 to vector<16xi32>
          %sub3A_397 = arith.subi %get3A_395, %sub3A_396 : vector<16xi32>
          %swap3A_398 = arith.index_cast %mul3A_392 : i32 to index
          %swap3A_399 = tpu.vector_load %arg9[%swap3A_398] {strides = array<i32>} : memref<8192xi32, #tpu.memory_space<vmem>>, vector<16xi32>,
          %swap3A_400 = vector.shape_cast %swap3A_399 : vector<16xi32> to vector<16xi32>
          %swap3A_401 = vector.shape_cast %sub3A_397 : vector<16xi32> to vector<16xi32>
          tpu.vector_store %arg9[%swap3A_398], %swap3A_401 {strides = array<i32>} : memref<8192xi32, #tpu.memory_space<vmem>>, vector<16xi32>,
          %add3A_402 = arith.constant 19456 : i32
          %add3A_403 = vector.broadcast %add3A_402 : i32 to vector<16xi32>
          %add3A_404 = arith.addi %sub3A_397, %add3A_403 : vector<16xi32>
          %add3A_405 = arith.constant 4096 : i32
          %add3A_406 = arith.addi %add3A_405, %mul3A_392 : i32
          %swap3A_407 = arith.index_cast %add3A_406 : i32 to index
          %swap3A_408 = tpu.vector_load %arg9[%swap3A_407] {strides = array<i32>} : memref<8192xi32, #tpu.memory_space<vmem>>, vector<16xi32>,
          %swap3A_409 = vector.shape_cast %swap3A_408 : vector<16xi32> to vector<16xi32>
          %swap3A_410 = vector.shape_cast %add3A_404 : vector<16xi32> to vector<16xi32>
          tpu.vector_store %arg9[%swap3A_407], %swap3A_410 {strides = array<i32>} : memref<8192xi32, #tpu.memory_space<vmem>>, vector<16xi32>,
        }
        %scan3A_218 = arith.constant 32 : i32
      } else {
      }
      %ge3A_171 = arith.constant 2 : i32
      %ge3A_172 = arith.cmpi sge, %add3A_138, %ge3A_171 : i32
      %convert_element_type3A_173 = arith.extui %ge3A_172 : i1 to i32
      %cond3A_174 = arith.constant 0 : i32
      %cond3A_175 = arith.cmpi ne, %convert_element_type3A_173, %cond3A_174 : i32
      scf.if %cond3A_175 {
        %dma_wait3A_206 = arith.constant 0 : i32
        %dma_wait3A_207 = tpu.memref_slice %arg12[%dma_wait3A_206] : memref<8192xf32, #tpu.memory_space<vmem>> -> memref<4096xf32, #tpu.memory_space<vmem>>
        %dma_wait3A_208 = arith.constant 0 : i32
        %dma_wait3A_209 = tpu.memref_slice %arg5[%dma_wait3A_208] : memref<1000000xf32, #tpu.memory_space<hbm>> -> memref<4096xf32, #tpu.memory_space<hbm>>
        %dma_wait3A_210 = arith.constant 0 : i32
        %dma_wait3A_211 = tpu.memref_slice %arg5[%dma_wait3A_210] : memref<1000000xf32, #tpu.memory_space<hbm>> -> memref<4096xf32, #tpu.memory_space<hbm>>
        %dma_wait3A_212 = arith.constant 0 : i32
        %dma_wait3A_213 = tpu.memref_slice %arg12[%dma_wait3A_212] : memref<8192xf32, #tpu.memory_space<vmem>> -> memref<4096xf32, #tpu.memory_space<vmem>>
        tpu.wait_dma2 semaphore(%arg21 : memref<!tpu.dma_semaphore, #tpu.memory_space<semaphore_mem>>) src(%dma_wait3A_213 : memref<4096xf32, #tpu.memory_space<vmem>>) dst(%dma_wait3A_211 : memref<4096xf32, #tpu.memory_space<hbm>>)
        %dma_wait3A_214 = arith.constant 4096 : i32
        %dma_wait3A_215 = tpu.memref_slice %arg12[%dma_wait3A_214] : memref<8192xf32, #tpu.memory_space<vmem>> -> memref<4096xf32, #tpu.memory_space<vmem>>
        %dma_wait3A_216 = arith.constant 0 : i32
        %dma_wait3A_217 = tpu.memref_slice %arg6[%dma_wait3A_216] : memref<1000000xf32, #tpu.memory_space<hbm>> -> memref<4096xf32, #tpu.memory_space<hbm>>
        %dma_wait3A_218 = arith.constant 0 : i32
        %dma_wait3A_219 = tpu.memref_slice %arg6[%dma_wait3A_218] : memref<1000000xf32, #tpu.memory_space<hbm>> -> memref<4096xf32, #tpu.memory_space<hbm>>
        %dma_wait3A_220 = arith.constant 4096 : i32
        %dma_wait3A_221 = tpu.memref_slice %arg12[%dma_wait3A_220] : memref<8192xf32, #tpu.memory_space<vmem>> -> memref<4096xf32, #tpu.memory_space<vmem>>
        tpu.wait_dma2 semaphore(%arg23 : memref<!tpu.dma_semaphore, #tpu.memory_space<semaphore_mem>>) src(%dma_wait3A_221 : memref<4096xf32, #tpu.memory_space<vmem>>) dst(%dma_wait3A_219 : memref<4096xf32, #tpu.memory_space<hbm>>)
      } else {
      }
      %convert_element_type3A_176 = arith.extui %lt3A_97 : i1 to i32
      %cond3A_177 = arith.constant 0 : i32
      %cond3A_178 = arith.cmpi ne, %convert_element_type3A_176, %cond3A_177 : i32
      scf.if %cond3A_178 {
        %dma_wait3A_206 = tpu.memref_slice %arg14[%multiple_of3A] : memref<622592xf32, #tpu.memory_space<vmem_shared>> -> memref<19456xf32, #tpu.memory_space<vmem_shared>>
        %dma_wait3A_207 = arith.constant 0 : i32
        %dma_wait3A_208 = tpu.memref_slice %arg2[%dma_wait3A_207] : memref<8388608xf32, #tpu.memory_space<hbm>> -> memref<19456xf32, #tpu.memory_space<hbm>>
        tpu.wait_dma2 semaphore(%arg18 : memref<!tpu.dma_semaphore, #tpu.memory_space<semaphore_mem>>) src(%dma_wait3A_208 : memref<19456xf32, #tpu.memory_space<hbm>>) dst(%dma_wait3A_206 : memref<19456xf32, #tpu.memory_space<vmem_shared>>)
        %dma_wait3A_209 = tpu.memref_slice %arg14[%multiple_of3A_10] : memref<622592xf32, #tpu.memory_space<vmem_shared>> -> memref<19456xf32, #tpu.memory_space<vmem_shared>>
        %dma_wait3A_210 = arith.constant 0 : i32
        %dma_wait3A_211 = tpu.memref_slice %arg3[%dma_wait3A_210] : memref<8388608xf32, #tpu.memory_space<hbm>> -> memref<19456xf32, #tpu.memory_space<hbm>>
        tpu.wait_dma2 semaphore(%arg18 : memref<!tpu.dma_semaphore, #tpu.memory_space<semaphore_mem>>) src(%dma_wait3A_211 : memref<19456xf32, #tpu.memory_space<hbm>>) dst(%dma_wait3A_209 : memref<19456xf32, #tpu.memory_space<vmem_shared>>)
        %dma_start3A_212 = arith.constant 0 : i32
        %dma_start3A_213 = tpu.memref_slice %arg14[%dma_start3A_212] : memref<622592xf32, #tpu.memory_space<vmem_shared>> -> memref<622592xf32, #tpu.memory_space<vmem_shared>>
        tpu.enqueue_indirect_dma source(%dma_start3A_213 : memref<622592xf32, #tpu.memory_space<vmem_shared>>) target(%arg12 : memref<8192xf32, #tpu.memory_space<vmem>>) offsets(%arg10 : memref<8192xi32, #tpu.memory_space<vmem>>) semaphore(%arg19 : memref<!tpu.dma_semaphore, #tpu.memory_space<semaphore_mem>>)
        %dma_wait3A_214 = arith.constant 0 : i32
        %dma_wait3A_215 = tpu.memref_slice %arg14[%dma_wait3A_214] : memref<622592xf32, #tpu.memory_space<vmem_shared>> -> memref<622592xf32, #tpu.memory_space<vmem_shared>>
        tpu.wait_indirect_dma semaphore(%arg19 : memref<!tpu.dma_semaphore, #tpu.memory_space<semaphore_mem>>) src(%dma_wait3A_215 : memref<622592xf32, #tpu.memory_space<vmem_shared>>) dst(%arg12 : memref<8192xf32, #tpu.memory_space<vmem>>)
      } else {
      }
      %not3A_179 = arith.constant true
      %not3A_180 = arith.xori %lt3A_97, %not3A_179 : i1
      %convert_element_type3A_181 = arith.extui %not3A_180 : i1 to i32
      %cond3A_182 = arith.constant 0 : i32
      %cond3A_183 = arith.cmpi ne, %convert_element_type3A_181, %cond3A_182 : i32
      scf.if %cond3A_183 {
        %dma_start3A_206 = arith.constant 0 : i32
        %dma_start3A_207 = tpu.memref_slice %arg12[%dma_start3A_206] : memref<8192xf32, #tpu.memory_space<vmem>> -> memref<4096xf32, #tpu.memory_space<vmem>>
        %dma_start3A_208 = arith.constant 0 : i32
        %dma_start3A_209 = tpu.memref_slice %arg2[%dma_start3A_208] : memref<8388608xf32, #tpu.memory_space<hbm>> -> memref<8388608xf32, #tpu.memory_space<hbm>>
        tpu.enqueue_indirect_dma source(%dma_start3A_209 : memref<8388608xf32, #tpu.memory_space<hbm>>) target(%dma_start3A_207 : memref<4096xf32, #tpu.memory_space<vmem>>) offsets(%arg8 : memref<4096xi32, #tpu.memory_space<vmem>>) semaphore(%arg19 : memref<!tpu.dma_semaphore, #tpu.memory_space<semaphore_mem>>)
        %dma_start3A_210 = arith.constant 4096 : i32
        %dma_start3A_211 = tpu.memref_slice %arg12[%dma_start3A_210] : memref<8192xf32, #tpu.memory_space<vmem>> -> memref<4096xf32, #tpu.memory_space<vmem>>
        %dma_start3A_212 = arith.constant 0 : i32
        %dma_start3A_213 = tpu.memref_slice %arg3[%dma_start3A_212] : memref<8388608xf32, #tpu.memory_space<hbm>> -> memref<8388608xf32, #tpu.memory_space<hbm>>
        tpu.enqueue_indirect_dma source(%dma_start3A_213 : memref<8388608xf32, #tpu.memory_space<hbm>>) target(%dma_start3A_211 : memref<4096xf32, #tpu.memory_space<vmem>>) offsets(%arg8 : memref<4096xi32, #tpu.memory_space<vmem>>) semaphore(%arg19 : memref<!tpu.dma_semaphore, #tpu.memory_space<semaphore_mem>>)
        %dma_wait3A_214 = arith.constant 0 : i32
        %dma_wait3A_215 = tpu.memref_slice %arg12[%dma_wait3A_214] : memref<8192xf32, #tpu.memory_space<vmem>> -> memref<4096xf32, #tpu.memory_space<vmem>>
        %dma_wait3A_216 = arith.constant 0 : i32
        %dma_wait3A_217 = tpu.memref_slice %arg2[%dma_wait3A_216] : memref<8388608xf32, #tpu.memory_space<hbm>> -> memref<8388608xf32, #tpu.memory_space<hbm>>
        tpu.wait_indirect_dma semaphore(%arg19 : memref<!tpu.dma_semaphore, #tpu.memory_space<semaphore_mem>>) src(%dma_wait3A_217 : memref<8388608xf32, #tpu.memory_space<hbm>>) dst(%dma_wait3A_215 : memref<4096xf32, #tpu.memory_space<vmem>>)
        %dma_wait3A_218 = arith.constant 4096 : i32
        %dma_wait3A_219 = tpu.memref_slice %arg12[%dma_wait3A_218] : memref<8192xf32, #tpu.memory_space<vmem>> -> memref<4096xf32, #tpu.memory_space<vmem>>
        %dma_wait3A_220 = arith.constant 0 : i32
        %dma_wait3A_221 = tpu.memref_slice %arg3[%dma_wait3A_220] : memref<8388608xf32, #tpu.memory_space<hbm>> -> memref<8388608xf32, #tpu.memory_space<hbm>>
        tpu.wait_indirect_dma semaphore(%arg19 : memref<!tpu.dma_semaphore, #tpu.memory_space<semaphore_mem>>) src(%dma_wait3A_221 : memref<8388608xf32, #tpu.memory_space<hbm>>) dst(%dma_wait3A_219 : memref<4096xf32, #tpu.memory_space<vmem>>)
      } else {
      }
      %mul3A_184 = arith.constant 4096 : i32
      %mul3A_185 = arith.muli %add3A_138, %mul3A_184 : i32
      %add3A_186 = arith.addi %min3A_3, %mul3A_185 : i32
      %dma_start3A_187 = arith.constant 0 : i32
      %dma_start3A_188 = tpu.memref_slice %arg12[%dma_start3A_187] : memref<8192xf32, #tpu.memory_space<vmem>> -> memref<4096xf32, #tpu.memory_space<vmem>>
      %dma_start3A_189 = tpu.memref_slice %arg5[%add3A_186] : memref<1000000xf32, #tpu.memory_space<hbm>> -> memref<4096xf32, #tpu.memory_space<hbm>>
      %dma_start3A_190 = tpu.memref_slice %arg5[%add3A_186] : memref<1000000xf32, #tpu.memory_space<hbm>> -> memref<4096xf32, #tpu.memory_space<hbm>>
      %dma_start3A_191 = arith.constant 0 : i32
      %dma_start3A_192 = tpu.memref_slice %arg12[%dma_start3A_191] : memref<8192xf32, #tpu.memory_space<vmem>> -> memref<4096xf32, #tpu.memory_space<vmem>>
      tpu.enqueue_dma source(%dma_start3A_192 : memref<4096xf32, #tpu.memory_space<vmem>>) target(%dma_start3A_190 : memref<4096xf32, #tpu.memory_space<hbm>>) target_semaphore(%arg21 : memref<!tpu.dma_semaphore, #tpu.memory_space<semaphore_mem>>)
      %dma_start3A_193 = arith.constant 4096 : i32
      %dma_start3A_194 = tpu.memref_slice %arg12[%dma_start3A_193] : memref<8192xf32, #tpu.memory_space<vmem>> -> memref<4096xf32, #tpu.memory_space<vmem>>
      %dma_start3A_195 = tpu.memref_slice %arg6[%add3A_186] : memref<1000000xf32, #tpu.memory_space<hbm>> -> memref<4096xf32, #tpu.memory_space<hbm>>
      %dma_start3A_196 = tpu.memref_slice %arg6[%add3A_186] : memref<1000000xf32, #tpu.memory_space<hbm>> -> memref<4096xf32, #tpu.memory_space<hbm>>
      %dma_start3A_197 = arith.constant 4096 : i32
      %dma_start3A_198 = tpu.memref_slice %arg12[%dma_start3A_197] : memref<8192xf32, #tpu.memory_space<vmem>> -> memref<4096xf32, #tpu.memory_space<vmem>>
      tpu.enqueue_dma source(%dma_start3A_198 : memref<4096xf32, #tpu.memory_space<vmem>>) target(%dma_start3A_196 : memref<4096xf32, #tpu.memory_space<hbm>>) target_semaphore(%arg23 : memref<!tpu.dma_semaphore, #tpu.memory_space<semaphore_mem>>)
      %add3A_199 = arith.constant 2 : i32
      %add3A_200 = arith.addi %add3A_138, %add3A_199 : i32
      %lt3A_201 = arith.constant 8 : i32
      %lt3A_202 = arith.cmpi slt, %add3A_200, %lt3A_201 : i32
      %convert_element_type3A_203 = arith.extui %lt3A_202 : i1 to i32
      %cond3A_204 = arith.constant 0 : i32
      %cond3A_205 = arith.cmpi ne, %convert_element_type3A_203, %cond3A_204 : i32
      scf.if %cond3A_205 {
        %add3A_206 = arith.constant 2 : i32
        %add3A_207 = arith.addi %add3A_138, %add3A_206 : i32
        %mul3A_208 = arith.constant 4096 : i32
        %mul3A_209 = arith.muli %add3A_207, %mul3A_208 : i32
        %add3A_210 = arith.addi %min3A_3, %mul3A_209 : i32
        %dma_start3A_211 = tpu.memref_slice %arg4[%add3A_210] : memref<1000000xi32, #tpu.memory_space<hbm>> -> memref<4096xi32, #tpu.memory_space<hbm>>
        %dma_start3A_212 = tpu.memref_slice %arg4[%add3A_210] : memref<1000000xi32, #tpu.memory_space<hbm>> -> memref<4096xi32, #tpu.memory_space<hbm>>
        tpu.enqueue_dma source(%dma_start3A_212 : memref<4096xi32, #tpu.memory_space<hbm>>) target(%arg8 : memref<4096xi32, #tpu.memory_space<vmem>>) target_semaphore(%arg16 : memref<!tpu.dma_semaphore, #tpu.memory_space<semaphore_mem>>)
      } else {
      }
      scf.yield %lt3A_166 : i1
    }
    %scan3A_32 = arith.constant 4 : i32
    %dma_wait3A = arith.constant 0 : i32
    %dma_wait3A_33 = tpu.memref_slice %arg11[%dma_wait3A] : memref<8192xf32, #tpu.memory_space<vmem>> -> memref<4096xf32, #tpu.memory_space<vmem>>
    %dma_wait3A_34 = arith.constant 0 : i32
    %dma_wait3A_35 = tpu.memref_slice %arg5[%dma_wait3A_34] : memref<1000000xf32, #tpu.memory_space<hbm>> -> memref<4096xf32, #tpu.memory_space<hbm>>
    %dma_wait3A_36 = arith.constant 0 : i32
    %dma_wait3A_37 = tpu.memref_slice %arg5[%dma_wait3A_36] : memref<1000000xf32, #tpu.memory_space<hbm>> -> memref<4096xf32, #tpu.memory_space<hbm>>
    %dma_wait3A_38 = arith.constant 0 : i32
    %dma_wait3A_39 = tpu.memref_slice %arg11[%dma_wait3A_38] : memref<8192xf32, #tpu.memory_space<vmem>> -> memref<4096xf32, #tpu.memory_space<vmem>>
    tpu.wait_dma2 semaphore(%arg20 : memref<!tpu.dma_semaphore, #tpu.memory_space<semaphore_mem>>) src(%dma_wait3A_39 : memref<4096xf32, #tpu.memory_space<vmem>>) dst(%dma_wait3A_37 : memref<4096xf32, #tpu.memory_space<hbm>>)
    %dma_wait3A_40 = arith.constant 4096 : i32
    %dma_wait3A_41 = tpu.memref_slice %arg11[%dma_wait3A_40] : memref<8192xf32, #tpu.memory_space<vmem>> -> memref<4096xf32, #tpu.memory_space<vmem>>
    %dma_wait3A_42 = arith.constant 0 : i32
    %dma_wait3A_43 = tpu.memref_slice %arg6[%dma_wait3A_42] : memref<1000000xf32, #tpu.memory_space<hbm>> -> memref<4096xf32, #tpu.memory_space<hbm>>
    %dma_wait3A_44 = arith.constant 0 : i32
    %dma_wait3A_45 = tpu.memref_slice %arg6[%dma_wait3A_44] : memref<1000000xf32, #tpu.memory_space<hbm>> -> memref<4096xf32, #tpu.memory_space<hbm>>
    %dma_wait3A_46 = arith.constant 4096 : i32
    %dma_wait3A_47 = tpu.memref_slice %arg11[%dma_wait3A_46] : memref<8192xf32, #tpu.memory_space<vmem>> -> memref<4096xf32, #tpu.memory_space<vmem>>
    tpu.wait_dma2 semaphore(%arg22 : memref<!tpu.dma_semaphore, #tpu.memory_space<semaphore_mem>>) src(%dma_wait3A_47 : memref<4096xf32, #tpu.memory_space<vmem>>) dst(%dma_wait3A_45 : memref<4096xf32, #tpu.memory_space<hbm>>)
    %dma_wait3A_48 = arith.constant 0 : i32
    %dma_wait3A_49 = tpu.memref_slice %arg12[%dma_wait3A_48] : memref<8192xf32, #tpu.memory_space<vmem>> -> memref<4096xf32, #tpu.memory_space<vmem>>
    %dma_wait3A_50 = arith.constant 0 : i32
    %dma_wait3A_51 = tpu.memref_slice %arg5[%dma_wait3A_50] : memref<1000000xf32, #tpu.memory_space<hbm>> -> memref<4096xf32, #tpu.memory_space<hbm>>
    %dma_wait3A_52 = arith.constant 0 : i32
    %dma_wait3A_53 = tpu.memref_slice %arg5[%dma_wait3A_52] : memref<1000000xf32, #tpu.memory_space<hbm>> -> memref<4096xf32, #tpu.memory_space<hbm>>
    %dma_wait3A_54 = arith.constant 0 : i32
    %dma_wait3A_55 = tpu.memref_slice %arg12[%dma_wait3A_54] : memref<8192xf32, #tpu.memory_space<vmem>> -> memref<4096xf32, #tpu.memory_space<vmem>>
    tpu.wait_dma2 semaphore(%arg21 : memref<!tpu.dma_semaphore, #tpu.memory_space<semaphore_mem>>) src(%dma_wait3A_55 : memref<4096xf32, #tpu.memory_space<vmem>>) dst(%dma_wait3A_53 : memref<4096xf32, #tpu.memory_space<hbm>>)
    %dma_wait3A_56 = arith.constant 4096 : i32
    %dma_wait3A_57 = tpu.memref_slice %arg12[%dma_wait3A_56] : memref<8192xf32, #tpu.memory_space<vmem>> -> memref<4096xf32, #tpu.memory_space<vmem>>
    %dma_wait3A_58 = arith.constant 0 : i32
    %dma_wait3A_59 = tpu.memref_slice %arg6[%dma_wait3A_58] : memref<1000000xf32, #tpu.memory_space<hbm>> -> memref<4096xf32, #tpu.memory_space<hbm>>
    %dma_wait3A_60 = arith.constant 0 : i32
    %dma_wait3A_61 = tpu.memref_slice %arg6[%dma_wait3A_60] : memref<1000000xf32, #tpu.memory_space<hbm>> -> memref<4096xf32, #tpu.memory_space<hbm>>
    %dma_wait3A_62 = arith.constant 4096 : i32
    %dma_wait3A_63 = tpu.memref_slice %arg12[%dma_wait3A_62] : memref<8192xf32, #tpu.memory_space<vmem>> -> memref<4096xf32, #tpu.memory_space<vmem>>
    tpu.wait_dma2 semaphore(%arg23 : memref<!tpu.dma_semaphore, #tpu.memory_space<semaphore_mem>>) src(%dma_wait3A_63 : memref<4096xf32, #tpu.memory_space<vmem>>) dst(%dma_wait3A_61 : memref<4096xf32, #tpu.memory_space<hbm>>)
    return
  }
}

#map = affine_map<(d0, d1) -> (0)>
module attributes {stable_mosaic.version = 14 : i64} {
  func.func @gather_kernel(%arg0: i32, %arg1: i32, %arg2: memref<8388608xf32, #tpu.memory_space<hbm>>, %arg3: memref<8388608xf32, #tpu.memory_space<hbm>>, %arg4: memref<1000000xi32, #tpu.memory_space<hbm>>, %arg5: memref<1000000xf32, #tpu.memory_space<hbm>>, %arg6: memref<1000000xf32, #tpu.memory_space<hbm>>, %arg7: memref<4096xi32, #tpu.memory_space<vmem>>, %arg8: memref<4096xi32, #tpu.memory_space<vmem>>, %arg9: memref<8192xi32, #tpu.memory_space<vmem>>, %arg10: memref<8192xi32, #tpu.memory_space<vmem>>, %arg11: memref<8192xf32, #tpu.memory_space<vmem>>, %arg12: memref<8192xf32, #tpu.memory_space<vmem>>, %arg13: memref<622592xf32, #tpu.memory_space<vmem_shared>>, %arg14: memref<622592xf32, #tpu.memory_space<vmem_shared>>, %arg15: memref<!tpu.dma_semaphore, #tpu.memory_space<semaphore_mem>>, %arg16: memref<!tpu.dma_semaphore, #tpu.memory_space<semaphore_mem>>, %arg17: memref<!tpu.dma_semaphore, #tpu.memory_space<semaphore_mem>>, %arg18: memref<!tpu.dma_semaphore, #tpu.memory_space<semaphore_mem>>, %arg19: memref<!tpu.dma_semaphore, #tpu.memory_space<semaphore_mem>>, %arg20: memref<!tpu.dma_semaphore, #tpu.memory_space<semaphore_mem>>, %arg21: memref<!tpu.dma_semaphore, #tpu.memory_space<semaphore_mem>>, %arg22: memref<!tpu.dma_semaphore, #tpu.memory_space<semaphore_mem>>, %arg23: memref<!tpu.dma_semaphore, #tpu.memory_space<semaphore_mem>>) attributes {dimension_semantics = [#tpu.dimension_semantics<core_parallel>, #tpu.dimension_semantics<subcore_parallel>], iteration_bounds = array<i64: 2, 16>, scalar_prefetch = 0 : i64, scratch_operands = 17 : i64, tpu.core_type = #tpu.core_type<sc_vector_subcore>, window_params = [{transform_indices = #map}, {transform_indices = #map}, {transform_indices = #map}, {transform_indices = #map}, {transform_indices = #map}]} {
    %mul3A = arith.constant 2 : i32
    %mul3A_0 = arith.muli %arg1, %mul3A : i32
    %add3A = arith.addi %mul3A_0, %arg0 : i32
    %mul3A_1 = arith.constant 32768 : i32
    %mul3A_2 = arith.muli %add3A, %mul3A_1 : i32
    %min3A = arith.constant 967232 : i32
    %min3A_3 = arith.minsi %mul3A_2, %min3A : i32
    %mul3A_4 = arith.constant 2 : i32
    %mul3A_5 = arith.muli %arg1, %mul3A_4 : i32
    %mul3A_6 = arith.constant 19456 : i32
    %mul3A_7 = arith.muli %mul3A_5, %mul3A_6 : i32
    %multiple_of3A = tpu.assume_multiple %mul3A_7, 128 : i32
    %add3A_8 = arith.constant 19456 : i32
    %add3A_9 = arith.addi %mul3A_7, %add3A_8 : i32
    %multiple_of3A_10 = tpu.assume_multiple %add3A_9, 128 : i32
    "tpu.region"() ({
      %run_scoped3A = tpu.sem_alloc : memref<!tpu.dma_semaphore, #tpu.memory_space<semaphore_mem>>
      %dma_start3A_64 = tpu.memref_slice %arg4[%min3A_3] : memref<1000000xi32, #tpu.memory_space<hbm>> -> memref<4096xi32, #tpu.memory_space<hbm>>
      %dma_start3A_65 = tpu.memref_slice %arg4[%min3A_3] : memref<1000000xi32, #tpu.memory_space<hbm>> -> memref<4096xi32, #tpu.memory_space<hbm>>
      tpu.enqueue_dma source(%dma_start3A_65 : memref<4096xi32, #tpu.memory_space<hbm>>) target(%arg7 : memref<4096xi32, #tpu.memory_space<vmem>>) target_semaphore(%run_scoped3A : memref<!tpu.dma_semaphore, #tpu.memory_space<semaphore_mem>>)
      %dma_wait3A_66 = tpu.memref_slice %arg4[%min3A_3] : memref<1000000xi32, #tpu.memory_space<hbm>> -> memref<4096xi32, #tpu.memory_space<hbm>>
      %dma_wait3A_67 = tpu.memref_slice %arg4[%min3A_3] : memref<1000000xi32, #tpu.memory_space<hbm>> -> memref<4096xi32, #tpu.memory_space<hbm>>
      tpu.wait_dma2 semaphore(%run_scoped3A : memref<!tpu.dma_semaphore, #tpu.memory_space<semaphore_mem>>) src(%dma_wait3A_67 : memref<4096xi32, #tpu.memory_space<hbm>>) dst(%arg7 : memref<4096xi32, #tpu.memory_space<vmem>>)
      tpu.yield
    }) : () -> ()
    %get3A = arith.constant 0 : index
    %get3A_11 = tpu.vector_load %arg7[%get3A] {strides = array<i32>} : memref<4096xi32, #tpu.memory_space<vmem>>, vector<16xi32>,
    %get3A_12 = vector.shape_cast %get3A_11 : vector<16xi32> to vector<16xi32>
    %slice3A = vector.extract_strided_slice %get3A_12 {offsets = [0], sizes = [1], strides = [1]} : vector<16xi32> to vector<1xi32>
    %squeeze3A = vector.extract %slice3A[0] : i32 from vector<1xi32>
    %get3A_13 = arith.constant 4080 : index
    %get3A_14 = tpu.vector_load %arg7[%get3A_13] {strides = array<i32>} : memref<4096xi32, #tpu.memory_space<vmem>>, vector<16xi32>,
    %get3A_15 = vector.shape_cast %get3A_14 : vector<16xi32> to vector<16xi32>
    %slice3A_16 = vector.extract_strided_slice %get3A_15 {offsets = [15], sizes = [1], strides = [1]} : vector<16xi32> to vector<1xi32>
    %squeeze3A_17 = vector.extract %slice3A_16[0] : i32 from vector<1xi32>
    %shift_right_arithmetic3A = arith.constant 7 : i32
    %shift_right_arithmetic3A_18 = arith.shrsi %squeeze3A, %shift_right_arithmetic3A : i32
    %shift_left3A = arith.constant 7 : i32
    %shift_left3A_19 = arith.shli %shift_right_arithmetic3A_18, %shift_left3A : i32
    %min3A_20 = arith.constant 8369152 : i32
    %min3A_21 = arith.minsi %shift_left3A_19, %min3A_20 : i32
    %sub3A = arith.subi %squeeze3A_17, %min3A_21 : i32
    %lt3A = arith.constant 19456 : i32
    %lt3A_22 = arith.cmpi slt, %sub3A, %lt3A : i32
    %and3A = arith.constant true
    %and3A_23 = arith.andi %lt3A_22, %and3A : i1
    %convert_element_type3A = arith.extui %and3A_23 : i1 to i32
    %cond3A = arith.constant 0 : i32
    %cond3A_24 = arith.cmpi ne, %convert_element_type3A, %cond3A : i32
    scf.if %cond3A_24 {
      %multiple_of3A_64 = tpu.assume_multiple %min3A_21, 128 : i32
      %dma_start3A_65 = tpu.memref_slice %arg13[%multiple_of3A] : memref<622592xf32, #tpu.memory_space<vmem_shared>> -> memref<19456xf32, #tpu.memory_space<vmem_shared>>
      %dma_start3A_66 = tpu.memref_slice %arg2[%multiple_of3A_64] : memref<8388608xf32, #tpu.memory_space<hbm>> -> memref<19456xf32, #tpu.memory_space<hbm>>
      tpu.enqueue_dma source(%dma_start3A_66 : memref<19456xf32, #tpu.memory_space<hbm>>) target(%dma_start3A_65 : memref<19456xf32, #tpu.memory_space<vmem_shared>>) target_semaphore(%arg17 : memref<!tpu.dma_semaphore, #tpu.memory_space<semaphore_mem>>)
      %multiple_of3A_67 = tpu.assume_multiple %min3A_21, 128 : i32
      %dma_start3A_68 = tpu.memref_slice %arg13[%multiple_of3A_10] : memref<622592xf32, #tpu.memory_space<vmem_shared>> -> memref<19456xf32, #tpu.memory_space<vmem_shared>>
      %dma_start3A_69 = tpu.memref_slice %arg3[%multiple_of3A_67] : memref<8388608xf32, #tpu.memory_space<hbm>> -> memref<19456xf32, #tpu.memory_space<hbm>>
      tpu.enqueue_dma source(%dma_start3A_69 : memref<19456xf32, #tpu.memory_space<hbm>>) target(%dma_start3A_68 : memref<19456xf32, #tpu.memory_space<vmem_shared>>) target_semaphore(%arg17 : memref<!tpu.dma_semaphore, #tpu.memory_space<semaphore_mem>>)
      %sub3A_70 = arith.subi %min3A_21, %mul3A_7 : i32
      %scan3A_71 = arith.constant 0 : i32
      %scan3A_72 = arith.constant 0 : i32
      %scan3A_73 = arith.constant 32 : i32
      %scan3A_74 = arith.addi %scan3A_72, %scan3A_73 : i32
      %scan3A_75 = arith.constant 1 : i32
      scf.for %scan3A_77 = %scan3A_72 to %scan3A_74 step %scan3A_75  : i32 {
        %mul3A_78 = arith.constant 8 : i32
        %mul3A_79 = arith.muli %scan3A_77, %mul3A_78 : i32
        %add3A_80 = arith.constant 0 : i32
        %add3A_81 = arith.addi %mul3A_79, %add3A_80 : i32
        %mul3A_82 = arith.constant 16 : i32
        %mul3A_83 = arith.muli %add3A_81, %mul3A_82 : i32
        %get3A_84 = arith.index_cast %mul3A_83 : i32 to index
        %get3A_85 = tpu.vector_load %arg7[%get3A_84] {strides = array<i32>} : memref<4096xi32, #tpu.memory_space<vmem>>, vector<16xi32>,
        %get3A_86 = vector.shape_cast %get3A_85 : vector<16xi32> to vector<16xi32>
        %sub3A_87 = vector.broadcast %sub3A_70 : i32 to vector<16xi32>
        %sub3A_88 = arith.subi %get3A_86, %sub3A_87 : vector<16xi32>
        %swap3A = arith.index_cast %mul3A_83 : i32 to index
        %swap3A_89 = tpu.vector_load %arg9[%swap3A] {strides = array<i32>} : memref<8192xi32, #tpu.memory_space<vmem>>, vector<16xi32>,
        %swap3A_90 = vector.shape_cast %swap3A_89 : vector<16xi32> to vector<16xi32>
        %swap3A_91 = vector.shape_cast %sub3A_88 : vector<16xi32> to vector<16xi32>
        tpu.vector_store %arg9[%swap3A], %swap3A_91 {strides = array<i32>} : memref<8192xi32, #tpu.memory_space<vmem>>, vector<16xi32>,
        %add3A_92 = arith.constant 19456 : i32
        %add3A_93 = vector.broadcast %add3A_92 : i32 to vector<16xi32>
        %add3A_94 = arith.addi %sub3A_88, %add3A_93 : vector<16xi32>
        %add3A_95 = arith.constant 4096 : i32
        %add3A_96 = arith.addi %add3A_95, %mul3A_83 : i32
        %swap3A_97 = arith.index_cast %add3A_96 : i32 to index
        %swap3A_98 = tpu.vector_load %arg9[%swap3A_97] {strides = array<i32>} : memref<8192xi32, #tpu.memory_space<vmem>>, vector<16xi32>,
        %swap3A_99 = vector.shape_cast %swap3A_98 : vector<16xi32> to vector<16xi32>
        %swap3A_100 = vector.shape_cast %add3A_94 : vector<16xi32> to vector<16xi32>
        tpu.vector_store %arg9[%swap3A_97], %swap3A_100 {strides = array<i32>} : memref<8192xi32, #tpu.memory_space<vmem>>, vector<16xi32>,
        %mul3A_101 = arith.constant 8 : i32
        %mul3A_102 = arith.muli %scan3A_77, %mul3A_101 : i32
        %add3A_103 = arith.constant 1 : i32
        %add3A_104 = arith.addi %mul3A_102, %add3A_103 : i32
        %mul3A_105 = arith.constant 16 : i32
        %mul3A_106 = arith.muli %add3A_104, %mul3A_105 : i32
        %get3A_107 = arith.index_cast %mul3A_106 : i32 to index
        %get3A_108 = tpu.vector_load %arg7[%get3A_107] {strides = array<i32>} : memref<4096xi32, #tpu.memory_space<vmem>>, vector<16xi32>,
        %get3A_109 = vector.shape_cast %get3A_108 : vector<16xi32> to vector<16xi32>
        %sub3A_110 = vector.broadcast %sub3A_70 : i32 to vector<16xi32>
        %sub3A_111 = arith.subi %get3A_109, %sub3A_110 : vector<16xi32>
        %swap3A_112 = arith.index_cast %mul3A_106 : i32 to index
        %swap3A_113 = tpu.vector_load %arg9[%swap3A_112] {strides = array<i32>} : memref<8192xi32, #tpu.memory_space<vmem>>, vector<16xi32>,
        %swap3A_114 = vector.shape_cast %swap3A_113 : vector<16xi32> to vector<16xi32>
        %swap3A_115 = vector.shape_cast %sub3A_111 : vector<16xi32> to vector<16xi32>
        tpu.vector_store %arg9[%swap3A_112], %swap3A_115 {strides = array<i32>} : memref<8192xi32, #tpu.memory_space<vmem>>, vector<16xi32>,
        %add3A_116 = arith.constant 19456 : i32
        %add3A_117 = vector.broadcast %add3A_116 : i32 to vector<16xi32>
        %add3A_118 = arith.addi %sub3A_111, %add3A_117 : vector<16xi32>
        %add3A_119 = arith.constant 4096 : i32
        %add3A_120 = arith.addi %add3A_119, %mul3A_106 : i32
        %swap3A_121 = arith.index_cast %add3A_120 : i32 to index
        %swap3A_122 = tpu.vector_load %arg9[%swap3A_121] {strides = array<i32>} : memref<8192xi32, #tpu.memory_space<vmem>>, vector<16xi32>,
        %swap3A_123 = vector.shape_cast %swap3A_122 : vector<16xi32> to vector<16xi32>
        %swap3A_124 = vector.shape_cast %add3A_118 : vector<16xi32> to vector<16xi32>
        tpu.vector_store %arg9[%swap3A_121], %swap3A_124 {strides = array<i32>} : memref<8192xi32, #tpu.memory_space<vmem>>, vector<16xi32>,
        %mul3A_125 = arith.constant 8 : i32
        %mul3A_126 = arith.muli %scan3A_77, %mul3A_125 : i32
        %add3A_127 = arith.constant 2 : i32
        %add3A_128 = arith.addi %mul3A_126, %add3A_127 : i32
        %mul3A_129 = arith.constant 16 : i32
        %mul3A_130 = arith.muli %add3A_128, %mul3A_129 : i32
        %get3A_131 = arith.index_cast %mul3A_130 : i32 to index
        %get3A_132 = tpu.vector_load %arg7[%get3A_131] {strides = array<i32>} : memref<4096xi32, #tpu.memory_space<vmem>>, vector<16xi32>,
        %get3A_133 = vector.shape_cast %get3A_132 : vector<16xi32> to vector<16xi32>
        %sub3A_134 = vector.broadcast %sub3A_70 : i32 to vector<16xi32>
        %sub3A_135 = arith.subi %get3A_133, %sub3A_134 : vector<16xi32>
        %swap3A_136 = arith.index_cast %mul3A_130 : i32 to index
        %swap3A_137 = tpu.vector_load %arg9[%swap3A_136] {strides = array<i32>} : memref<8192xi32, #tpu.memory_space<vmem>>, vector<16xi32>,
        %swap3A_138 = vector.shape_cast %swap3A_137 : vector<16xi32> to vector<16xi32>
        %swap3A_139 = vector.shape_cast %sub3A_135 : vector<16xi32> to vector<16xi32>
        tpu.vector_store %arg9[%swap3A_136], %swap3A_139 {strides = array<i32>} : memref<8192xi32, #tpu.memory_space<vmem>>, vector<16xi32>,
        %add3A_140 = arith.constant 19456 : i32
        %add3A_141 = vector.broadcast %add3A_140 : i32 to vector<16xi32>
        %add3A_142 = arith.addi %sub3A_135, %add3A_141 : vector<16xi32>
        %add3A_143 = arith.constant 4096 : i32
        %add3A_144 = arith.addi %add3A_143, %mul3A_130 : i32
        %swap3A_145 = arith.index_cast %add3A_144 : i32 to index
        %swap3A_146 = tpu.vector_load %arg9[%swap3A_145] {strides = array<i32>} : memref<8192xi32, #tpu.memory_space<vmem>>, vector<16xi32>,
        %swap3A_147 = vector.shape_cast %swap3A_146 : vector<16xi32> to vector<16xi32>
        %swap3A_148 = vector.shape_cast %add3A_142 : vector<16xi32> to vector<16xi32>
        tpu.vector_store %arg9[%swap3A_145], %swap3A_148 {strides = array<i32>} : memref<8192xi32, #tpu.memory_space<vmem>>, vector<16xi32>,
        %mul3A_149 = arith.constant 8 : i32
        %mul3A_150 = arith.muli %scan3A_77, %mul3A_149 : i32
        %add3A_151 = arith.constant 3 : i32
        %add3A_152 = arith.addi %mul3A_150, %add3A_151 : i32
        %mul3A_153 = arith.constant 16 : i32
        %mul3A_154 = arith.muli %add3A_152, %mul3A_153 : i32
        %get3A_155 = arith.index_cast %mul3A_154 : i32 to index
        %get3A_156 = tpu.vector_load %arg7[%get3A_155] {strides = array<i32>} : memref<4096xi32, #tpu.memory_space<vmem>>, vector<16xi32>,
        %get3A_157 = vector.shape_cast %get3A_156 : vector<16xi32> to vector<16xi32>
        %sub3A_158 = vector.broadcast %sub3A_70 : i32 to vector<16xi32>
        %sub3A_159 = arith.subi %get3A_157, %sub3A_158 : vector<16xi32>
        %swap3A_160 = arith.index_cast %mul3A_154 : i32 to index
        %swap3A_161 = tpu.vector_load %arg9[%swap3A_160] {strides = array<i32>} : memref<8192xi32, #tpu.memory_space<vmem>>, vector<16xi32>,
        %swap3A_162 = vector.shape_cast %swap3A_161 : vector<16xi32> to vector<16xi32>
        %swap3A_163 = vector.shape_cast %sub3A_159 : vector<16xi32> to vector<16xi32>
        tpu.vector_store %arg9[%swap3A_160], %swap3A_163 {strides = array<i32>} : memref<8192xi32, #tpu.memory_space<vmem>>, vector<16xi32>,
        %add3A_164 = arith.constant 19456 : i32
        %add3A_165 = vector.broadcast %add3A_164 : i32 to vector<16xi32>
        %add3A_166 = arith.addi %sub3A_159, %add3A_165 : vector<16xi32>
        %add3A_167 = arith.constant 4096 : i32
        %add3A_168 = arith.addi %add3A_167, %mul3A_154 : i32
        %swap3A_169 = arith.index_cast %add3A_168 : i32 to index
        %swap3A_170 = tpu.vector_load %arg9[%swap3A_169] {strides = array<i32>} : memref<8192xi32, #tpu.memory_space<vmem>>, vector<16xi32>,
        %swap3A_171 = vector.shape_cast %swap3A_170 : vector<16xi32> to vector<16xi32>
        %swap3A_172 = vector.shape_cast %add3A_166 : vector<16xi32> to vector<16xi32>
        tpu.vector_store %arg9[%swap3A_169], %swap3A_172 {strides = array<i32>} : memref<8192xi32, #tpu.memory_space<vmem>>, vector<16xi32>,
        %mul3A_173 = arith.constant 8 : i32
        %mul3A_174 = arith.muli %scan3A_77, %mul3A_173 : i32
        %add3A_175 = arith.constant 4 : i32
        %add3A_176 = arith.addi %mul3A_174, %add3A_175 : i32
        %mul3A_177 = arith.constant 16 : i32
        %mul3A_178 = arith.muli %add3A_176, %mul3A_177 : i32
        %get3A_179 = arith.index_cast %mul3A_178 : i32 to index
        %get3A_180 = tpu.vector_load %arg7[%get3A_179] {strides = array<i32>} : memref<4096xi32, #tpu.memory_space<vmem>>, vector<16xi32>,
        %get3A_181 = vector.shape_cast %get3A_180 : vector<16xi32> to vector<16xi32>
        %sub3A_182 = vector.broadcast %sub3A_70 : i32 to vector<16xi32>
        %sub3A_183 = arith.subi %get3A_181, %sub3A_182 : vector<16xi32>
        %swap3A_184 = arith.index_cast %mul3A_178 : i32 to index
        %swap3A_185 = tpu.vector_load %arg9[%swap3A_184] {strides = array<i32>} : memref<8192xi32, #tpu.memory_space<vmem>>, vector<16xi32>,
        %swap3A_186 = vector.shape_cast %swap3A_185 : vector<16xi32> to vector<16xi32>
        %swap3A_187 = vector.shape_cast %sub3A_183 : vector<16xi32> to vector<16xi32>
        tpu.vector_store %arg9[%swap3A_184], %swap3A_187 {strides = array<i32>} : memref<8192xi32, #tpu.memory_space<vmem>>, vector<16xi32>,
        %add3A_188 = arith.constant 19456 : i32
        %add3A_189 = vector.broadcast %add3A_188 : i32 to vector<16xi32>
        %add3A_190 = arith.addi %sub3A_183, %add3A_189 : vector<16xi32>
        %add3A_191 = arith.constant 4096 : i32
        %add3A_192 = arith.addi %add3A_191, %mul3A_178 : i32
        %swap3A_193 = arith.index_cast %add3A_192 : i32 to index
        %swap3A_194 = tpu.vector_load %arg9[%swap3A_193] {strides = array<i32>} : memref<8192xi32, #tpu.memory_space<vmem>>, vector<16xi32>,
        %swap3A_195 = vector.shape_cast %swap3A_194 : vector<16xi32> to vector<16xi32>
        %swap3A_196 = vector.shape_cast %add3A_190 : vector<16xi32> to vector<16xi32>
        tpu.vector_store %arg9[%swap3A_193], %swap3A_196 {strides = array<i32>} : memref<8192xi32, #tpu.memory_space<vmem>>, vector<16xi32>,
        %mul3A_197 = arith.constant 8 : i32
        %mul3A_198 = arith.muli %scan3A_77, %mul3A_197 : i32
        %add3A_199 = arith.constant 5 : i32
        %add3A_200 = arith.addi %mul3A_198, %add3A_199 : i32
        %mul3A_201 = arith.constant 16 : i32
        %mul3A_202 = arith.muli %add3A_200, %mul3A_201 : i32
        %get3A_203 = arith.index_cast %mul3A_202 : i32 to index
        %get3A_204 = tpu.vector_load %arg7[%get3A_203] {strides = array<i32>} : memref<4096xi32, #tpu.memory_space<vmem>>, vector<16xi32>,
        %get3A_205 = vector.shape_cast %get3A_204 : vector<16xi32> to vector<16xi32>
        %sub3A_206 = vector.broadcast %sub3A_70 : i32 to vector<16xi32>
        %sub3A_207 = arith.subi %get3A_205, %sub3A_206 : vector<16xi32>
        %swap3A_208 = arith.index_cast %mul3A_202 : i32 to index
        %swap3A_209 = tpu.vector_load %arg9[%swap3A_208] {strides = array<i32>} : memref<8192xi32, #tpu.memory_space<vmem>>, vector<16xi32>,
        %swap3A_210 = vector.shape_cast %swap3A_209 : vector<16xi32> to vector<16xi32>
        %swap3A_211 = vector.shape_cast %sub3A_207 : vector<16xi32> to vector<16xi32>
        tpu.vector_store %arg9[%swap3A_208], %swap3A_211 {strides = array<i32>} : memref<8192xi32, #tpu.memory_space<vmem>>, vector<16xi32>,
        %add3A_212 = arith.constant 19456 : i32
        %add3A_213 = vector.broadcast %add3A_212 : i32 to vector<16xi32>
        %add3A_214 = arith.addi %sub3A_207, %add3A_213 : vector<16xi32>
        %add3A_215 = arith.constant 4096 : i32
        %add3A_216 = arith.addi %add3A_215, %mul3A_202 : i32
        %swap3A_217 = arith.index_cast %add3A_216 : i32 to index
        %swap3A_218 = tpu.vector_load %arg9[%swap3A_217] {strides = array<i32>} : memref<8192xi32, #tpu.memory_space<vmem>>, vector<16xi32>,
        %swap3A_219 = vector.shape_cast %swap3A_218 : vector<16xi32> to vector<16xi32>
        %swap3A_220 = vector.shape_cast %add3A_214 : vector<16xi32> to vector<16xi32>
        tpu.vector_store %arg9[%swap3A_217], %swap3A_220 {strides = array<i32>} : memref<8192xi32, #tpu.memory_space<vmem>>, vector<16xi32>,
        %mul3A_221 = arith.constant 8 : i32
        %mul3A_222 = arith.muli %scan3A_77, %mul3A_221 : i32
        %add3A_223 = arith.constant 6 : i32
        %add3A_224 = arith.addi %mul3A_222, %add3A_223 : i32
        %mul3A_225 = arith.constant 16 : i32
        %mul3A_226 = arith.muli %add3A_224, %mul3A_225 : i32
        %get3A_227 = arith.index_cast %mul3A_226 : i32 to index
        %get3A_228 = tpu.vector_load %arg7[%get3A_227] {strides = array<i32>} : memref<4096xi32, #tpu.memory_space<vmem>>, vector<16xi32>,
        %get3A_229 = vector.shape_cast %get3A_228 : vector<16xi32> to vector<16xi32>
        %sub3A_230 = vector.broadcast %sub3A_70 : i32 to vector<16xi32>
        %sub3A_231 = arith.subi %get3A_229, %sub3A_230 : vector<16xi32>
        %swap3A_232 = arith.index_cast %mul3A_226 : i32 to index
        %swap3A_233 = tpu.vector_load %arg9[%swap3A_232] {strides = array<i32>} : memref<8192xi32, #tpu.memory_space<vmem>>, vector<16xi32>,
        %swap3A_234 = vector.shape_cast %swap3A_233 : vector<16xi32> to vector<16xi32>
        %swap3A_235 = vector.shape_cast %sub3A_231 : vector<16xi32> to vector<16xi32>
        tpu.vector_store %arg9[%swap3A_232], %swap3A_235 {strides = array<i32>} : memref<8192xi32, #tpu.memory_space<vmem>>, vector<16xi32>,
        %add3A_236 = arith.constant 19456 : i32
        %add3A_237 = vector.broadcast %add3A_236 : i32 to vector<16xi32>
        %add3A_238 = arith.addi %sub3A_231, %add3A_237 : vector<16xi32>
        %add3A_239 = arith.constant 4096 : i32
        %add3A_240 = arith.addi %add3A_239, %mul3A_226 : i32
        %swap3A_241 = arith.index_cast %add3A_240 : i32 to index
        %swap3A_242 = tpu.vector_load %arg9[%swap3A_241] {strides = array<i32>} : memref<8192xi32, #tpu.memory_space<vmem>>, vector<16xi32>,
        %swap3A_243 = vector.shape_cast %swap3A_242 : vector<16xi32> to vector<16xi32>
        %swap3A_244 = vector.shape_cast %add3A_238 : vector<16xi32> to vector<16xi32>
        tpu.vector_store %arg9[%swap3A_241], %swap3A_244 {strides = array<i32>} : memref<8192xi32, #tpu.memory_space<vmem>>, vector<16xi32>,
        %mul3A_245 = arith.constant 8 : i32
        %mul3A_246 = arith.muli %scan3A_77, %mul3A_245 : i32
        %add3A_247 = arith.constant 7 : i32
        %add3A_248 = arith.addi %mul3A_246, %add3A_247 : i32
        %mul3A_249 = arith.constant 16 : i32
        %mul3A_250 = arith.muli %add3A_248, %mul3A_249 : i32
        %get3A_251 = arith.index_cast %mul3A_250 : i32 to index
        %get3A_252 = tpu.vector_load %arg7[%get3A_251] {strides = array<i32>} : memref<4096xi32, #tpu.memory_space<vmem>>, vector<16xi32>,
        %get3A_253 = vector.shape_cast %get3A_252 : vector<16xi32> to vector<16xi32>
        %sub3A_254 = vector.broadcast %sub3A_70 : i32 to vector<16xi32>
        %sub3A_255 = arith.subi %get3A_253, %sub3A_254 : vector<16xi32>
        %swap3A_256 = arith.index_cast %mul3A_250 : i32 to index
        %swap3A_257 = tpu.vector_load %arg9[%swap3A_256] {strides = array<i32>} : memref<8192xi32, #tpu.memory_space<vmem>>, vector<16xi32>,
        %swap3A_258 = vector.shape_cast %swap3A_257 : vector<16xi32> to vector<16xi32>
        %swap3A_259 = vector.shape_cast %sub3A_255 : vector<16xi32> to vector<16xi32>
        tpu.vector_store %arg9[%swap3A_256], %swap3A_259 {strides = array<i32>} : memref<8192xi32, #tpu.memory_space<vmem>>, vector<16xi32>,
        %add3A_260 = arith.constant 19456 : i32
        %add3A_261 = vector.broadcast %add3A_260 : i32 to vector<16xi32>
        %add3A_262 = arith.addi %sub3A_255, %add3A_261 : vector<16xi32>
        %add3A_263 = arith.constant 4096 : i32
        %add3A_264 = arith.addi %add3A_263, %mul3A_250 : i32
        %swap3A_265 = arith.index_cast %add3A_264 : i32 to index
        %swap3A_266 = tpu.vector_load %arg9[%swap3A_265] {strides = array<i32>} : memref<8192xi32, #tpu.memory_space<vmem>>, vector<16xi32>,
        %swap3A_267 = vector.shape_cast %swap3A_266 : vector<16xi32> to vector<16xi32>
        %swap3A_268 = vector.shape_cast %add3A_262 : vector<16xi32> to vector<16xi32>
        tpu.vector_store %arg9[%swap3A_265], %swap3A_268 {strides = array<i32>} : memref<8192xi32, #tpu.memory_space<vmem>>, vector<16xi32>,
      }
      %scan3A_76 = arith.constant 32 : i32
    } else {
    }
    %add3A_25 = arith.constant 4096 : i32
    %add3A_26 = arith.addi %min3A_3, %add3A_25 : i32
    %dma_start3A = tpu.memref_slice %arg4[%add3A_26] : memref<1000000xi32, #tpu.memory_space<hbm>> -> memref<4096xi32, #tpu.memory_space<hbm>>
    %dma_start3A_27 = tpu.memref_slice %arg4[%add3A_26] : memref<1000000xi32, #tpu.memory_space<hbm>> -> memref<4096xi32, #tpu.memory_space<hbm>>
    tpu.enqueue_dma source(%dma_start3A_27 : memref<4096xi32, #tpu.memory_space<hbm>>) target(%arg8 : memref<4096xi32, #tpu.memory_space<vmem>>) target_semaphore(%arg16 : memref<!tpu.dma_semaphore, #tpu.memory_space<semaphore_mem>>)
    %scan3A = arith.constant 0 : i32
    %scan3A_28 = arith.constant 4 : i32
    %scan3A_29 = arith.addi %scan3A, %scan3A_28 : i32
    %scan3A_30 = arith.constant 1 : i32
    %scan3A_31 = scf.for %scan3A_64 = %scan3A to %scan3A_29 step %scan3A_30 iter_args(%scan3A_65 = %lt3A_22) -> (i1)  : i32 {
      %mul3A_66 = arith.constant 2 : i32
      %mul3A_67 = arith.muli %scan3A_64, %mul3A_66 : i32
      %add3A_68 = arith.constant 0 : i32
      %add3A_69 = arith.addi %mul3A_67, %add3A_68 : i32
      %add3A_70 = arith.constant 1 : i32
      %add3A_71 = arith.addi %add3A_69, %add3A_70 : i32
      %lt3A_72 = arith.constant 8 : i32
      %lt3A_73 = arith.cmpi slt, %add3A_71, %lt3A_72 : i32
      %convert_element_type3A_74 = arith.extui %lt3A_73 : i1 to i32
      %cond3A_75 = arith.constant 0 : i32
      %cond3A_76 = arith.cmpi ne, %convert_element_type3A_74, %cond3A_75 : i32
      scf.if %cond3A_76 {
        %dma_wait3A_206 = arith.constant 0 : i32
        %dma_wait3A_207 = tpu.memref_slice %arg4[%dma_wait3A_206] : memref<1000000xi32, #tpu.memory_space<hbm>> -> memref<4096xi32, #tpu.memory_space<hbm>>
        %dma_wait3A_208 = arith.constant 0 : i32
        %dma_wait3A_209 = tpu.memref_slice %arg4[%dma_wait3A_208] : memref<1000000xi32, #tpu.memory_space<hbm>> -> memref<4096xi32, #tpu.memory_space<hbm>>
        tpu.wait_dma2 semaphore(%arg16 : memref<!tpu.dma_semaphore, #tpu.memory_space<semaphore_mem>>) src(%dma_wait3A_209 : memref<4096xi32, #tpu.memory_space<hbm>>) dst(%arg8 : memref<4096xi32, #tpu.memory_space<vmem>>)
      } else {
      }
      %add3A_77 = arith.constant 1 : i32
      %add3A_78 = arith.addi %add3A_69, %add3A_77 : i32
      %get3A_79 = arith.constant 0 : index
      %get3A_80 = tpu.vector_load %arg8[%get3A_79] {strides = array<i32>} : memref<4096xi32, #tpu.memory_space<vmem>>, vector<16xi32>,
      %get3A_81 = vector.shape_cast %get3A_80 : vector<16xi32> to vector<16xi32>
      %slice3A_82 = vector.extract_strided_slice %get3A_81 {offsets = [0], sizes = [1], strides = [1]} : vector<16xi32> to vector<1xi32>
      %squeeze3A_83 = vector.extract %slice3A_82[0] : i32 from vector<1xi32>
      %get3A_84 = arith.constant 4080 : index
      %get3A_85 = tpu.vector_load %arg8[%get3A_84] {strides = array<i32>} : memref<4096xi32, #tpu.memory_space<vmem>>, vector<16xi32>,
      %get3A_86 = vector.shape_cast %get3A_85 : vector<16xi32> to vector<16xi32>
      %slice3A_87 = vector.extract_strided_slice %get3A_86 {offsets = [15], sizes = [1], strides = [1]} : vector<16xi32> to vector<1xi32>
      %squeeze3A_88 = vector.extract %slice3A_87[0] : i32 from vector<1xi32>
      %shift_right_arithmetic3A_89 = arith.constant 7 : i32
      %shift_right_arithmetic3A_90 = arith.shrsi %squeeze3A_83, %shift_right_arithmetic3A_89 : i32
      %shift_left3A_91 = arith.constant 7 : i32
      %shift_left3A_92 = arith.shli %shift_right_arithmetic3A_90, %shift_left3A_91 : i32
      %min3A_93 = arith.constant 8369152 : i32
      %min3A_94 = arith.minsi %shift_left3A_92, %min3A_93 : i32
      %sub3A_95 = arith.subi %squeeze3A_88, %min3A_94 : i32
      %lt3A_96 = arith.constant 19456 : i32
      %lt3A_97 = arith.cmpi slt, %sub3A_95, %lt3A_96 : i32
      %and3A_98 = arith.andi %lt3A_97, %lt3A_73 : i1
      %convert_element_type3A_99 = arith.extui %and3A_98 : i1 to i32
      %cond3A_100 = arith.constant 0 : i32
      %cond3A_101 = arith.cmpi ne, %convert_element_type3A_99, %cond3A_100 : i32
      scf.if %cond3A_101 {
        %multiple_of3A_206 = tpu.assume_multiple %min3A_94, 128 : i32
        %dma_start3A_207 = tpu.memref_slice %arg14[%multiple_of3A] : memref<622592xf32, #tpu.memory_space<vmem_shared>> -> memref<19456xf32, #tpu.memory_space<vmem_shared>>
        %dma_start3A_208 = tpu.memref_slice %arg2[%multiple_of3A_206] : memref<8388608xf32, #tpu.memory_space<hbm>> -> memref<19456xf32, #tpu.memory_space<hbm>>
        tpu.enqueue_dma source(%dma_start3A_208 : memref<19456xf32, #tpu.memory_space<hbm>>) target(%dma_start3A_207 : memref<19456xf32, #tpu.memory_space<vmem_shared>>) target_semaphore(%arg18 : memref<!tpu.dma_semaphore, #tpu.memory_space<semaphore_mem>>)
        %multiple_of3A_209 = tpu.assume_multiple %min3A_94, 128 : i32
        %dma_start3A_210 = tpu.memref_slice %arg14[%multiple_of3A_10] : memref<622592xf32, #tpu.memory_space<vmem_shared>> -> memref<19456xf32, #tpu.memory_space<vmem_shared>>
        %dma_start3A_211 = tpu.memref_slice %arg3[%multiple_of3A_209] : memref<8388608xf32, #tpu.memory_space<hbm>> -> memref<19456xf32, #tpu.memory_space<hbm>>
        tpu.enqueue_dma source(%dma_start3A_211 : memref<19456xf32, #tpu.memory_space<hbm>>) target(%dma_start3A_210 : memref<19456xf32, #tpu.memory_space<vmem_shared>>) target_semaphore(%arg18 : memref<!tpu.dma_semaphore, #tpu.memory_space<semaphore_mem>>)
        %sub3A_212 = arith.subi %min3A_94, %mul3A_7 : i32
        %scan3A_213 = arith.constant 0 : i32
        %scan3A_214 = arith.constant 0 : i32
        %scan3A_215 = arith.constant 32 : i32
        %scan3A_216 = arith.addi %scan3A_214, %scan3A_215 : i32
        %scan3A_217 = arith.constant 1 : i32
        scf.for %scan3A_219 = %scan3A_214 to %scan3A_216 step %scan3A_217  : i32 {
          %mul3A_220 = arith.constant 8 : i32
          %mul3A_221 = arith.muli %scan3A_219, %mul3A_220 : i32
          %add3A_222 = arith.constant 0 : i32
          %add3A_223 = arith.addi %mul3A_221, %add3A_222 : i32
          %mul3A_224 = arith.constant 16 : i32
          %mul3A_225 = arith.muli %add3A_223, %mul3A_224 : i32
          %get3A_226 = arith.index_cast %mul3A_225 : i32 to index
          %get3A_227 = tpu.vector_load %arg8[%get3A_226] {strides = array<i32>} : memref<4096xi32, #tpu.memory_space<vmem>>, vector<16xi32>,
          %get3A_228 = vector.shape_cast %get3A_227 : vector<16xi32> to vector<16xi32>
          %sub3A_229 = vector.broadcast %sub3A_212 : i32 to vector<16xi32>
          %sub3A_230 = arith.subi %get3A_228, %sub3A_229 : vector<16xi32>
          %swap3A = arith.index_cast %mul3A_225 : i32 to index
          %swap3A_231 = tpu.vector_load %arg10[%swap3A] {strides = array<i32>} : memref<8192xi32, #tpu.memory_space<vmem>>, vector<16xi32>,
          %swap3A_232 = vector.shape_cast %swap3A_231 : vector<16xi32> to vector<16xi32>
          %swap3A_233 = vector.shape_cast %sub3A_230 : vector<16xi32> to vector<16xi32>
          tpu.vector_store %arg10[%swap3A], %swap3A_233 {strides = array<i32>} : memref<8192xi32, #tpu.memory_space<vmem>>, vector<16xi32>,
          %add3A_234 = arith.constant 19456 : i32
          %add3A_235 = vector.broadcast %add3A_234 : i32 to vector<16xi32>
          %add3A_236 = arith.addi %sub3A_230, %add3A_235 : vector<16xi32>
          %add3A_237 = arith.constant 4096 : i32
          %add3A_238 = arith.addi %add3A_237, %mul3A_225 : i32
          %swap3A_239 = arith.index_cast %add3A_238 : i32 to index
          %swap3A_240 = tpu.vector_load %arg10[%swap3A_239] {strides = array<i32>} : memref<8192xi32, #tpu.memory_space<vmem>>, vector<16xi32>,
          %swap3A_241 = vector.shape_cast %swap3A_240 : vector<16xi32> to vector<16xi32>
          %swap3A_242 = vector.shape_cast %add3A_236 : vector<16xi32> to vector<16xi32>
          tpu.vector_store %arg10[%swap3A_239], %swap3A_242 {strides = array<i32>} : memref<8192xi32, #tpu.memory_space<vmem>>, vector<16xi32>,
          %mul3A_243 = arith.constant 8 : i32
          %mul3A_244 = arith.muli %scan3A_219, %mul3A_243 : i32
          %add3A_245 = arith.constant 1 : i32
          %add3A_246 = arith.addi %mul3A_244, %add3A_245 : i32
          %mul3A_247 = arith.constant 16 : i32
          %mul3A_248 = arith.muli %add3A_246, %mul3A_247 : i32
          %get3A_249 = arith.index_cast %mul3A_248 : i32 to index
          %get3A_250 = tpu.vector_load %arg8[%get3A_249] {strides = array<i32>} : memref<4096xi32, #tpu.memory_space<vmem>>, vector<16xi32>,
          %get3A_251 = vector.shape_cast %get3A_250 : vector<16xi32> to vector<16xi32>
          %sub3A_252 = vector.broadcast %sub3A_212 : i32 to vector<16xi32>
          %sub3A_253 = arith.subi %get3A_251, %sub3A_252 : vector<16xi32>
          %swap3A_254 = arith.index_cast %mul3A_248 : i32 to index
          %swap3A_255 = tpu.vector_load %arg10[%swap3A_254] {strides = array<i32>} : memref<8192xi32, #tpu.memory_space<vmem>>, vector<16xi32>,
          %swap3A_256 = vector.shape_cast %swap3A_255 : vector<16xi32> to vector<16xi32>
          %swap3A_257 = vector.shape_cast %sub3A_253 : vector<16xi32> to vector<16xi32>
          tpu.vector_store %arg10[%swap3A_254], %swap3A_257 {strides = array<i32>} : memref<8192xi32, #tpu.memory_space<vmem>>, vector<16xi32>,
          %add3A_258 = arith.constant 19456 : i32
          %add3A_259 = vector.broadcast %add3A_258 : i32 to vector<16xi32>
          %add3A_260 = arith.addi %sub3A_253, %add3A_259 : vector<16xi32>
          %add3A_261 = arith.constant 4096 : i32
          %add3A_262 = arith.addi %add3A_261, %mul3A_248 : i32
          %swap3A_263 = arith.index_cast %add3A_262 : i32 to index
          %swap3A_264 = tpu.vector_load %arg10[%swap3A_263] {strides = array<i32>} : memref<8192xi32, #tpu.memory_space<vmem>>, vector<16xi32>,
          %swap3A_265 = vector.shape_cast %swap3A_264 : vector<16xi32> to vector<16xi32>
          %swap3A_266 = vector.shape_cast %add3A_260 : vector<16xi32> to vector<16xi32>
          tpu.vector_store %arg10[%swap3A_263], %swap3A_266 {strides = array<i32>} : memref<8192xi32, #tpu.memory_space<vmem>>, vector<16xi32>,
          %mul3A_267 = arith.constant 8 : i32
          %mul3A_268 = arith.muli %scan3A_219, %mul3A_267 : i32
          %add3A_269 = arith.constant 2 : i32
          %add3A_270 = arith.addi %mul3A_268, %add3A_269 : i32
          %mul3A_271 = arith.constant 16 : i32
          %mul3A_272 = arith.muli %add3A_270, %mul3A_271 : i32
          %get3A_273 = arith.index_cast %mul3A_272 : i32 to index
          %get3A_274 = tpu.vector_load %arg8[%get3A_273] {strides = array<i32>} : memref<4096xi32, #tpu.memory_space<vmem>>, vector<16xi32>,
          %get3A_275 = vector.shape_cast %get3A_274 : vector<16xi32> to vector<16xi32>
          %sub3A_276 = vector.broadcast %sub3A_212 : i32 to vector<16xi32>
          %sub3A_277 = arith.subi %get3A_275, %sub3A_276 : vector<16xi32>
          %swap3A_278 = arith.index_cast %mul3A_272 : i32 to index
          %swap3A_279 = tpu.vector_load %arg10[%swap3A_278] {strides = array<i32>} : memref<8192xi32, #tpu.memory_space<vmem>>, vector<16xi32>,
          %swap3A_280 = vector.shape_cast %swap3A_279 : vector<16xi32> to vector<16xi32>
          %swap3A_281 = vector.shape_cast %sub3A_277 : vector<16xi32> to vector<16xi32>
          tpu.vector_store %arg10[%swap3A_278], %swap3A_281 {strides = array<i32>} : memref<8192xi32, #tpu.memory_space<vmem>>, vector<16xi32>,
          %add3A_282 = arith.constant 19456 : i32
          %add3A_283 = vector.broadcast %add3A_282 : i32 to vector<16xi32>
          %add3A_284 = arith.addi %sub3A_277, %add3A_283 : vector<16xi32>
          %add3A_285 = arith.constant 4096 : i32
          %add3A_286 = arith.addi %add3A_285, %mul3A_272 : i32
          %swap3A_287 = arith.index_cast %add3A_286 : i32 to index
          %swap3A_288 = tpu.vector_load %arg10[%swap3A_287] {strides = array<i32>} : memref<8192xi32, #tpu.memory_space<vmem>>, vector<16xi32>,
          %swap3A_289 = vector.shape_cast %swap3A_288 : vector<16xi32> to vector<16xi32>
          %swap3A_290 = vector.shape_cast %add3A_284 : vector<16xi32> to vector<16xi32>
          tpu.vector_store %arg10[%swap3A_287], %swap3A_290 {strides = array<i32>} : memref<8192xi32, #tpu.memory_space<vmem>>, vector<16xi32>,
          %mul3A_291 = arith.constant 8 : i32
          %mul3A_292 = arith.muli %scan3A_219, %mul3A_291 : i32
          %add3A_293 = arith.constant 3 : i32
          %add3A_294 = arith.addi %mul3A_292, %add3A_293 : i32
          %mul3A_295 = arith.constant 16 : i32
          %mul3A_296 = arith.muli %add3A_294, %mul3A_295 : i32
          %get3A_297 = arith.index_cast %mul3A_296 : i32 to index
          %get3A_298 = tpu.vector_load %arg8[%get3A_297] {strides = array<i32>} : memref<4096xi32, #tpu.memory_space<vmem>>, vector<16xi32>,
          %get3A_299 = vector.shape_cast %get3A_298 : vector<16xi32> to vector<16xi32>
          %sub3A_300 = vector.broadcast %sub3A_212 : i32 to vector<16xi32>
          %sub3A_301 = arith.subi %get3A_299, %sub3A_300 : vector<16xi32>
          %swap3A_302 = arith.index_cast %mul3A_296 : i32 to index
          %swap3A_303 = tpu.vector_load %arg10[%swap3A_302] {strides = array<i32>} : memref<8192xi32, #tpu.memory_space<vmem>>, vector<16xi32>,
          %swap3A_304 = vector.shape_cast %swap3A_303 : vector<16xi32> to vector<16xi32>
          %swap3A_305 = vector.shape_cast %sub3A_301 : vector<16xi32> to vector<16xi32>
          tpu.vector_store %arg10[%swap3A_302], %swap3A_305 {strides = array<i32>} : memref<8192xi32, #tpu.memory_space<vmem>>, vector<16xi32>,
          %add3A_306 = arith.constant 19456 : i32
          %add3A_307 = vector.broadcast %add3A_306 : i32 to vector<16xi32>
          %add3A_308 = arith.addi %sub3A_301, %add3A_307 : vector<16xi32>
          %add3A_309 = arith.constant 4096 : i32
          %add3A_310 = arith.addi %add3A_309, %mul3A_296 : i32
          %swap3A_311 = arith.index_cast %add3A_310 : i32 to index
          %swap3A_312 = tpu.vector_load %arg10[%swap3A_311] {strides = array<i32>} : memref<8192xi32, #tpu.memory_space<vmem>>, vector<16xi32>,
          %swap3A_313 = vector.shape_cast %swap3A_312 : vector<16xi32> to vector<16xi32>
          %swap3A_314 = vector.shape_cast %add3A_308 : vector<16xi32> to vector<16xi32>
          tpu.vector_store %arg10[%swap3A_311], %swap3A_314 {strides = array<i32>} : memref<8192xi32, #tpu.memory_space<vmem>>, vector<16xi32>,
          %mul3A_315 = arith.constant 8 : i32
          %mul3A_316 = arith.muli %scan3A_219, %mul3A_315 : i32
          %add3A_317 = arith.constant 4 : i32
          %add3A_318 = arith.addi %mul3A_316, %add3A_317 : i32
          %mul3A_319 = arith.constant 16 : i32
          %mul3A_320 = arith.muli %add3A_318, %mul3A_319 : i32
          %get3A_321 = arith.index_cast %mul3A_320 : i32 to index
          %get3A_322 = tpu.vector_load %arg8[%get3A_321] {strides = array<i32>} : memref<4096xi32, #tpu.memory_space<vmem>>, vector<16xi32>,
          %get3A_323 = vector.shape_cast %get3A_322 : vector<16xi32> to vector<16xi32>
          %sub3A_324 = vector.broadcast %sub3A_212 : i32 to vector<16xi32>
          %sub3A_325 = arith.subi %get3A_323, %sub3A_324 : vector<16xi32>
          %swap3A_326 = arith.index_cast %mul3A_320 : i32 to index
          %swap3A_327 = tpu.vector_load %arg10[%swap3A_326] {strides = array<i32>} : memref<8192xi32, #tpu.memory_space<vmem>>, vector<16xi32>,
          %swap3A_328 = vector.shape_cast %swap3A_327 : vector<16xi32> to vector<16xi32>
          %swap3A_329 = vector.shape_cast %sub3A_325 : vector<16xi32> to vector<16xi32>
          tpu.vector_store %arg10[%swap3A_326], %swap3A_329 {strides = array<i32>} : memref<8192xi32, #tpu.memory_space<vmem>>, vector<16xi32>,
          %add3A_330 = arith.constant 19456 : i32
          %add3A_331 = vector.broadcast %add3A_330 : i32 to vector<16xi32>
          %add3A_332 = arith.addi %sub3A_325, %add3A_331 : vector<16xi32>
          %add3A_333 = arith.constant 4096 : i32
          %add3A_334 = arith.addi %add3A_333, %mul3A_320 : i32
          %swap3A_335 = arith.index_cast %add3A_334 : i32 to index
          %swap3A_336 = tpu.vector_load %arg10[%swap3A_335] {strides = array<i32>} : memref<8192xi32, #tpu.memory_space<vmem>>, vector<16xi32>,
          %swap3A_337 = vector.shape_cast %swap3A_336 : vector<16xi32> to vector<16xi32>
          %swap3A_338 = vector.shape_cast %add3A_332 : vector<16xi32> to vector<16xi32>
          tpu.vector_store %arg10[%swap3A_335], %swap3A_338 {strides = array<i32>} : memref<8192xi32, #tpu.memory_space<vmem>>, vector<16xi32>,
          %mul3A_339 = arith.constant 8 : i32
          %mul3A_340 = arith.muli %scan3A_219, %mul3A_339 : i32
          %add3A_341 = arith.constant 5 : i32
          %add3A_342 = arith.addi %mul3A_340, %add3A_341 : i32
          %mul3A_343 = arith.constant 16 : i32
          %mul3A_344 = arith.muli %add3A_342, %mul3A_343 : i32
          %get3A_345 = arith.index_cast %mul3A_344 : i32 to index
          %get3A_346 = tpu.vector_load %arg8[%get3A_345] {strides = array<i32>} : memref<4096xi32, #tpu.memory_space<vmem>>, vector<16xi32>,
          %get3A_347 = vector.shape_cast %get3A_346 : vector<16xi32> to vector<16xi32>
          %sub3A_348 = vector.broadcast %sub3A_212 : i32 to vector<16xi32>
          %sub3A_349 = arith.subi %get3A_347, %sub3A_348 : vector<16xi32>
          %swap3A_350 = arith.index_cast %mul3A_344 : i32 to index
          %swap3A_351 = tpu.vector_load %arg10[%swap3A_350] {strides = array<i32>} : memref<8192xi32, #tpu.memory_space<vmem>>, vector<16xi32>,
          %swap3A_352 = vector.shape_cast %swap3A_351 : vector<16xi32> to vector<16xi32>
          %swap3A_353 = vector.shape_cast %sub3A_349 : vector<16xi32> to vector<16xi32>
          tpu.vector_store %arg10[%swap3A_350], %swap3A_353 {strides = array<i32>} : memref<8192xi32, #tpu.memory_space<vmem>>, vector<16xi32>,
          %add3A_354 = arith.constant 19456 : i32
          %add3A_355 = vector.broadcast %add3A_354 : i32 to vector<16xi32>
          %add3A_356 = arith.addi %sub3A_349, %add3A_355 : vector<16xi32>
          %add3A_357 = arith.constant 4096 : i32
          %add3A_358 = arith.addi %add3A_357, %mul3A_344 : i32
          %swap3A_359 = arith.index_cast %add3A_358 : i32 to index
          %swap3A_360 = tpu.vector_load %arg10[%swap3A_359] {strides = array<i32>} : memref<8192xi32, #tpu.memory_space<vmem>>, vector<16xi32>,
          %swap3A_361 = vector.shape_cast %swap3A_360 : vector<16xi32> to vector<16xi32>
          %swap3A_362 = vector.shape_cast %add3A_356 : vector<16xi32> to vector<16xi32>
          tpu.vector_store %arg10[%swap3A_359], %swap3A_362 {strides = array<i32>} : memref<8192xi32, #tpu.memory_space<vmem>>, vector<16xi32>,
          %mul3A_363 = arith.constant 8 : i32
          %mul3A_364 = arith.muli %scan3A_219, %mul3A_363 : i32
          %add3A_365 = arith.constant 6 : i32
          %add3A_366 = arith.addi %mul3A_364, %add3A_365 : i32
          %mul3A_367 = arith.constant 16 : i32
          %mul3A_368 = arith.muli %add3A_366, %mul3A_367 : i32
          %get3A_369 = arith.index_cast %mul3A_368 : i32 to index
          %get3A_370 = tpu.vector_load %arg8[%get3A_369] {strides = array<i32>} : memref<4096xi32, #tpu.memory_space<vmem>>, vector<16xi32>,
          %get3A_371 = vector.shape_cast %get3A_370 : vector<16xi32> to vector<16xi32>
          %sub3A_372 = vector.broadcast %sub3A_212 : i32 to vector<16xi32>
          %sub3A_373 = arith.subi %get3A_371, %sub3A_372 : vector<16xi32>
          %swap3A_374 = arith.index_cast %mul3A_368 : i32 to index
          %swap3A_375 = tpu.vector_load %arg10[%swap3A_374] {strides = array<i32>} : memref<8192xi32, #tpu.memory_space<vmem>>, vector<16xi32>,
          %swap3A_376 = vector.shape_cast %swap3A_375 : vector<16xi32> to vector<16xi32>
          %swap3A_377 = vector.shape_cast %sub3A_373 : vector<16xi32> to vector<16xi32>
          tpu.vector_store %arg10[%swap3A_374], %swap3A_377 {strides = array<i32>} : memref<8192xi32, #tpu.memory_space<vmem>>, vector<16xi32>,
          %add3A_378 = arith.constant 19456 : i32
          %add3A_379 = vector.broadcast %add3A_378 : i32 to vector<16xi32>
          %add3A_380 = arith.addi %sub3A_373, %add3A_379 : vector<16xi32>
          %add3A_381 = arith.constant 4096 : i32
          %add3A_382 = arith.addi %add3A_381, %mul3A_368 : i32
          %swap3A_383 = arith.index_cast %add3A_382 : i32 to index
          %swap3A_384 = tpu.vector_load %arg10[%swap3A_383] {strides = array<i32>} : memref<8192xi32, #tpu.memory_space<vmem>>, vector<16xi32>,
          %swap3A_385 = vector.shape_cast %swap3A_384 : vector<16xi32> to vector<16xi32>
          %swap3A_386 = vector.shape_cast %add3A_380 : vector<16xi32> to vector<16xi32>
          tpu.vector_store %arg10[%swap3A_383], %swap3A_386 {strides = array<i32>} : memref<8192xi32, #tpu.memory_space<vmem>>, vector<16xi32>,
          %mul3A_387 = arith.constant 8 : i32
          %mul3A_388 = arith.muli %scan3A_219, %mul3A_387 : i32
          %add3A_389 = arith.constant 7 : i32
          %add3A_390 = arith.addi %mul3A_388, %add3A_389 : i32
          %mul3A_391 = arith.constant 16 : i32
          %mul3A_392 = arith.muli %add3A_390, %mul3A_391 : i32
          %get3A_393 = arith.index_cast %mul3A_392 : i32 to index
          %get3A_394 = tpu.vector_load %arg8[%get3A_393] {strides = array<i32>} : memref<4096xi32, #tpu.memory_space<vmem>>, vector<16xi32>,
          %get3A_395 = vector.shape_cast %get3A_394 : vector<16xi32> to vector<16xi32>
          %sub3A_396 = vector.broadcast %sub3A_212 : i32 to vector<16xi32>
          %sub3A_397 = arith.subi %get3A_395, %sub3A_396 : vector<16xi32>
          %swap3A_398 = arith.index_cast %mul3A_392 : i32 to index
          %swap3A_399 = tpu.vector_load %arg10[%swap3A_398] {strides = array<i32>} : memref<8192xi32, #tpu.memory_space<vmem>>, vector<16xi32>,
          %swap3A_400 = vector.shape_cast %swap3A_399 : vector<16xi32> to vector<16xi32>
          %swap3A_401 = vector.shape_cast %sub3A_397 : vector<16xi32> to vector<16xi32>
          tpu.vector_store %arg10[%swap3A_398], %swap3A_401 {strides = array<i32>} : memref<8192xi32, #tpu.memory_space<vmem>>, vector<16xi32>,
          %add3A_402 = arith.constant 19456 : i32
          %add3A_403 = vector.broadcast %add3A_402 : i32 to vector<16xi32>
          %add3A_404 = arith.addi %sub3A_397, %add3A_403 : vector<16xi32>
          %add3A_405 = arith.constant 4096 : i32
          %add3A_406 = arith.addi %add3A_405, %mul3A_392 : i32
          %swap3A_407 = arith.index_cast %add3A_406 : i32 to index
          %swap3A_408 = tpu.vector_load %arg10[%swap3A_407] {strides = array<i32>} : memref<8192xi32, #tpu.memory_space<vmem>>, vector<16xi32>,
          %swap3A_409 = vector.shape_cast %swap3A_408 : vector<16xi32> to vector<16xi32>
          %swap3A_410 = vector.shape_cast %add3A_404 : vector<16xi32> to vector<16xi32>
          tpu.vector_store %arg10[%swap3A_407], %swap3A_410 {strides = array<i32>} : memref<8192xi32, #tpu.memory_space<vmem>>, vector<16xi32>,
        }
        %scan3A_218 = arith.constant 32 : i32
      } else {
      }
      %ge3A = arith.constant 2 : i32
      %ge3A_102 = arith.cmpi sge, %add3A_69, %ge3A : i32
      %convert_element_type3A_103 = arith.extui %ge3A_102 : i1 to i32
      %cond3A_104 = arith.constant 0 : i32
      %cond3A_105 = arith.cmpi ne, %convert_element_type3A_103, %cond3A_104 : i32
      scf.if %cond3A_105 {
        %dma_wait3A_206 = arith.constant 0 : i32
        %dma_wait3A_207 = tpu.memref_slice %arg11[%dma_wait3A_206] : memref<8192xf32, #tpu.memory_space<vmem>> -> memref<4096xf32, #tpu.memory_space<vmem>>
        %dma_wait3A_208 = arith.constant 0 : i32
        %dma_wait3A_209 = tpu.memref_slice %arg5[%dma_wait3A_208] : memref<1000000xf32, #tpu.memory_space<hbm>> -> memref<4096xf32, #tpu.memory_space<hbm>>
        %dma_wait3A_210 = arith.constant 0 : i32
        %dma_wait3A_211 = tpu.memref_slice %arg5[%dma_wait3A_210] : memref<1000000xf32, #tpu.memory_space<hbm>> -> memref<4096xf32, #tpu.memory_space<hbm>>
        %dma_wait3A_212 = arith.constant 0 : i32
        %dma_wait3A_213 = tpu.memref_slice %arg11[%dma_wait3A_212] : memref<8192xf32, #tpu.memory_space<vmem>> -> memref<4096xf32, #tpu.memory_space<vmem>>
        tpu.wait_dma2 semaphore(%arg20 : memref<!tpu.dma_semaphore, #tpu.memory_space<semaphore_mem>>) src(%dma_wait3A_213 : memref<4096xf32, #tpu.memory_space<vmem>>) dst(%dma_wait3A_211 : memref<4096xf32, #tpu.memory_space<hbm>>)
        %dma_wait3A_214 = arith.constant 4096 : i32
        %dma_wait3A_215 = tpu.memref_slice %arg11[%dma_wait3A_214] : memref<8192xf32, #tpu.memory_space<vmem>> -> memref<4096xf32, #tpu.memory_space<vmem>>
        %dma_wait3A_216 = arith.constant 0 : i32
        %dma_wait3A_217 = tpu.memref_slice %arg6[%dma_wait3A_216] : memref<1000000xf32, #tpu.memory_space<hbm>> -> memref<4096xf32, #tpu.memory_space<hbm>>
        %dma_wait3A_218 = arith.constant 0 : i32
        %dma_wait3A_219 = tpu.memref_slice %arg6[%dma_wait3A_218] : memref<1000000xf32, #tpu.memory_space<hbm>> -> memref<4096xf32, #tpu.memory_space<hbm>>
        %dma_wait3A_220 = arith.constant 4096 : i32
        %dma_wait3A_221 = tpu.memref_slice %arg11[%dma_wait3A_220] : memref<8192xf32, #tpu.memory_space<vmem>> -> memref<4096xf32, #tpu.memory_space<vmem>>
        tpu.wait_dma2 semaphore(%arg22 : memref<!tpu.dma_semaphore, #tpu.memory_space<semaphore_mem>>) src(%dma_wait3A_221 : memref<4096xf32, #tpu.memory_space<vmem>>) dst(%dma_wait3A_219 : memref<4096xf32, #tpu.memory_space<hbm>>)
      } else {
      }
      %convert_element_type3A_106 = arith.extui %scan3A_65 : i1 to i32
      %cond3A_107 = arith.constant 0 : i32
      %cond3A_108 = arith.cmpi ne, %convert_element_type3A_106, %cond3A_107 : i32
      scf.if %cond3A_108 {
        %dma_wait3A_206 = tpu.memref_slice %arg13[%multiple_of3A] : memref<622592xf32, #tpu.memory_space<vmem_shared>> -> memref<19456xf32, #tpu.memory_space<vmem_shared>>
        %dma_wait3A_207 = arith.constant 0 : i32
        %dma_wait3A_208 = tpu.memref_slice %arg2[%dma_wait3A_207] : memref<8388608xf32, #tpu.memory_space<hbm>> -> memref<19456xf32, #tpu.memory_space<hbm>>
        tpu.wait_dma2 semaphore(%arg17 : memref<!tpu.dma_semaphore, #tpu.memory_space<semaphore_mem>>) src(%dma_wait3A_208 : memref<19456xf32, #tpu.memory_space<hbm>>) dst(%dma_wait3A_206 : memref<19456xf32, #tpu.memory_space<vmem_shared>>)
        %dma_wait3A_209 = tpu.memref_slice %arg13[%multiple_of3A_10] : memref<622592xf32, #tpu.memory_space<vmem_shared>> -> memref<19456xf32, #tpu.memory_space<vmem_shared>>
        %dma_wait3A_210 = arith.constant 0 : i32
        %dma_wait3A_211 = tpu.memref_slice %arg3[%dma_wait3A_210] : memref<8388608xf32, #tpu.memory_space<hbm>> -> memref<19456xf32, #tpu.memory_space<hbm>>
        tpu.wait_dma2 semaphore(%arg17 : memref<!tpu.dma_semaphore, #tpu.memory_space<semaphore_mem>>) src(%dma_wait3A_211 : memref<19456xf32, #tpu.memory_space<hbm>>) dst(%dma_wait3A_209 : memref<19456xf32, #tpu.memory_space<vmem_shared>>)
        %dma_start3A_212 = arith.constant 0 : i32
        %dma_start3A_213 = tpu.memref_slice %arg13[%dma_start3A_212] : memref<622592xf32, #tpu.memory_space<vmem_shared>> -> memref<622592xf32, #tpu.memory_space<vmem_shared>>
        tpu.enqueue_indirect_dma source(%dma_start3A_213 : memref<622592xf32, #tpu.memory_space<vmem_shared>>) target(%arg11 : memref<8192xf32, #tpu.memory_space<vmem>>) offsets(%arg9 : memref<8192xi32, #tpu.memory_space<vmem>>) semaphore(%arg19 : memref<!tpu.dma_semaphore, #tpu.memory_space<semaphore_mem>>)
        %dma_wait3A_214 = arith.constant 0 : i32
        %dma_wait3A_215 = tpu.memref_slice %arg13[%dma_wait3A_214] : memref<622592xf32, #tpu.memory_space<vmem_shared>> -> memref<622592xf32, #tpu.memory_space<vmem_shared>>
        tpu.wait_indirect_dma semaphore(%arg19 : memref<!tpu.dma_semaphore, #tpu.memory_space<semaphore_mem>>) src(%dma_wait3A_215 : memref<622592xf32, #tpu.memory_space<vmem_shared>>) dst(%arg11 : memref<8192xf32, #tpu.memory_space<vmem>>)
      } else {
      }
      %not3A = arith.constant true
      %not3A_109 = arith.xori %scan3A_65, %not3A : i1
      %convert_element_type3A_110 = arith.extui %not3A_109 : i1 to i32
      %cond3A_111 = arith.constant 0 : i32
      %cond3A_112 = arith.cmpi ne, %convert_element_type3A_110, %cond3A_111 : i32
      scf.if %cond3A_112 {
        %dma_start3A_206 = arith.constant 0 : i32
        %dma_start3A_207 = tpu.memref_slice %arg11[%dma_start3A_206] : memref<8192xf32, #tpu.memory_space<vmem>> -> memref<4096xf32, #tpu.memory_space<vmem>>
        %dma_start3A_208 = arith.constant 0 : i32
        %dma_start3A_209 = tpu.memref_slice %arg2[%dma_start3A_208] : memref<8388608xf32, #tpu.memory_space<hbm>> -> memref<8388608xf32, #tpu.memory_space<hbm>>
        tpu.enqueue_indirect_dma source(%dma_start3A_209 : memref<8388608xf32, #tpu.memory_space<hbm>>) target(%dma_start3A_207 : memref<4096xf32, #tpu.memory_space<vmem>>) offsets(%arg7 : memref<4096xi32, #tpu.memory_space<vmem>>) semaphore(%arg19 : memref<!tpu.dma_semaphore, #tpu.memory_space<semaphore_mem>>)
        %dma_start3A_210 = arith.constant 4096 : i32
        %dma_start3A_211 = tpu.memref_slice %arg11[%dma_start3A_210] : memref<8192xf32, #tpu.memory_space<vmem>> -> memref<4096xf32, #tpu.memory_space<vmem>>
        %dma_start3A_212 = arith.constant 0 : i32
        %dma_start3A_213 = tpu.memref_slice %arg3[%dma_start3A_212] : memref<8388608xf32, #tpu.memory_space<hbm>> -> memref<8388608xf32, #tpu.memory_space<hbm>>
        tpu.enqueue_indirect_dma source(%dma_start3A_213 : memref<8388608xf32, #tpu.memory_space<hbm>>) target(%dma_start3A_211 : memref<4096xf32, #tpu.memory_space<vmem>>) offsets(%arg7 : memref<4096xi32, #tpu.memory_space<vmem>>) semaphore(%arg19 : memref<!tpu.dma_semaphore, #tpu.memory_space<semaphore_mem>>)
        %dma_wait3A_214 = arith.constant 0 : i32
        %dma_wait3A_215 = tpu.memref_slice %arg11[%dma_wait3A_214] : memref<8192xf32, #tpu.memory_space<vmem>> -> memref<4096xf32, #tpu.memory_space<vmem>>
        %dma_wait3A_216 = arith.constant 0 : i32
        %dma_wait3A_217 = tpu.memref_slice %arg2[%dma_wait3A_216] : memref<8388608xf32, #tpu.memory_space<hbm>> -> memref<8388608xf32, #tpu.memory_space<hbm>>
        tpu.wait_indirect_dma semaphore(%arg19 : memref<!tpu.dma_semaphore, #tpu.memory_space<semaphore_mem>>) src(%dma_wait3A_217 : memref<8388608xf32, #tpu.memory_space<hbm>>) dst(%dma_wait3A_215 : memref<4096xf32, #tpu.memory_space<vmem>>)
        %dma_wait3A_218 = arith.constant 4096 : i32
        %dma_wait3A_219 = tpu.memref_slice %arg11[%dma_wait3A_218] : memref<8192xf32, #tpu.memory_space<vmem>> -> memref<4096xf32, #tpu.memory_space<vmem>>
        %dma_wait3A_220 = arith.constant 0 : i32
        %dma_wait3A_221 = tpu.memref_slice %arg3[%dma_wait3A_220] : memref<8388608xf32, #tpu.memory_space<hbm>> -> memref<8388608xf32, #tpu.memory_space<hbm>>
        tpu.wait_indirect_dma semaphore(%arg19 : memref<!tpu.dma_semaphore, #tpu.memory_space<semaphore_mem>>) src(%dma_wait3A_221 : memref<8388608xf32, #tpu.memory_space<hbm>>) dst(%dma_wait3A_219 : memref<4096xf32, #tpu.memory_space<vmem>>)
      } else {
      }
      %mul3A_113 = arith.constant 4096 : i32
      %mul3A_114 = arith.muli %add3A_69, %mul3A_113 : i32
      %add3A_115 = arith.addi %min3A_3, %mul3A_114 : i32
      %dma_start3A_116 = arith.constant 0 : i32
      %dma_start3A_117 = tpu.memref_slice %arg11[%dma_start3A_116] : memref<8192xf32, #tpu.memory_space<vmem>> -> memref<4096xf32, #tpu.memory_space<vmem>>
      %dma_start3A_118 = tpu.memref_slice %arg5[%add3A_115] : memref<1000000xf32, #tpu.memory_space<hbm>> -> memref<4096xf32, #tpu.memory_space<hbm>>
      %dma_start3A_119 = tpu.memref_slice %arg5[%add3A_115] : memref<1000000xf32, #tpu.memory_space<hbm>> -> memref<4096xf32, #tpu.memory_space<hbm>>
      %dma_start3A_120 = arith.constant 0 : i32
      %dma_start3A_121 = tpu.memref_slice %arg11[%dma_start3A_120] : memref<8192xf32, #tpu.memory_space<vmem>> -> memref<4096xf32, #tpu.memory_space<vmem>>
      tpu.enqueue_dma source(%dma_start3A_121 : memref<4096xf32, #tpu.memory_space<vmem>>) target(%dma_start3A_119 : memref<4096xf32, #tpu.memory_space<hbm>>) target_semaphore(%arg20 : memref<!tpu.dma_semaphore, #tpu.memory_space<semaphore_mem>>)
      %dma_start3A_122 = arith.constant 4096 : i32
      %dma_start3A_123 = tpu.memref_slice %arg11[%dma_start3A_122] : memref<8192xf32, #tpu.memory_space<vmem>> -> memref<4096xf32, #tpu.memory_space<vmem>>
      %dma_start3A_124 = tpu.memref_slice %arg6[%add3A_115] : memref<1000000xf32, #tpu.memory_space<hbm>> -> memref<4096xf32, #tpu.memory_space<hbm>>
      %dma_start3A_125 = tpu.memref_slice %arg6[%add3A_115] : memref<1000000xf32, #tpu.memory_space<hbm>> -> memref<4096xf32, #tpu.memory_space<hbm>>
      %dma_start3A_126 = arith.constant 4096 : i32
      %dma_start3A_127 = tpu.memref_slice %arg11[%dma_start3A_126] : memref<8192xf32, #tpu.memory_space<vmem>> -> memref<4096xf32, #tpu.memory_space<vmem>>
      tpu.enqueue_dma source(%dma_start3A_127 : memref<4096xf32, #tpu.memory_space<vmem>>) target(%dma_start3A_125 : memref<4096xf32, #tpu.memory_space<hbm>>) target_semaphore(%arg22 : memref<!tpu.dma_semaphore, #tpu.memory_space<semaphore_mem>>)
      %add3A_128 = arith.constant 2 : i32
      %add3A_129 = arith.addi %add3A_69, %add3A_128 : i32
      %lt3A_130 = arith.constant 8 : i32
      %lt3A_131 = arith.cmpi slt, %add3A_129, %lt3A_130 : i32
      %convert_element_type3A_132 = arith.extui %lt3A_131 : i1 to i32
      %cond3A_133 = arith.constant 0 : i32
      %cond3A_134 = arith.cmpi ne, %convert_element_type3A_132, %cond3A_133 : i32
      scf.if %cond3A_134 {
        %add3A_206 = arith.constant 2 : i32
        %add3A_207 = arith.addi %add3A_69, %add3A_206 : i32
        %mul3A_208 = arith.constant 4096 : i32
        %mul3A_209 = arith.muli %add3A_207, %mul3A_208 : i32
        %add3A_210 = arith.addi %min3A_3, %mul3A_209 : i32
        %dma_start3A_211 = tpu.memref_slice %arg4[%add3A_210] : memref<1000000xi32, #tpu.memory_space<hbm>> -> memref<4096xi32, #tpu.memory_space<hbm>>
        %dma_start3A_212 = tpu.memref_slice %arg4[%add3A_210] : memref<1000000xi32, #tpu.memory_space<hbm>> -> memref<4096xi32, #tpu.memory_space<hbm>>
        tpu.enqueue_dma source(%dma_start3A_212 : memref<4096xi32, #tpu.memory_space<hbm>>) target(%arg7 : memref<4096xi32, #tpu.memory_space<vmem>>) target_semaphore(%arg15 : memref<!tpu.dma_semaphore, #tpu.memory_space<semaphore_mem>>)
      } else {
      }
      %mul3A_135 = arith.constant 2 : i32
      %mul3A_136 = arith.muli %scan3A_64, %mul3A_135 : i32
      %add3A_137 = arith.constant 1 : i32
      %add3A_138 = arith.addi %mul3A_136, %add3A_137 : i32
      %add3A_139 = arith.constant 1 : i32
      %add3A_140 = arith.addi %add3A_138, %add3A_139 : i32
      %lt3A_141 = arith.constant 8 : i32
      %lt3A_142 = arith.cmpi slt, %add3A_140, %lt3A_141 : i32
      %convert_element_type3A_143 = arith.extui %lt3A_142 : i1 to i32
      %cond3A_144 = arith.constant 0 : i32
      %cond3A_145 = arith.cmpi ne, %convert_element_type3A_143, %cond3A_144 : i32
      scf.if %cond3A_145 {
        %dma_wait3A_206 = arith.constant 0 : i32
        %dma_wait3A_207 = tpu.memref_slice %arg4[%dma_wait3A_206] : memref<1000000xi32, #tpu.memory_space<hbm>> -> memref<4096xi32, #tpu.memory_space<hbm>>
        %dma_wait3A_208 = arith.constant 0 : i32
        %dma_wait3A_209 = tpu.memref_slice %arg4[%dma_wait3A_208] : memref<1000000xi32, #tpu.memory_space<hbm>> -> memref<4096xi32, #tpu.memory_space<hbm>>
        tpu.wait_dma2 semaphore(%arg15 : memref<!tpu.dma_semaphore, #tpu.memory_space<semaphore_mem>>) src(%dma_wait3A_209 : memref<4096xi32, #tpu.memory_space<hbm>>) dst(%arg7 : memref<4096xi32, #tpu.memory_space<vmem>>)
      } else {
      }
      %add3A_146 = arith.constant 1 : i32
      %add3A_147 = arith.addi %add3A_138, %add3A_146 : i32
      %get3A_148 = arith.constant 0 : index
      %get3A_149 = tpu.vector_load %arg7[%get3A_148] {strides = array<i32>} : memref<4096xi32, #tpu.memory_space<vmem>>, vector<16xi32>,
      %get3A_150 = vector.shape_cast %get3A_149 : vector<16xi32> to vector<16xi32>
      %slice3A_151 = vector.extract_strided_slice %get3A_150 {offsets = [0], sizes = [1], strides = [1]} : vector<16xi32> to vector<1xi32>
      %squeeze3A_152 = vector.extract %slice3A_151[0] : i32 from vector<1xi32>
      %get3A_153 = arith.constant 4080 : index
      %get3A_154 = tpu.vector_load %arg7[%get3A_153] {strides = array<i32>} : memref<4096xi32, #tpu.memory_space<vmem>>, vector<16xi32>,
      %get3A_155 = vector.shape_cast %get3A_154 : vector<16xi32> to vector<16xi32>
      %slice3A_156 = vector.extract_strided_slice %get3A_155 {offsets = [15], sizes = [1], strides = [1]} : vector<16xi32> to vector<1xi32>
      %squeeze3A_157 = vector.extract %slice3A_156[0] : i32 from vector<1xi32>
      %shift_right_arithmetic3A_158 = arith.constant 7 : i32
      %shift_right_arithmetic3A_159 = arith.shrsi %squeeze3A_152, %shift_right_arithmetic3A_158 : i32
      %shift_left3A_160 = arith.constant 7 : i32
      %shift_left3A_161 = arith.shli %shift_right_arithmetic3A_159, %shift_left3A_160 : i32
      %min3A_162 = arith.constant 8369152 : i32
      %min3A_163 = arith.minsi %shift_left3A_161, %min3A_162 : i32
      %sub3A_164 = arith.subi %squeeze3A_157, %min3A_163 : i32
      %lt3A_165 = arith.constant 19456 : i32
      %lt3A_166 = arith.cmpi slt, %sub3A_164, %lt3A_165 : i32
      %and3A_167 = arith.andi %lt3A_166, %lt3A_142 : i1
      %convert_element_type3A_168 = arith.extui %and3A_167 : i1 to i32
      %cond3A_169 = arith.constant 0 : i32
      %cond3A_170 = arith.cmpi ne, %convert_element_type3A_168, %cond3A_169 : i32
      scf.if %cond3A_170 {
        %multiple_of3A_206 = tpu.assume_multiple %min3A_163, 128 : i32
        %dma_start3A_207 = tpu.memref_slice %arg13[%multiple_of3A] : memref<622592xf32, #tpu.memory_space<vmem_shared>> -> memref<19456xf32, #tpu.memory_space<vmem_shared>>
        %dma_start3A_208 = tpu.memref_slice %arg2[%multiple_of3A_206] : memref<8388608xf32, #tpu.memory_space<hbm>> -> memref<19456xf32, #tpu.memory_space<hbm>>
        tpu.enqueue_dma source(%dma_start3A_208 : memref<19456xf32, #tpu.memory_space<hbm>>) target(%dma_start3A_207 : memref<19456xf32, #tpu.memory_space<vmem_shared>>) target_semaphore(%arg17 : memref<!tpu.dma_semaphore, #tpu.memory_space<semaphore_mem>>)
        %multiple_of3A_209 = tpu.assume_multiple %min3A_163, 128 : i32
        %dma_start3A_210 = tpu.memref_slice %arg13[%multiple_of3A_10] : memref<622592xf32, #tpu.memory_space<vmem_shared>> -> memref<19456xf32, #tpu.memory_space<vmem_shared>>
        %dma_start3A_211 = tpu.memref_slice %arg3[%multiple_of3A_209] : memref<8388608xf32, #tpu.memory_space<hbm>> -> memref<19456xf32, #tpu.memory_space<hbm>>
        tpu.enqueue_dma source(%dma_start3A_211 : memref<19456xf32, #tpu.memory_space<hbm>>) target(%dma_start3A_210 : memref<19456xf32, #tpu.memory_space<vmem_shared>>) target_semaphore(%arg17 : memref<!tpu.dma_semaphore, #tpu.memory_space<semaphore_mem>>)
        %sub3A_212 = arith.subi %min3A_163, %mul3A_7 : i32
        %scan3A_213 = arith.constant 0 : i32
        %scan3A_214 = arith.constant 0 : i32
        %scan3A_215 = arith.constant 32 : i32
        %scan3A_216 = arith.addi %scan3A_214, %scan3A_215 : i32
        %scan3A_217 = arith.constant 1 : i32
        scf.for %scan3A_219 = %scan3A_214 to %scan3A_216 step %scan3A_217  : i32 {
          %mul3A_220 = arith.constant 8 : i32
          %mul3A_221 = arith.muli %scan3A_219, %mul3A_220 : i32
          %add3A_222 = arith.constant 0 : i32
          %add3A_223 = arith.addi %mul3A_221, %add3A_222 : i32
          %mul3A_224 = arith.constant 16 : i32
          %mul3A_225 = arith.muli %add3A_223, %mul3A_224 : i32
          %get3A_226 = arith.index_cast %mul3A_225 : i32 to index
          %get3A_227 = tpu.vector_load %arg7[%get3A_226] {strides = array<i32>} : memref<4096xi32, #tpu.memory_space<vmem>>, vector<16xi32>,
          %get3A_228 = vector.shape_cast %get3A_227 : vector<16xi32> to vector<16xi32>
          %sub3A_229 = vector.broadcast %sub3A_212 : i32 to vector<16xi32>
          %sub3A_230 = arith.subi %get3A_228, %sub3A_229 : vector<16xi32>
          %swap3A = arith.index_cast %mul3A_225 : i32 to index
          %swap3A_231 = tpu.vector_load %arg9[%swap3A] {strides = array<i32>} : memref<8192xi32, #tpu.memory_space<vmem>>, vector<16xi32>,
          %swap3A_232 = vector.shape_cast %swap3A_231 : vector<16xi32> to vector<16xi32>
          %swap3A_233 = vector.shape_cast %sub3A_230 : vector<16xi32> to vector<16xi32>
          tpu.vector_store %arg9[%swap3A], %swap3A_233 {strides = array<i32>} : memref<8192xi32, #tpu.memory_space<vmem>>, vector<16xi32>,
          %add3A_234 = arith.constant 19456 : i32
          %add3A_235 = vector.broadcast %add3A_234 : i32 to vector<16xi32>
          %add3A_236 = arith.addi %sub3A_230, %add3A_235 : vector<16xi32>
          %add3A_237 = arith.constant 4096 : i32
          %add3A_238 = arith.addi %add3A_237, %mul3A_225 : i32
          %swap3A_239 = arith.index_cast %add3A_238 : i32 to index
          %swap3A_240 = tpu.vector_load %arg9[%swap3A_239] {strides = array<i32>} : memref<8192xi32, #tpu.memory_space<vmem>>, vector<16xi32>,
          %swap3A_241 = vector.shape_cast %swap3A_240 : vector<16xi32> to vector<16xi32>
          %swap3A_242 = vector.shape_cast %add3A_236 : vector<16xi32> to vector<16xi32>
          tpu.vector_store %arg9[%swap3A_239], %swap3A_242 {strides = array<i32>} : memref<8192xi32, #tpu.memory_space<vmem>>, vector<16xi32>,
          %mul3A_243 = arith.constant 8 : i32
          %mul3A_244 = arith.muli %scan3A_219, %mul3A_243 : i32
          %add3A_245 = arith.constant 1 : i32
          %add3A_246 = arith.addi %mul3A_244, %add3A_245 : i32
          %mul3A_247 = arith.constant 16 : i32
          %mul3A_248 = arith.muli %add3A_246, %mul3A_247 : i32
          %get3A_249 = arith.index_cast %mul3A_248 : i32 to index
          %get3A_250 = tpu.vector_load %arg7[%get3A_249] {strides = array<i32>} : memref<4096xi32, #tpu.memory_space<vmem>>, vector<16xi32>,
          %get3A_251 = vector.shape_cast %get3A_250 : vector<16xi32> to vector<16xi32>
          %sub3A_252 = vector.broadcast %sub3A_212 : i32 to vector<16xi32>
          %sub3A_253 = arith.subi %get3A_251, %sub3A_252 : vector<16xi32>
          %swap3A_254 = arith.index_cast %mul3A_248 : i32 to index
          %swap3A_255 = tpu.vector_load %arg9[%swap3A_254] {strides = array<i32>} : memref<8192xi32, #tpu.memory_space<vmem>>, vector<16xi32>,
          %swap3A_256 = vector.shape_cast %swap3A_255 : vector<16xi32> to vector<16xi32>
          %swap3A_257 = vector.shape_cast %sub3A_253 : vector<16xi32> to vector<16xi32>
          tpu.vector_store %arg9[%swap3A_254], %swap3A_257 {strides = array<i32>} : memref<8192xi32, #tpu.memory_space<vmem>>, vector<16xi32>,
          %add3A_258 = arith.constant 19456 : i32
          %add3A_259 = vector.broadcast %add3A_258 : i32 to vector<16xi32>
          %add3A_260 = arith.addi %sub3A_253, %add3A_259 : vector<16xi32>
          %add3A_261 = arith.constant 4096 : i32
          %add3A_262 = arith.addi %add3A_261, %mul3A_248 : i32
          %swap3A_263 = arith.index_cast %add3A_262 : i32 to index
          %swap3A_264 = tpu.vector_load %arg9[%swap3A_263] {strides = array<i32>} : memref<8192xi32, #tpu.memory_space<vmem>>, vector<16xi32>,
          %swap3A_265 = vector.shape_cast %swap3A_264 : vector<16xi32> to vector<16xi32>
          %swap3A_266 = vector.shape_cast %add3A_260 : vector<16xi32> to vector<16xi32>
          tpu.vector_store %arg9[%swap3A_263], %swap3A_266 {strides = array<i32>} : memref<8192xi32, #tpu.memory_space<vmem>>, vector<16xi32>,
          %mul3A_267 = arith.constant 8 : i32
          %mul3A_268 = arith.muli %scan3A_219, %mul3A_267 : i32
          %add3A_269 = arith.constant 2 : i32
          %add3A_270 = arith.addi %mul3A_268, %add3A_269 : i32
          %mul3A_271 = arith.constant 16 : i32
          %mul3A_272 = arith.muli %add3A_270, %mul3A_271 : i32
          %get3A_273 = arith.index_cast %mul3A_272 : i32 to index
          %get3A_274 = tpu.vector_load %arg7[%get3A_273] {strides = array<i32>} : memref<4096xi32, #tpu.memory_space<vmem>>, vector<16xi32>,
          %get3A_275 = vector.shape_cast %get3A_274 : vector<16xi32> to vector<16xi32>
          %sub3A_276 = vector.broadcast %sub3A_212 : i32 to vector<16xi32>
          %sub3A_277 = arith.subi %get3A_275, %sub3A_276 : vector<16xi32>
          %swap3A_278 = arith.index_cast %mul3A_272 : i32 to index
          %swap3A_279 = tpu.vector_load %arg9[%swap3A_278] {strides = array<i32>} : memref<8192xi32, #tpu.memory_space<vmem>>, vector<16xi32>,
          %swap3A_280 = vector.shape_cast %swap3A_279 : vector<16xi32> to vector<16xi32>
          %swap3A_281 = vector.shape_cast %sub3A_277 : vector<16xi32> to vector<16xi32>
          tpu.vector_store %arg9[%swap3A_278], %swap3A_281 {strides = array<i32>} : memref<8192xi32, #tpu.memory_space<vmem>>, vector<16xi32>,
          %add3A_282 = arith.constant 19456 : i32
          %add3A_283 = vector.broadcast %add3A_282 : i32 to vector<16xi32>
          %add3A_284 = arith.addi %sub3A_277, %add3A_283 : vector<16xi32>
          %add3A_285 = arith.constant 4096 : i32
          %add3A_286 = arith.addi %add3A_285, %mul3A_272 : i32
          %swap3A_287 = arith.index_cast %add3A_286 : i32 to index
          %swap3A_288 = tpu.vector_load %arg9[%swap3A_287] {strides = array<i32>} : memref<8192xi32, #tpu.memory_space<vmem>>, vector<16xi32>,
          %swap3A_289 = vector.shape_cast %swap3A_288 : vector<16xi32> to vector<16xi32>
          %swap3A_290 = vector.shape_cast %add3A_284 : vector<16xi32> to vector<16xi32>
          tpu.vector_store %arg9[%swap3A_287], %swap3A_290 {strides = array<i32>} : memref<8192xi32, #tpu.memory_space<vmem>>, vector<16xi32>,
          %mul3A_291 = arith.constant 8 : i32
          %mul3A_292 = arith.muli %scan3A_219, %mul3A_291 : i32
          %add3A_293 = arith.constant 3 : i32
          %add3A_294 = arith.addi %mul3A_292, %add3A_293 : i32
          %mul3A_295 = arith.constant 16 : i32
          %mul3A_296 = arith.muli %add3A_294, %mul3A_295 : i32
          %get3A_297 = arith.index_cast %mul3A_296 : i32 to index
          %get3A_298 = tpu.vector_load %arg7[%get3A_297] {strides = array<i32>} : memref<4096xi32, #tpu.memory_space<vmem>>, vector<16xi32>,
          %get3A_299 = vector.shape_cast %get3A_298 : vector<16xi32> to vector<16xi32>
          %sub3A_300 = vector.broadcast %sub3A_212 : i32 to vector<16xi32>
          %sub3A_301 = arith.subi %get3A_299, %sub3A_300 : vector<16xi32>
          %swap3A_302 = arith.index_cast %mul3A_296 : i32 to index
          %swap3A_303 = tpu.vector_load %arg9[%swap3A_302] {strides = array<i32>} : memref<8192xi32, #tpu.memory_space<vmem>>, vector<16xi32>,
          %swap3A_304 = vector.shape_cast %swap3A_303 : vector<16xi32> to vector<16xi32>
          %swap3A_305 = vector.shape_cast %sub3A_301 : vector<16xi32> to vector<16xi32>
          tpu.vector_store %arg9[%swap3A_302], %swap3A_305 {strides = array<i32>} : memref<8192xi32, #tpu.memory_space<vmem>>, vector<16xi32>,
          %add3A_306 = arith.constant 19456 : i32
          %add3A_307 = vector.broadcast %add3A_306 : i32 to vector<16xi32>
          %add3A_308 = arith.addi %sub3A_301, %add3A_307 : vector<16xi32>
          %add3A_309 = arith.constant 4096 : i32
          %add3A_310 = arith.addi %add3A_309, %mul3A_296 : i32
          %swap3A_311 = arith.index_cast %add3A_310 : i32 to index
          %swap3A_312 = tpu.vector_load %arg9[%swap3A_311] {strides = array<i32>} : memref<8192xi32, #tpu.memory_space<vmem>>, vector<16xi32>,
          %swap3A_313 = vector.shape_cast %swap3A_312 : vector<16xi32> to vector<16xi32>
          %swap3A_314 = vector.shape_cast %add3A_308 : vector<16xi32> to vector<16xi32>
          tpu.vector_store %arg9[%swap3A_311], %swap3A_314 {strides = array<i32>} : memref<8192xi32, #tpu.memory_space<vmem>>, vector<16xi32>,
          %mul3A_315 = arith.constant 8 : i32
          %mul3A_316 = arith.muli %scan3A_219, %mul3A_315 : i32
          %add3A_317 = arith.constant 4 : i32
          %add3A_318 = arith.addi %mul3A_316, %add3A_317 : i32
          %mul3A_319 = arith.constant 16 : i32
          %mul3A_320 = arith.muli %add3A_318, %mul3A_319 : i32
          %get3A_321 = arith.index_cast %mul3A_320 : i32 to index
          %get3A_322 = tpu.vector_load %arg7[%get3A_321] {strides = array<i32>} : memref<4096xi32, #tpu.memory_space<vmem>>, vector<16xi32>,
          %get3A_323 = vector.shape_cast %get3A_322 : vector<16xi32> to vector<16xi32>
          %sub3A_324 = vector.broadcast %sub3A_212 : i32 to vector<16xi32>
          %sub3A_325 = arith.subi %get3A_323, %sub3A_324 : vector<16xi32>
          %swap3A_326 = arith.index_cast %mul3A_320 : i32 to index
          %swap3A_327 = tpu.vector_load %arg9[%swap3A_326] {strides = array<i32>} : memref<8192xi32, #tpu.memory_space<vmem>>, vector<16xi32>,
          %swap3A_328 = vector.shape_cast %swap3A_327 : vector<16xi32> to vector<16xi32>
          %swap3A_329 = vector.shape_cast %sub3A_325 : vector<16xi32> to vector<16xi32>
          tpu.vector_store %arg9[%swap3A_326], %swap3A_329 {strides = array<i32>} : memref<8192xi32, #tpu.memory_space<vmem>>, vector<16xi32>,
          %add3A_330 = arith.constant 19456 : i32
          %add3A_331 = vector.broadcast %add3A_330 : i32 to vector<16xi32>
          %add3A_332 = arith.addi %sub3A_325, %add3A_331 : vector<16xi32>
          %add3A_333 = arith.constant 4096 : i32
          %add3A_334 = arith.addi %add3A_333, %mul3A_320 : i32
          %swap3A_335 = arith.index_cast %add3A_334 : i32 to index
          %swap3A_336 = tpu.vector_load %arg9[%swap3A_335] {strides = array<i32>} : memref<8192xi32, #tpu.memory_space<vmem>>, vector<16xi32>,
          %swap3A_337 = vector.shape_cast %swap3A_336 : vector<16xi32> to vector<16xi32>
          %swap3A_338 = vector.shape_cast %add3A_332 : vector<16xi32> to vector<16xi32>
          tpu.vector_store %arg9[%swap3A_335], %swap3A_338 {strides = array<i32>} : memref<8192xi32, #tpu.memory_space<vmem>>, vector<16xi32>,
          %mul3A_339 = arith.constant 8 : i32
          %mul3A_340 = arith.muli %scan3A_219, %mul3A_339 : i32
          %add3A_341 = arith.constant 5 : i32
          %add3A_342 = arith.addi %mul3A_340, %add3A_341 : i32
          %mul3A_343 = arith.constant 16 : i32
          %mul3A_344 = arith.muli %add3A_342, %mul3A_343 : i32
          %get3A_345 = arith.index_cast %mul3A_344 : i32 to index
          %get3A_346 = tpu.vector_load %arg7[%get3A_345] {strides = array<i32>} : memref<4096xi32, #tpu.memory_space<vmem>>, vector<16xi32>,
          %get3A_347 = vector.shape_cast %get3A_346 : vector<16xi32> to vector<16xi32>
          %sub3A_348 = vector.broadcast %sub3A_212 : i32 to vector<16xi32>
          %sub3A_349 = arith.subi %get3A_347, %sub3A_348 : vector<16xi32>
          %swap3A_350 = arith.index_cast %mul3A_344 : i32 to index
          %swap3A_351 = tpu.vector_load %arg9[%swap3A_350] {strides = array<i32>} : memref<8192xi32, #tpu.memory_space<vmem>>, vector<16xi32>,
          %swap3A_352 = vector.shape_cast %swap3A_351 : vector<16xi32> to vector<16xi32>
          %swap3A_353 = vector.shape_cast %sub3A_349 : vector<16xi32> to vector<16xi32>
          tpu.vector_store %arg9[%swap3A_350], %swap3A_353 {strides = array<i32>} : memref<8192xi32, #tpu.memory_space<vmem>>, vector<16xi32>,
          %add3A_354 = arith.constant 19456 : i32
          %add3A_355 = vector.broadcast %add3A_354 : i32 to vector<16xi32>
          %add3A_356 = arith.addi %sub3A_349, %add3A_355 : vector<16xi32>
          %add3A_357 = arith.constant 4096 : i32
          %add3A_358 = arith.addi %add3A_357, %mul3A_344 : i32
          %swap3A_359 = arith.index_cast %add3A_358 : i32 to index
          %swap3A_360 = tpu.vector_load %arg9[%swap3A_359] {strides = array<i32>} : memref<8192xi32, #tpu.memory_space<vmem>>, vector<16xi32>,
          %swap3A_361 = vector.shape_cast %swap3A_360 : vector<16xi32> to vector<16xi32>
          %swap3A_362 = vector.shape_cast %add3A_356 : vector<16xi32> to vector<16xi32>
          tpu.vector_store %arg9[%swap3A_359], %swap3A_362 {strides = array<i32>} : memref<8192xi32, #tpu.memory_space<vmem>>, vector<16xi32>,
          %mul3A_363 = arith.constant 8 : i32
          %mul3A_364 = arith.muli %scan3A_219, %mul3A_363 : i32
          %add3A_365 = arith.constant 6 : i32
          %add3A_366 = arith.addi %mul3A_364, %add3A_365 : i32
          %mul3A_367 = arith.constant 16 : i32
          %mul3A_368 = arith.muli %add3A_366, %mul3A_367 : i32
          %get3A_369 = arith.index_cast %mul3A_368 : i32 to index
          %get3A_370 = tpu.vector_load %arg7[%get3A_369] {strides = array<i32>} : memref<4096xi32, #tpu.memory_space<vmem>>, vector<16xi32>,
          %get3A_371 = vector.shape_cast %get3A_370 : vector<16xi32> to vector<16xi32>
          %sub3A_372 = vector.broadcast %sub3A_212 : i32 to vector<16xi32>
          %sub3A_373 = arith.subi %get3A_371, %sub3A_372 : vector<16xi32>
          %swap3A_374 = arith.index_cast %mul3A_368 : i32 to index
          %swap3A_375 = tpu.vector_load %arg9[%swap3A_374] {strides = array<i32>} : memref<8192xi32, #tpu.memory_space<vmem>>, vector<16xi32>,
          %swap3A_376 = vector.shape_cast %swap3A_375 : vector<16xi32> to vector<16xi32>
          %swap3A_377 = vector.shape_cast %sub3A_373 : vector<16xi32> to vector<16xi32>
          tpu.vector_store %arg9[%swap3A_374], %swap3A_377 {strides = array<i32>} : memref<8192xi32, #tpu.memory_space<vmem>>, vector<16xi32>,
          %add3A_378 = arith.constant 19456 : i32
          %add3A_379 = vector.broadcast %add3A_378 : i32 to vector<16xi32>
          %add3A_380 = arith.addi %sub3A_373, %add3A_379 : vector<16xi32>
          %add3A_381 = arith.constant 4096 : i32
          %add3A_382 = arith.addi %add3A_381, %mul3A_368 : i32
          %swap3A_383 = arith.index_cast %add3A_382 : i32 to index
          %swap3A_384 = tpu.vector_load %arg9[%swap3A_383] {strides = array<i32>} : memref<8192xi32, #tpu.memory_space<vmem>>, vector<16xi32>,
          %swap3A_385 = vector.shape_cast %swap3A_384 : vector<16xi32> to vector<16xi32>
          %swap3A_386 = vector.shape_cast %add3A_380 : vector<16xi32> to vector<16xi32>
          tpu.vector_store %arg9[%swap3A_383], %swap3A_386 {strides = array<i32>} : memref<8192xi32, #tpu.memory_space<vmem>>, vector<16xi32>,
          %mul3A_387 = arith.constant 8 : i32
          %mul3A_388 = arith.muli %scan3A_219, %mul3A_387 : i32
          %add3A_389 = arith.constant 7 : i32
          %add3A_390 = arith.addi %mul3A_388, %add3A_389 : i32
          %mul3A_391 = arith.constant 16 : i32
          %mul3A_392 = arith.muli %add3A_390, %mul3A_391 : i32
          %get3A_393 = arith.index_cast %mul3A_392 : i32 to index
          %get3A_394 = tpu.vector_load %arg7[%get3A_393] {strides = array<i32>} : memref<4096xi32, #tpu.memory_space<vmem>>, vector<16xi32>,
          %get3A_395 = vector.shape_cast %get3A_394 : vector<16xi32> to vector<16xi32>
          %sub3A_396 = vector.broadcast %sub3A_212 : i32 to vector<16xi32>
          %sub3A_397 = arith.subi %get3A_395, %sub3A_396 : vector<16xi32>
          %swap3A_398 = arith.index_cast %mul3A_392 : i32 to index
          %swap3A_399 = tpu.vector_load %arg9[%swap3A_398] {strides = array<i32>} : memref<8192xi32, #tpu.memory_space<vmem>>, vector<16xi32>,
          %swap3A_400 = vector.shape_cast %swap3A_399 : vector<16xi32> to vector<16xi32>
          %swap3A_401 = vector.shape_cast %sub3A_397 : vector<16xi32> to vector<16xi32>
          tpu.vector_store %arg9[%swap3A_398], %swap3A_401 {strides = array<i32>} : memref<8192xi32, #tpu.memory_space<vmem>>, vector<16xi32>,
          %add3A_402 = arith.constant 19456 : i32
          %add3A_403 = vector.broadcast %add3A_402 : i32 to vector<16xi32>
          %add3A_404 = arith.addi %sub3A_397, %add3A_403 : vector<16xi32>
          %add3A_405 = arith.constant 4096 : i32
          %add3A_406 = arith.addi %add3A_405, %mul3A_392 : i32
          %swap3A_407 = arith.index_cast %add3A_406 : i32 to index
          %swap3A_408 = tpu.vector_load %arg9[%swap3A_407] {strides = array<i32>} : memref<8192xi32, #tpu.memory_space<vmem>>, vector<16xi32>,
          %swap3A_409 = vector.shape_cast %swap3A_408 : vector<16xi32> to vector<16xi32>
          %swap3A_410 = vector.shape_cast %add3A_404 : vector<16xi32> to vector<16xi32>
          tpu.vector_store %arg9[%swap3A_407], %swap3A_410 {strides = array<i32>} : memref<8192xi32, #tpu.memory_space<vmem>>, vector<16xi32>,
        }
        %scan3A_218 = arith.constant 32 : i32
      } else {
      }
      %ge3A_171 = arith.constant 2 : i32
      %ge3A_172 = arith.cmpi sge, %add3A_138, %ge3A_171 : i32
      %convert_element_type3A_173 = arith.extui %ge3A_172 : i1 to i32
      %cond3A_174 = arith.constant 0 : i32
      %cond3A_175 = arith.cmpi ne, %convert_element_type3A_173, %cond3A_174 : i32
      scf.if %cond3A_175 {
        %dma_wait3A_206 = arith.constant 0 : i32
        %dma_wait3A_207 = tpu.memref_slice %arg12[%dma_wait3A_206] : memref<8192xf32, #tpu.memory_space<vmem>> -> memref<4096xf32, #tpu.memory_space<vmem>>
        %dma_wait3A_208 = arith.constant 0 : i32
        %dma_wait3A_209 = tpu.memref_slice %arg5[%dma_wait3A_208] : memref<1000000xf32, #tpu.memory_space<hbm>> -> memref<4096xf32, #tpu.memory_space<hbm>>
        %dma_wait3A_210 = arith.constant 0 : i32
        %dma_wait3A_211 = tpu.memref_slice %arg5[%dma_wait3A_210] : memref<1000000xf32, #tpu.memory_space<hbm>> -> memref<4096xf32, #tpu.memory_space<hbm>>
        %dma_wait3A_212 = arith.constant 0 : i32
        %dma_wait3A_213 = tpu.memref_slice %arg12[%dma_wait3A_212] : memref<8192xf32, #tpu.memory_space<vmem>> -> memref<4096xf32, #tpu.memory_space<vmem>>
        tpu.wait_dma2 semaphore(%arg21 : memref<!tpu.dma_semaphore, #tpu.memory_space<semaphore_mem>>) src(%dma_wait3A_213 : memref<4096xf32, #tpu.memory_space<vmem>>) dst(%dma_wait3A_211 : memref<4096xf32, #tpu.memory_space<hbm>>)
        %dma_wait3A_214 = arith.constant 4096 : i32
        %dma_wait3A_215 = tpu.memref_slice %arg12[%dma_wait3A_214] : memref<8192xf32, #tpu.memory_space<vmem>> -> memref<4096xf32, #tpu.memory_space<vmem>>
        %dma_wait3A_216 = arith.constant 0 : i32
        %dma_wait3A_217 = tpu.memref_slice %arg6[%dma_wait3A_216] : memref<1000000xf32, #tpu.memory_space<hbm>> -> memref<4096xf32, #tpu.memory_space<hbm>>
        %dma_wait3A_218 = arith.constant 0 : i32
        %dma_wait3A_219 = tpu.memref_slice %arg6[%dma_wait3A_218] : memref<1000000xf32, #tpu.memory_space<hbm>> -> memref<4096xf32, #tpu.memory_space<hbm>>
        %dma_wait3A_220 = arith.constant 4096 : i32
        %dma_wait3A_221 = tpu.memref_slice %arg12[%dma_wait3A_220] : memref<8192xf32, #tpu.memory_space<vmem>> -> memref<4096xf32, #tpu.memory_space<vmem>>
        tpu.wait_dma2 semaphore(%arg23 : memref<!tpu.dma_semaphore, #tpu.memory_space<semaphore_mem>>) src(%dma_wait3A_221 : memref<4096xf32, #tpu.memory_space<vmem>>) dst(%dma_wait3A_219 : memref<4096xf32, #tpu.memory_space<hbm>>)
      } else {
      }
      %convert_element_type3A_176 = arith.extui %lt3A_97 : i1 to i32
      %cond3A_177 = arith.constant 0 : i32
      %cond3A_178 = arith.cmpi ne, %convert_element_type3A_176, %cond3A_177 : i32
      scf.if %cond3A_178 {
        %dma_wait3A_206 = tpu.memref_slice %arg14[%multiple_of3A] : memref<622592xf32, #tpu.memory_space<vmem_shared>> -> memref<19456xf32, #tpu.memory_space<vmem_shared>>
        %dma_wait3A_207 = arith.constant 0 : i32
        %dma_wait3A_208 = tpu.memref_slice %arg2[%dma_wait3A_207] : memref<8388608xf32, #tpu.memory_space<hbm>> -> memref<19456xf32, #tpu.memory_space<hbm>>
        tpu.wait_dma2 semaphore(%arg18 : memref<!tpu.dma_semaphore, #tpu.memory_space<semaphore_mem>>) src(%dma_wait3A_208 : memref<19456xf32, #tpu.memory_space<hbm>>) dst(%dma_wait3A_206 : memref<19456xf32, #tpu.memory_space<vmem_shared>>)
        %dma_wait3A_209 = tpu.memref_slice %arg14[%multiple_of3A_10] : memref<622592xf32, #tpu.memory_space<vmem_shared>> -> memref<19456xf32, #tpu.memory_space<vmem_shared>>
        %dma_wait3A_210 = arith.constant 0 : i32
        %dma_wait3A_211 = tpu.memref_slice %arg3[%dma_wait3A_210] : memref<8388608xf32, #tpu.memory_space<hbm>> -> memref<19456xf32, #tpu.memory_space<hbm>>
        tpu.wait_dma2 semaphore(%arg18 : memref<!tpu.dma_semaphore, #tpu.memory_space<semaphore_mem>>) src(%dma_wait3A_211 : memref<19456xf32, #tpu.memory_space<hbm>>) dst(%dma_wait3A_209 : memref<19456xf32, #tpu.memory_space<vmem_shared>>)
        %dma_start3A_212 = arith.constant 0 : i32
        %dma_start3A_213 = tpu.memref_slice %arg14[%dma_start3A_212] : memref<622592xf32, #tpu.memory_space<vmem_shared>> -> memref<622592xf32, #tpu.memory_space<vmem_shared>>
        tpu.enqueue_indirect_dma source(%dma_start3A_213 : memref<622592xf32, #tpu.memory_space<vmem_shared>>) target(%arg12 : memref<8192xf32, #tpu.memory_space<vmem>>) offsets(%arg10 : memref<8192xi32, #tpu.memory_space<vmem>>) semaphore(%arg19 : memref<!tpu.dma_semaphore, #tpu.memory_space<semaphore_mem>>)
        %dma_wait3A_214 = arith.constant 0 : i32
        %dma_wait3A_215 = tpu.memref_slice %arg14[%dma_wait3A_214] : memref<622592xf32, #tpu.memory_space<vmem_shared>> -> memref<622592xf32, #tpu.memory_space<vmem_shared>>
        tpu.wait_indirect_dma semaphore(%arg19 : memref<!tpu.dma_semaphore, #tpu.memory_space<semaphore_mem>>) src(%dma_wait3A_215 : memref<622592xf32, #tpu.memory_space<vmem_shared>>) dst(%arg12 : memref<8192xf32, #tpu.memory_space<vmem>>)
      } else {
      }
      %not3A_179 = arith.constant true
      %not3A_180 = arith.xori %lt3A_97, %not3A_179 : i1
      %convert_element_type3A_181 = arith.extui %not3A_180 : i1 to i32
      %cond3A_182 = arith.constant 0 : i32
      %cond3A_183 = arith.cmpi ne, %convert_element_type3A_181, %cond3A_182 : i32
      scf.if %cond3A_183 {
        %dma_start3A_206 = arith.constant 0 : i32
        %dma_start3A_207 = tpu.memref_slice %arg12[%dma_start3A_206] : memref<8192xf32, #tpu.memory_space<vmem>> -> memref<4096xf32, #tpu.memory_space<vmem>>
        %dma_start3A_208 = arith.constant 0 : i32
        %dma_start3A_209 = tpu.memref_slice %arg2[%dma_start3A_208] : memref<8388608xf32, #tpu.memory_space<hbm>> -> memref<8388608xf32, #tpu.memory_space<hbm>>
        tpu.enqueue_indirect_dma source(%dma_start3A_209 : memref<8388608xf32, #tpu.memory_space<hbm>>) target(%dma_start3A_207 : memref<4096xf32, #tpu.memory_space<vmem>>) offsets(%arg8 : memref<4096xi32, #tpu.memory_space<vmem>>) semaphore(%arg19 : memref<!tpu.dma_semaphore, #tpu.memory_space<semaphore_mem>>)
        %dma_start3A_210 = arith.constant 4096 : i32
        %dma_start3A_211 = tpu.memref_slice %arg12[%dma_start3A_210] : memref<8192xf32, #tpu.memory_space<vmem>> -> memref<4096xf32, #tpu.memory_space<vmem>>
        %dma_start3A_212 = arith.constant 0 : i32
        %dma_start3A_213 = tpu.memref_slice %arg3[%dma_start3A_212] : memref<8388608xf32, #tpu.memory_space<hbm>> -> memref<8388608xf32, #tpu.memory_space<hbm>>
        tpu.enqueue_indirect_dma source(%dma_start3A_213 : memref<8388608xf32, #tpu.memory_space<hbm>>) target(%dma_start3A_211 : memref<4096xf32, #tpu.memory_space<vmem>>) offsets(%arg8 : memref<4096xi32, #tpu.memory_space<vmem>>) semaphore(%arg19 : memref<!tpu.dma_semaphore, #tpu.memory_space<semaphore_mem>>)
        %dma_wait3A_214 = arith.constant 0 : i32
        %dma_wait3A_215 = tpu.memref_slice %arg12[%dma_wait3A_214] : memref<8192xf32, #tpu.memory_space<vmem>> -> memref<4096xf32, #tpu.memory_space<vmem>>
        %dma_wait3A_216 = arith.constant 0 : i32
        %dma_wait3A_217 = tpu.memref_slice %arg2[%dma_wait3A_216] : memref<8388608xf32, #tpu.memory_space<hbm>> -> memref<8388608xf32, #tpu.memory_space<hbm>>
        tpu.wait_indirect_dma semaphore(%arg19 : memref<!tpu.dma_semaphore, #tpu.memory_space<semaphore_mem>>) src(%dma_wait3A_217 : memref<8388608xf32, #tpu.memory_space<hbm>>) dst(%dma_wait3A_215 : memref<4096xf32, #tpu.memory_space<vmem>>)
        %dma_wait3A_218 = arith.constant 4096 : i32
        %dma_wait3A_219 = tpu.memref_slice %arg12[%dma_wait3A_218] : memref<8192xf32, #tpu.memory_space<vmem>> -> memref<4096xf32, #tpu.memory_space<vmem>>
        %dma_wait3A_220 = arith.constant 0 : i32
        %dma_wait3A_221 = tpu.memref_slice %arg3[%dma_wait3A_220] : memref<8388608xf32, #tpu.memory_space<hbm>> -> memref<8388608xf32, #tpu.memory_space<hbm>>
        tpu.wait_indirect_dma semaphore(%arg19 : memref<!tpu.dma_semaphore, #tpu.memory_space<semaphore_mem>>) src(%dma_wait3A_221 : memref<8388608xf32, #tpu.memory_space<hbm>>) dst(%dma_wait3A_219 : memref<4096xf32, #tpu.memory_space<vmem>>)
      } else {
      }
      %mul3A_184 = arith.constant 4096 : i32
      %mul3A_185 = arith.muli %add3A_138, %mul3A_184 : i32
      %add3A_186 = arith.addi %min3A_3, %mul3A_185 : i32
      %dma_start3A_187 = arith.constant 0 : i32
      %dma_start3A_188 = tpu.memref_slice %arg12[%dma_start3A_187] : memref<8192xf32, #tpu.memory_space<vmem>> -> memref<4096xf32, #tpu.memory_space<vmem>>
      %dma_start3A_189 = tpu.memref_slice %arg5[%add3A_186] : memref<1000000xf32, #tpu.memory_space<hbm>> -> memref<4096xf32, #tpu.memory_space<hbm>>
      %dma_start3A_190 = tpu.memref_slice %arg5[%add3A_186] : memref<1000000xf32, #tpu.memory_space<hbm>> -> memref<4096xf32, #tpu.memory_space<hbm>>
      %dma_start3A_191 = arith.constant 0 : i32
      %dma_start3A_192 = tpu.memref_slice %arg12[%dma_start3A_191] : memref<8192xf32, #tpu.memory_space<vmem>> -> memref<4096xf32, #tpu.memory_space<vmem>>
      tpu.enqueue_dma source(%dma_start3A_192 : memref<4096xf32, #tpu.memory_space<vmem>>) target(%dma_start3A_190 : memref<4096xf32, #tpu.memory_space<hbm>>) target_semaphore(%arg21 : memref<!tpu.dma_semaphore, #tpu.memory_space<semaphore_mem>>)
      %dma_start3A_193 = arith.constant 4096 : i32
      %dma_start3A_194 = tpu.memref_slice %arg12[%dma_start3A_193] : memref<8192xf32, #tpu.memory_space<vmem>> -> memref<4096xf32, #tpu.memory_space<vmem>>
      %dma_start3A_195 = tpu.memref_slice %arg6[%add3A_186] : memref<1000000xf32, #tpu.memory_space<hbm>> -> memref<4096xf32, #tpu.memory_space<hbm>>
      %dma_start3A_196 = tpu.memref_slice %arg6[%add3A_186] : memref<1000000xf32, #tpu.memory_space<hbm>> -> memref<4096xf32, #tpu.memory_space<hbm>>
      %dma_start3A_197 = arith.constant 4096 : i32
      %dma_start3A_198 = tpu.memref_slice %arg12[%dma_start3A_197] : memref<8192xf32, #tpu.memory_space<vmem>> -> memref<4096xf32, #tpu.memory_space<vmem>>
      tpu.enqueue_dma source(%dma_start3A_198 : memref<4096xf32, #tpu.memory_space<vmem>>) target(%dma_start3A_196 : memref<4096xf32, #tpu.memory_space<hbm>>) target_semaphore(%arg23 : memref<!tpu.dma_semaphore, #tpu.memory_space<semaphore_mem>>)
      %add3A_199 = arith.constant 2 : i32
      %add3A_200 = arith.addi %add3A_138, %add3A_199 : i32
      %lt3A_201 = arith.constant 8 : i32
      %lt3A_202 = arith.cmpi slt, %add3A_200, %lt3A_201 : i32
      %convert_element_type3A_203 = arith.extui %lt3A_202 : i1 to i32
      %cond3A_204 = arith.constant 0 : i32
      %cond3A_205 = arith.cmpi ne, %convert_element_type3A_203, %cond3A_204 : i32
      scf.if %cond3A_205 {
        %add3A_206 = arith.constant 2 : i32
        %add3A_207 = arith.addi %add3A_138, %add3A_206 : i32
        %mul3A_208 = arith.constant 4096 : i32
        %mul3A_209 = arith.muli %add3A_207, %mul3A_208 : i32
        %add3A_210 = arith.addi %min3A_3, %mul3A_209 : i32
        %dma_start3A_211 = tpu.memref_slice %arg4[%add3A_210] : memref<1000000xi32, #tpu.memory_space<hbm>> -> memref<4096xi32, #tpu.memory_space<hbm>>
        %dma_start3A_212 = tpu.memref_slice %arg4[%add3A_210] : memref<1000000xi32, #tpu.memory_space<hbm>> -> memref<4096xi32, #tpu.memory_space<hbm>>
        tpu.enqueue_dma source(%dma_start3A_212 : memref<4096xi32, #tpu.memory_space<hbm>>) target(%arg8 : memref<4096xi32, #tpu.memory_space<vmem>>) target_semaphore(%arg16 : memref<!tpu.dma_semaphore, #tpu.memory_space<semaphore_mem>>)
      } else {
      }
      scf.yield %lt3A_166 : i1
    }
    %scan3A_32 = arith.constant 4 : i32
    %dma_wait3A = arith.constant 0 : i32
    %dma_wait3A_33 = tpu.memref_slice %arg11[%dma_wait3A] : memref<8192xf32, #tpu.memory_space<vmem>> -> memref<4096xf32, #tpu.memory_space<vmem>>
    %dma_wait3A_34 = arith.constant 0 : i32
    %dma_wait3A_35 = tpu.memref_slice %arg5[%dma_wait3A_34] : memref<1000000xf32, #tpu.memory_space<hbm>> -> memref<4096xf32, #tpu.memory_space<hbm>>
    %dma_wait3A_36 = arith.constant 0 : i32
    %dma_wait3A_37 = tpu.memref_slice %arg5[%dma_wait3A_36] : memref<1000000xf32, #tpu.memory_space<hbm>> -> memref<4096xf32, #tpu.memory_space<hbm>>
    %dma_wait3A_38 = arith.constant 0 : i32
    %dma_wait3A_39 = tpu.memref_slice %arg11[%dma_wait3A_38] : memref<8192xf32, #tpu.memory_space<vmem>> -> memref<4096xf32, #tpu.memory_space<vmem>>
    tpu.wait_dma2 semaphore(%arg20 : memref<!tpu.dma_semaphore, #tpu.memory_space<semaphore_mem>>) src(%dma_wait3A_39 : memref<4096xf32, #tpu.memory_space<vmem>>) dst(%dma_wait3A_37 : memref<4096xf32, #tpu.memory_space<hbm>>)
    %dma_wait3A_40 = arith.constant 4096 : i32
    %dma_wait3A_41 = tpu.memref_slice %arg11[%dma_wait3A_40] : memref<8192xf32, #tpu.memory_space<vmem>> -> memref<4096xf32, #tpu.memory_space<vmem>>
    %dma_wait3A_42 = arith.constant 0 : i32
    %dma_wait3A_43 = tpu.memref_slice %arg6[%dma_wait3A_42] : memref<1000000xf32, #tpu.memory_space<hbm>> -> memref<4096xf32, #tpu.memory_space<hbm>>
    %dma_wait3A_44 = arith.constant 0 : i32
    %dma_wait3A_45 = tpu.memref_slice %arg6[%dma_wait3A_44] : memref<1000000xf32, #tpu.memory_space<hbm>> -> memref<4096xf32, #tpu.memory_space<hbm>>
    %dma_wait3A_46 = arith.constant 4096 : i32
    %dma_wait3A_47 = tpu.memref_slice %arg11[%dma_wait3A_46] : memref<8192xf32, #tpu.memory_space<vmem>> -> memref<4096xf32, #tpu.memory_space<vmem>>
    tpu.wait_dma2 semaphore(%arg22 : memref<!tpu.dma_semaphore, #tpu.memory_space<semaphore_mem>>) src(%dma_wait3A_47 : memref<4096xf32, #tpu.memory_space<vmem>>) dst(%dma_wait3A_45 : memref<4096xf32, #tpu.memory_space<hbm>>)
    %dma_wait3A_48 = arith.constant 0 : i32
    %dma_wait3A_49 = tpu.memref_slice %arg12[%dma_wait3A_48] : memref<8192xf32, #tpu.memory_space<vmem>> -> memref<4096xf32, #tpu.memory_space<vmem>>
    %dma_wait3A_50 = arith.constant 0 : i32
    %dma_wait3A_51 = tpu.memref_slice %arg5[%dma_wait3A_50] : memref<1000000xf32, #tpu.memory_space<hbm>> -> memref<4096xf32, #tpu.memory_space<hbm>>
    %dma_wait3A_52 = arith.constant 0 : i32
    %dma_wait3A_53 = tpu.memref_slice %arg5[%dma_wait3A_52] : memref<1000000xf32, #tpu.memory_space<hbm>> -> memref<4096xf32, #tpu.memory_space<hbm>>
    %dma_wait3A_54 = arith.constant 0 : i32
    %dma_wait3A_55 = tpu.memref_slice %arg12[%dma_wait3A_54] : memref<8192xf32, #tpu.memory_space<vmem>> -> memref<4096xf32, #tpu.memory_space<vmem>>
    tpu.wait_dma2 semaphore(%arg21 : memref<!tpu.dma_semaphore, #tpu.memory_space<semaphore_mem>>) src(%dma_wait3A_55 : memref<4096xf32, #tpu.memory_space<vmem>>) dst(%dma_wait3A_53 : memref<4096xf32, #tpu.memory_space<hbm>>)
    %dma_wait3A_56 = arith.constant 4096 : i32
    %dma_wait3A_57 = tpu.memref_slice %arg12[%dma_wait3A_56] : memref<8192xf32, #tpu.memory_space<vmem>> -> memref<4096xf32, #tpu.memory_space<vmem>>
    %dma_wait3A_58 = arith.constant 0 : i32
    %dma_wait3A_59 = tpu.memref_slice %arg6[%dma_wait3A_58] : memref<1000000xf32, #tpu.memory_space<hbm>> -> memref<4096xf32, #tpu.memory_space<hbm>>
    %dma_wait3A_60 = arith.constant 0 : i32
    %dma_wait3A_61 = tpu.memref_slice %arg6[%dma_wait3A_60] : memref<1000000xf32, #tpu.memory_space<hbm>> -> memref<4096xf32, #tpu.memory_space<hbm>>
    %dma_wait3A_62 = arith.constant 4096 : i32
    %dma_wait3A_63 = tpu.memref_slice %arg12[%dma_wait3A_62] : memref<8192xf32, #tpu.memory_space<vmem>> -> memref<4096xf32, #tpu.memory_space<vmem>>
    tpu.wait_dma2 semaphore(%arg23 : memref<!tpu.dma_semaphore, #tpu.memory_space<semaphore_mem>>) src(%dma_wait3A_63 : memref<4096xf32, #tpu.memory_space<vmem>>) dst(%dma_wait3A_61 : memref<4096xf32, #tpu.memory_space<hbm>>)
    return
  }
}

</mosaic_0001>

<sc_bundles>
// kernel: kernel.4.cloned.1.call-start
scs
__scs_entry_jumppad:
0x0: {  	(pc) =	sbr.rel $0x88, $3  }
0x1: {  	(tag) =	ssettag $0x0;
	lr =	simm.s32 $0x1  }
0x2: {  	[smem:$0x3F9E] =	sst lr;
	_ =	strace $0xD0000000  }
0x3: {  	_ = 	snop  }
0x4: {  	_ = 	snop  }
0x5: {  	_ = 	snop  }
0x6: {  	_ = 	snop  }
0x7: {  	_ = 	snop  }
__scs_overlays_trampoline_lowered:
0x8: {  	[smem:$0x3FAD] =	sst s0  }
0x9: {  	[smem:$0x3FAE] =	sst s1  }
0xa: {  	[smem:$0x3FAF] =	sst s2  }
0xb: {  	[smem:$0x3FB0] =	sst s3  }
0xc: {  	[smem:$0x3FB1] =	sst s4  }
0xd: {  	[smem:$0x3FB2] =	sst s5  }
0xe: {  	[smem:$0x3FB3] =	sst s6  }
0xf: {  	[smem:$0x3FB4] =	sst s7  }
0x10: {  	[smem:$0x3FB5] =	sst s8  }
0x11: {  	[smem:$0x3FB6] =	sst s9;
	s0 =	simm.s32 @!p0 $0x0  }
0x12: {  	s1 =	sld [smem:$0x3F9C];
	s0 =	simm.s32 @p0 $0x1  }
0x13: {  	[smem:$0x3FB7] =	sst s0;
	s0 =	simm.s32 @!p1 $0x0  }
0x14: {  	s2 =	sld [smem:$0x3F9B];
	s0 =	simm.s32 @p1 $0x1  }
0x15: {  	[smem:$0x3FB8] =	sst s0;
	s0 =	simm.s32 @!p2 $0x0  }
0x16: {  	s3 =	sld [smem:$0x3FDB];
	s0 =	simm.s32 @p2 $0x1  }
0x17: {  	s4 =	simm.s32 $0x1BF5;
	[smem:$0x3FBA] =	sst s0  }
0x18: {  	s0 =	sld [smem:$0x3F9D];
	_ =	swait.ge [sflag:s4], $0x0  }
0x19: {  	s7 =	sld [smem:$0x3F9E]  }
0x1a: {  	s8 =	sadd.s32 $0xFFFFE003, lr  }
0x1b: {  	s9 =	sadd.s32 $0xFFFFFEF7, lr;
	s5 =	simm.s32 $0xFFFFFFFF;
	p2 =	slt.u32 s8, $0xFFFFF086  }
0x1c: {  	p1 =	slt.u32 s9, $0xF7A;
	s5 =	simm.s32 @!p2 $0x0  }
0x1d: {  	s5 =	simm.s32 @p1 $0x1;
	p0 =	seq.s32 s7, s2  }
0x1e: {  	s7 =	smul.u32 @!p0 $0xF7A, s2;
	p2 =	seq.s32 @!p0 s5, $0x0  }
0x1f: {  	s9 =	smul.u32 $0xF7A, s1;
	s8 =	simm.s32 @!p0 $0x1BF5;
	p2 =	por !p2, p0  }
0x20: {  	[sflag:s8] =	ssyncset.s32 @!p0 $0xFFFFF086;
	s6 =	sadd.s32 @!p0 s3, s7;
	s7 =	simm.s32 @!p0 $0x108  }
0x21: {  	s3 =	sadd.s32 s3, s9;
	s6 =	sadd.s32 @!p0 $0x88, s6;
	s7 =	simm.s32 @p2 $0x1082  }
0x22: {  	[simem:s7], [sflag:s8] =	dma.local @!p0 [hbm:s6], $0xF7A  }
0x23: {  	s9 =	sor.u32 $0xD0000000, s2;
	s6 =	simm.s32 $0x108;
	_ =	swait.ge @!p0 [sflag:s8], $0x0  }
0x24: {  	s3 =	sadd.s32 $0x88, s3;
	s6 =	simm.s32 @!p1 $0x1082;
	[sflag:s4] =	ssyncset.s32 $0xFFFFF086  }
0x25: {  	[simem:s6], [sflag:s4] =	dma.local [hbm:s3], $0xF7A  }
0x26: {  	[smem:$0x3F9E] =	sst s1;
	(tag) =	ssettag s2;
	_ =	strace s9  }
0x27: {  	s1 =	sld [smem:$0x3FAE]  }
0x28: {  	s2 =	sld [smem:$0x3FAF]  }
0x29: {  	s4 =	sld [smem:$0x3FB1]  }
0x2a: {  	p0 =	seq.s32 s5, $0x0;
	s5 =	sld [smem:$0x3FB2]  }
0x2b: {  	s6 =	sld [smem:$0x3FB3]  }
0x2c: {  	s7 =	sld [smem:$0x3FB4]  }
0x2d: {  	s3 =	simm.s32 $0x108;
	s8 =	sld [smem:$0x3FB5]  }
0x2e: {  	s3 =	simm.s32 @!p0 $0x1082;
	s9 =	sld [smem:$0x3FB6]  }
0x2f: {  	lr =	sadd.s32 s0, s3;
	s0 =	sld [smem:$0x3FAD]  }
0x30: {  	s3 =	sld [smem:$0x3FB0]  }
0x31: {  	[smem:$0x3FB9] =	sst s10  }
0x32: {  	s10 =	sld [smem:$0x3FB7];
	_ =	sdelay $0x3  }
0x33: {  	p0 =	seq.s32 s10, $0x1;
	s10 =	sld [smem:$0x3FB9];
	_ =	sdelay $0x3  }
0x34: {  	[smem:$0x3FB9] =	sst s10  }
0x35: {  	s10 =	sld [smem:$0x3FB8];
	_ =	sdelay $0x3  }
0x36: {  	p1 =	seq.s32 s10, $0x1;
	s10 =	sld [smem:$0x3FB9];
	_ =	sdelay $0x3  }
0x37: {  	[smem:$0x3FB9] =	sst s10  }
0x38: {  	s10 =	sld [smem:$0x3FBA]  }
0x39: {  	_ = 	snop;
	(pc) =	sbr.ind lr, $3  }
0x3a: {  	_ = 	snop  }
0x3b: {  	_ = 	snop  }
0x3c: {  	p2 =	seq.s32 s10, $0x1;
	s10 =	sld [smem:$0x3FB9]  }
0x3d: {  	_ =	shalt  }
0x3e: {  	_ =	shalt  }
0x3f: {  	_ =	shalt  }
0x40: {  	_ =	shalt  }
0x41: {  	_ =	shalt  }
0x42: {  	_ =	shalt  }
0x43: {  	_ =	shalt  }
0x44: {  	_ =	shalt  }
0x45: {  	_ =	shalt  }
0x46: {  	_ =	shalt  }
0x47: {  	_ =	shalt  }
0x48: {  	_ =	shalt  }
0x49: {  	_ =	shalt  }
0x4a: {  	_ =	shalt  }
0x4b: {  	_ =	shalt  }
0x4c: {  	_ =	shalt  }
0x4d: {  	_ =	shalt  }
0x4e: {  	_ =	shalt  }
0x4f: {  	_ =	shalt  }
0x50: {  	_ =	shalt  }
0x51: {  	_ =	shalt  }
0x52: {  	_ =	shalt  }
0x53: {  	_ =	shalt  }
0x54: {  	_ =	shalt  }
0x55: {  	_ =	shalt  }
0x56: {  	_ =	shalt  }
0x57: {  	_ =	shalt  }
0x58: {  	_ =	shalt  }
0x59: {  	_ =	shalt  }
0x5a: {  	_ =	shalt  }
0x5b: {  	_ =	shalt  }
0x5c: {  	_ =	shalt  }
0x5d: {  	_ =	shalt  }
0x5e: {  	_ =	shalt  }
0x5f: {  	_ =	shalt  }
0x60: {  	_ =	shalt  }
0x61: {  	_ =	shalt  }
0x62: {  	_ =	shalt  }
0x63: {  	_ =	shalt  }
0x64: {  	_ =	shalt  }
0x65: {  	_ =	shalt  }
0x66: {  	_ =	shalt  }
0x67: {  	_ =	shalt  }
0x68: {  	_ =	shalt  }
0x69: {  	_ =	shalt  }
0x6a: {  	_ =	shalt  }
0x6b: {  	_ =	shalt  }
0x6c: {  	_ =	shalt  }
0x6d: {  	_ =	shalt  }
0x6e: {  	_ =	shalt  }
0x6f: {  	_ =	shalt  }
0x70: {  	_ =	shalt  }
0x71: {  	_ =	shalt  }
0x72: {  	_ =	shalt  }
0x73: {  	_ =	shalt  }
0x74: {  	_ =	shalt  }
0x75: {  	_ =	shalt  }
0x76: {  	_ =	shalt  }
0x77: {  	_ =	shalt  }
0x78: {  	_ =	shalt  }
0x79: {  	_ =	shalt  }
0x7a: {  	_ =	shalt  }
0x7b: {  	_ =	shalt  }
0x7c: {  	_ =	shalt  }
0x7d: {  	_ =	shalt  }
0x7e: {  	_ =	shalt  }
0x7f: {  	_ =	shalt  }
0x80: {  	_ =	shalt  }
0x81: {  	_ =	shalt  }
0x82: {  	_ =	shalt  }
0x83: {  	_ =	shalt  }
0x84: {  	_ =	shalt  }
0x85: {  	_ =	shalt  }
0x86: {  	_ =	shalt  }
0x87: {  	_ =	shalt  }
.Lfunc_end0:
.L_simem_size_0:
called_computation.2_lowered:
.L_overlay_start_0:
0x88: {  	s2 =	sld [smem:$0x3FD9]  }
0x89: {  	s3 =	sld [smem:$0x3FFE];
	_ =	sdelay $0x1  }
0x8a: {  	s1 =	srdreg.scid  }
0x8b: {  	s0 =	sand.u32 $0x1, s1  }
0x8c: {  	s17 =	sshll.u32 s0, $0xA;
	s2 =	sadd.s32 s3, s2  }
0x8d: {  	s2 =	sadd.s32 s2, s17  }
0x8e: {  	[smem:$0x3FC5] =	sst s2  }
0x8f: {  	_ = 	snop  }
0x90: {  	s18 =	sld [smem:$0x3FD0];
	(tm) =	ssettm $0x1  }
0x91: {  	s19 =	sld [smem:$0x3FFB];
	_ =	sdelay $0x3  }
0x92: {  	_ =	strace s19  }
0x93: {  	s2 =	sld [smem:$0x3FFC];
	_ =	sdelay $0x3  }
0x94: {  	_ =	strace s2  }
0x95: {  	s2 =	sld [smem:$0x3FFD];
	_ =	sdelay $0x3  }
0x96: {  	_ =	strace s2  }
0x97: {  	_ =	strace $0x8FFFFFFF  }
0x98: {  	s20 =	sld [smem:$0x3FDB];
	_ =	sdelay $0x1  }
0x99: {  	s4 =	simm.s32 $_scs_section_size  }
0x9a: {  	s5 =	simm.s32 $_size__tile_overlayer_lowered;
	s6 =	simm.s32 $_tile_overlayer_lowered  }
0x9b: {  	s7 =	simm.s32 $0x1BFF;
	s21 =	sshll.u32 s6, $0x1;
	s4 =	sadd.s32 s4, s20  }
0x9c: {  	s22 =	simm.s32 $0x0;
	s5 =	sshll.u32 s5, $0x1;
	s6 =	sadd.s32 s21, s4  }
0x9d: {  	[timem:s22], [sflag:s7] =	dma.local [hbm:s6], s5  }
0x9e: {  	_ =	swait.ge [sflag:s7], s5  }
0x9f: {  	s5 =	ssub.s32 $0x0, s5;
	[sflag:s7] =	ssyncset.done $0x0  }
0xa0: {  	[sflag:s7] =	ssyncadd.s32 s5;
	_ =	sdelay $0x1  }
0xa1: {  	s23 =	simm.s32 $0x1B8B  }
0xa2: {  	_ =	swait.ge [sflag:s23], $0x1  }
0xa3: {  	[sflag:s23] =	ssyncset.done $0x0  }
0xa4: {  	[sflag:s23] =	ssyncadd.s32 $0xFFFFFFFF  }
0xa5: {  	s5 =	sld [smem:$0x0]  }
0xa6: {  	s6 =	sand.u32 $0xFFFFFFFE, s1  }
0xa7: {  	p0 =	sne.s32 s1, s6  }
0xa8: {  	s6 =	sshll.u32 @p0 s6, $0xE  }
0xa9: {  	s6 =	sadd.s32 @p0 $0x11B8D, s6;
	s7 =	sshll.u32 @p0 s5, $0x11  }
0xaa: {  	s6 =	sor.u32 @p0 s7, s6  }
0xab: {  	[sflag:s6] =	ssyncadd.remote.s32 @p0 $0x1;
	_ =	sdelay $0x1  }
0xac: {  	s6 =	simm.s32 @p0 $0x1B8D  }
0xad: {  	_ =	swait.eq @p0 [sflag:s6], $0x1  }
0xae: {  	[sflag:s6] =	ssyncadd.s32 @p0 $0xFFFFFFFF  }
0xaf: {  	s7 =	sshll.u32 @!p0 s1, $0xE  }
0xb0: {  	s7 =	sor.u32 @!p0 $0x4000, s7;
	s6 =	simm.s32 @!p0 $0x1B8D  }
0xb1: {  	s5 =	sshll.u32 @!p0 s5, $0x11;
	s7 =	sadd.s32 @!p0 $0x11B8D, s7;
	_ =	swait.eq @!p0 [sflag:s6], $0x1  }
0xb2: {  	s5 =	sor.u32 @!p0 s5, s7;
	[sflag:s6] =	ssyncadd.s32 @!p0 $0xFFFFFFFF  }
0xb3: {  	s25 =	simm.s32 $0x1B8E;
	s24 =	sld [smem:$0x3FFE];
	[sflag:s5] =	ssyncadd.remote.s32 @!p0 $0x1  }
0xb4: {  	s26 =	simm.s32 $execute0_lowered;
	[smem:$0x3FD2] =	sst s25  }
0xb5: {  	s6 =	sshll.u32 s26, $0x1;
	_ =	strace $0x8000004F;
	[dreg:$0x1] =	wrdreg $0xFFFFFFFF  }
0xb6: {  	s28 =	simm.s32 $_size_execute0_lowered;
	s4 =	sadd.s32 s4, s6;
	[dreg:$0x0] =	wrdreg $0x0  }
0xb7: {  	s6 =	sshll.u32 s28, $0x1;
	[dreg:$0x2] =	wrdreg s4  }
0xb8: {  	[dreg:$0x3] =	wrdreg s6  }
0xb9: {  	[dreg:$0x4] =	wrdreg $0xC0  }
0xba: {  	_ =	task [dreg:s22], $0x5FFFF  }
0xbb: {  	[dreg:$0x1] =	wrdreg $0xFFFFFFFF  }
0xbc: {  	[dreg:$0x0] =	wrdreg $0x60  }
0xbd: {  	[dreg:$0x2] =	wrdreg s24  }
0xbe: {  	[dreg:$0x3] =	wrdreg s18  }
0xbf: {  	[dreg:$0x4] =	wrdreg $0xA0000  }
0xc0: {  	[dreg:$0x5] =	wrdreg $0x138000  }
0xc1: {  	[dreg:$0x6] =	wrdreg $0x9  }
0xc2: {  	_ =	task.clear_ibuf [dreg:s22], $0x7FFFF;
	_ =	strace $0x9000004F  }
0xc3: {  	s29 =	simm.s32 $0x9;
	_ =	strace $0x80000051  }
0xc4: {  	_ =	swait.ge [sflag:s29], $0x1  }
0xc5: {  	[sflag:s29] =	ssyncadd.s32 $0xFFFFFFFF  }
0xc6: {  	_ =	strace $0x90000051  }
0xc7: {  	_ =	sfence  }
0xc8: {  	s30 =	sld [smem:$0x0];
	_ =	sdelay $0x2  }
0xc9: {  	s31 =	sshll.u32 s1, $0xD;
	s1 =	sshrl.u32 s1, $0x2  }
0xca: {  	s4 =	sand.u32 $0x4000, s31;
	s1 =	sadd.s32 s1, s30  }
0xcb: {  	s0 =	sor.u32 s4, s0;
	s1 =	sshll.u32 s1, $0x11  }
0xcc: {  	s0 =	sor.u32 s1, s0  }
0xcd: {  	s0 =	sadd.s32 $0x8F2B, s0  }
0xce: {  	[sflag:s0] =	ssyncadd.remote.s32 $0x1  }
0xcf: {  	_ =	sfence.sel $0xFFFF  }
0xd0: {  	[dreg:$0x0] =	wrdreg $0xFFFFFFFF;
	(pc) =	sbr.abs _section_cstart, $3  }
0xd1: {  	[dreg:$0x1] =	wrdreg $0xFFFFFFFF  }
0xd2: {  	_ =	task.clear_ibuf [dreg:s22], $0x2FFFF;
	_ =	strace $0x9FFFFFFF  }
0xd3: {  	(tm) =	ssettm $0x7FFFFFFF  }
tec
execute0_lowered:
.L_overlay_start_1:
0x0: {  	(tag) =	ssettag $0x1  }
0x1: {  	s0 =	rddreg [dreg:$0x0]  }
0x2: {  	s1 =	rddreg [dreg:$0x1]  }
0x3: {  	s2 =	rddreg [dreg:$0x2]  }
0x4: {  	s3 =	rddreg [dreg:$0x3];
	s4 =	simm.s32 $0x0;
	s5 =	srdreg.scid  }
0x5: {  	s12 =	stileid.u32;
	s21 =	simm.s32 $0x1000;
	s22 =	simm.s32 $0x2  }
0x6: {  	s28 =	simm.s32 $0x8000;
	s29 =	simm.s32 $0x9000;
	[smem:$0x7FF] =	sst s4  }
0x7: {  	s6 =	sadd.s32 $0x2400, s0;
	s7 =	sadd.s32 $0x102400, s0;
	s5 =	sand.u32 $0x1, s5  }
0x8: {  	s8 =	sadd.s32 $0x25E200, s0;
	s9 =	sshll.u32 s12, $0x10;
	s10 =	sshll.u32 s5, $0xF  }
0x9: {  	_ =	strace $0x80000050;
	s5 =	ssub.s32 $0x2, s5;
	s11 =	sor.u32 s10, s9  }
0xa: {  	s9 =	smul.u32 $0x9800, s12;
	s10 =	sadd.s32 $0x27CC00, s0;
	s25 =	sshrl.u32 s5, $0x1  }
0xb: {  	s11 =	smin.u32 s11, $0xEC240;
	s0 =	ssub.s32 s5, s25;
	s25 =	simm.s32 $0x6000  }
0xc: {  	s26 =	sadd.s32 $0x4C00, s9;
	s30 =	sshrl.u32 s11, $0x3;
	s13 =	sadd.s32 s9, s2  }
0xd: {  	s31 =	sadd.s32 s9, s3;
	s16 =	sor.u32 $0x2000, s11;
	s17 =	sor.u32 $0x1000, s11  }
.Ltmp0:
0xe: {  	s18 =	sor.u32 $0x3000, s11;
	s0 =	smax.u32 s0, $0x1;
	(pc) =	sbr.rel .LBB2_1-.Ltmp0, $4  }
0xf: {  	s12 =	sadd.s32 s1, s30;
	[dreg:$0x6] =	wrdreg s13;
	s14 =	sadd.s32 s26, s2  }
0x10: {  	s5 =	sadd.s32 s26, s3;
	[dreg:$0x8] =	wrdreg s0;
	s23 =	sshrl.u32 s31, $0x3  }
0x11: {  	s26 =	simm.s32 $0x7000;
	[dreg:$0x5] =	wrdreg s12;
	s12 =	sadd.s32 $0x200, s12  }
0x12: {  	s24 =	sshrl.u32 s5, $0x3;
	[dreg:$0x7] =	wrdreg s12;
	s12 =	simm.s32 $0x0  }
.LBB2_16:
0x13: {  	s0 =	simm.s32 $0x6  }
0x14: {  	_ =	swait.ge [sflag:s0], $0x1000  }
0x15: {  	[sflag:s0] =	ssyncset.done $0x0  }
0x16: {  	s20 =	simm.s32 $0x8;
	[sflag:s0] =	ssyncadd.s32 $0xFFFFF000  }
0x17: {  	_ =	swait.ge [sflag:s20], $0x1000  }
0x18: {  	[sflag:s20] =	ssyncset.done $0x0  }
0x19: {  	s30 =	simm.s32 $0x7;
	[sflag:s20] =	ssyncadd.s32 $0xFFFFF000  }
0x1a: {  	_ =	swait.ge [sflag:s30], $0x1000  }
0x1b: {  	[sflag:s30] =	ssyncset.done $0x0  }
0x1c: {  	s5 =	simm.s32 $0x9;
	[sflag:s30] =	ssyncadd.s32 $0xFFFFF000  }
0x1d: {  	_ =	swait.ge [sflag:s5], $0x1000  }
0x1e: {  	s12 =	rddreg [dreg:$0x9]  }
0x1f: {  	s31 =	rddreg [dreg:$0x8];
	s12 =	sadd.s32 $0x1, s12  }
0x20: {  	p0 =	sne.s32 s12, s31  }
.Ltmp1:
0x21: {  	_ = 	snop;
	(pc) =	sbr.rel @!p0 .LBB2_17-.Ltmp1, $3  }
0x22: {  	_ =	sdelay $0x1  }
0x23: {  	[sflag:s5] =	ssyncset.done $0x0  }
0x24: {  	[sflag:s5] =	ssyncadd.s32 $0xFFFFF000  }
.LBB2_1:
0x25: {  	[dreg:$0x9] =	wrdreg s12  }
0x26: {  	s0 =	rddreg [dreg:$0x5];
	s15 =	simm.s32 $0xA  }
0x27: {  	[tilespmem:s4], [sflag:$0xA] =	stream.linear.gather [hbm4b:s0+s4], $0x1000, $0x38;
	[tilespmem:$0x1D000] =	vst v63  }
0x28: {  	_ =	swait.ge [sflag:s15], $0x1000  }
0x29: {  	[sflag:s15] =	ssyncset.done $0x0  }
0x2a: {  	[sflag:s15] =	ssyncadd.s32 $0xFFFFF000  }
0x2b: {  	v0 =	vld [tilespmem:$0x0];
	_ =	sdelay $0x2  }
0x2c: {  	v1 =	vld [tilespmem:$0xFF0];
	_ =	sdelay $0x1  }
0x2d: {  	(v2sf) =	vpush v0, $0x0;
	_ =	sdelay $0x2  }
0x2e: {  	(v2sf) =	vpush v1, $0xF;
	_ =	sdelay $0xb  }
0x2f: {  	s19 =	spop (v2sf)  }
0x30: {  	s0 =	sand.u32 $0xFFFFFF80, s19  }
0x31: {  	p0 =	slt.s32 s0, $0x7FB400  }
0x32: {  	s5 =	spop (v2sf);
	s0 =	simm.s32 @!p0 $0x7FB400  }
0x33: {  	s30 =	ssub.s32 s5, s0  }
0x34: {  	p0 =	sgt.s32 s30, $0x4BFF  }
.Ltmp2:
0x35: {  	_ = 	snop;
	(pc) =	sbr.rel @p0 .LBB2_5-.Ltmp2, $4  }
0x36: {  	_ = 	snop  }
0x37: {  	s20 =	stileid.u32  }
0x38: {  	s31 =	rddreg [dreg:$0x6];
	s15 =	sshll.u32 s20, $0x6  }
0x39: {  	s12 =	sshrl.u32 s31, $0x3;
	s19 =	sor.u32 $0x1C03, s15  }
0x3a: {  	s5 =	sshrl.u32 s0, $0x3  }
0x3b: {  	s20 =	sshrl.u32 s14, $0x3;
	s13 =	sadd.s32 s6, s5;
	s5 =	sadd.s32 s7, s5  }
0x3c: {  	[spmem:s12], [sflag:s19] =	dma.local [hbm:s13], $0x980  }
0x3d: {  	[spmem:s20], [sflag:s19] =	dma.local [hbm:s5], $0x980  }
0x3e: {  	s20 =	simm.s32 $0x0  }
0x3f: {  	v1 =	vld [tilespmem:s20+$0x70]  }
0x40: {  	v2 =	vld [tilespmem:s20+$0x0];
	_ =	sdelay $0x1  }
0x41: {  	s31 =	ssub.s32 s0, s9;
	v3 =	vld [tilespmem:s20+$0x10]  }
0x42: {  	v0 =	vmov s31;
	v4 =	vld [tilespmem:s20+$0x20]  }
0x43: {  	v5 =	vld [tilespmem:s20+$0x30];
	v1 =	vsub.s32 v1, v0  }
0x44: {  	v6 =	vld [tilespmem:s20+$0x40];
	v8 =	vsub.s32 v2, v0;
	[tilespmem:s20+$0x2070] =	vst v1  }
0x45: {  	v7 =	vld [tilespmem:s20+$0x50];
	v2 =	vadd.s32 $0x4C00, v1;
	[tilespmem:s20+$0x2000] =	vst v8  }
0x46: {  	v9 =	vld [tilespmem:s20+$0x60];
	v10 =	vadd.s32 $0x4C00, v8;
	v1 =	vsub.s32 v3, v0;
	[tilespmem:s20+$0x3070] =	vst v2  }
0x47: {  	[tilespmem:s20+$0x3000] =	vst v10;
	v3 =	vadd.s32 $0x4C00, v1;
	v2 =	vsub.s32 v4, v0  }
0x48: {  	[tilespmem:s20+$0x3010] =	vst v3;
	v4 =	vadd.s32 $0x4C00, v2;
	v3 =	vsub.s32 v5, v0  }
0x49: {  	[tilespmem:s20+$0x3020] =	vst v4;
	v5 =	vadd.s32 $0x4C00, v3;
	v4 =	vsub.s32 v6, v0  }
0x4a: {  	[tilespmem:s20+$0x3030] =	vst v5;
	v6 =	vadd.s32 $0x4C00, v4;
	v5 =	vsub.s32 v7, v0  }
0x4b: {  	[tilespmem:s20+$0x3040] =	vst v6;
	v7 =	vadd.s32 $0x4C00, v5;
	v6 =	vsub.s32 v9, v0  }
0x4c: {  	[tilespmem:s20+$0x3050] =	vst v7;
	v7 =	vadd.s32 $0x4C00, v6  }
0x4d: {  	s0 =	simm.s32 $0x80;
	s5 =	simm.s32 $0x400;
	[tilespmem:s20+$0x3060] =	vst v7  }
.LBB2_3:
0x4e: {  	p0 =	sne.s32 s5, $0x3E00;
	v7 =	vld [tilespmem:s0+$0x70];
	[tilespmem:s20+$0x2010] =	vst v1  }
0x4f: {  	v1 =	vld [tilespmem:s0+$0x0];
	[tilespmem:s20+$0x2020] =	vst v2  }
0x50: {  	v2 =	vld [tilespmem:s0+$0x10];
	[tilespmem:s20+$0x2030] =	vst v3  }
0x51: {  	v3 =	vld [tilespmem:s0+$0x20];
	[tilespmem:s20+$0x2040] =	vst v4  }
0x52: {  	v4 =	vld [tilespmem:s0+$0x30];
	[tilespmem:s20+$0x2050] =	vst v5  }
0x53: {  	v5 =	vld [tilespmem:s0+$0x40];
	v7 =	vsub.s32 v7, v0;
	[tilespmem:s20+$0x2060] =	vst v6;
	s20 =	smov.u32 s0  }
0x54: {  	v8 =	vsub.s32 v1, v0;
	v6 =	vld [tilespmem:s20+$0x50];
	[tilespmem:s20+$0x2070] =	vst v7;
	v7 =	vadd.s32 $0x4C00, v7  }
0x55: {  	v9 =	vadd.s32 $0x4C00, v8;
	v1 =	vsub.s32 v2, v0;
	v10 =	vld [tilespmem:s20+$0x60];
	[tilespmem:s20+$0x3070] =	vst v7  }
0x56: {  	[tilespmem:s20+$0x3000] =	vst v9;
	v7 =	vadd.s32 $0x4C00, v1;
	v2 =	vsub.s32 v3, v0  }
0x57: {  	[tilespmem:s20+$0x3010] =	vst v7;
	v7 =	vadd.s32 $0x4C00, v2;
	v3 =	vsub.s32 v4, v0  }
0x58: {  	[tilespmem:s20+$0x3020] =	vst v7;
	v7 =	vadd.s32 $0x4C00, v3;
	v4 =	vsub.s32 v5, v0  }
.Ltmp3:
0x59: {  	[tilespmem:s20+$0x3030] =	vst v7;
	v7 =	vadd.s32 $0x4C00, v4;
	v5 =	vsub.s32 v6, v0;
	(pc) =	sbr.rel @p0 .LBB2_3-.Ltmp3, $4  }
0x5a: {  	[tilespmem:s20+$0x3040] =	vst v7;
	v7 =	vadd.s32 $0x4C00, v5;
	v6 =	vsub.s32 v10, v0  }
0x5b: {  	[tilespmem:s20+$0x3050] =	vst v7;
	v7 =	vadd.s32 $0x4C00, v6  }
0x5c: {  	[tilespmem:s20+$0x3060] =	vst v7  }
0x5d: {  	s0 =	sshra.s32 s5, $0x2;
	s5 =	sadd.s32 $0x200, s5;
	[tilespmem:s20+$0x2000] =	vst v8  }
0x5e: {  	v7 =	vld [tilespmem:s0+$0x70];
	[tilespmem:s20+$0x2010] =	vst v1  }
0x5f: {  	v1 =	vld [tilespmem:s0+$0x0];
	[tilespmem:s20+$0x2020] =	vst v2  }
0x60: {  	v2 =	vld [tilespmem:s0+$0x10];
	[tilespmem:s20+$0x2030] =	vst v3  }
0x61: {  	v3 =	vld [tilespmem:s0+$0x20];
	[tilespmem:s20+$0x2040] =	vst v4  }
0x62: {  	v4 =	vld [tilespmem:s0+$0x30];
	[tilespmem:s20+$0x2050] =	vst v5  }
0x63: {  	v5 =	vld [tilespmem:s0+$0x40];
	[tilespmem:s20+$0x2060] =	vst v6;
	v55 =	vsub.s32 v7, v0  }
0x64: {  	[tilespmem:s0+$0x2070] =	vst v55;
	v6 =	vadd.s32 $0x4C00, v55  }
0x65: {  	v1 =	vsub.s32 v1, v0;
	[tilespmem:s0+$0x3070] =	vst v6  }
0x66: {  	v9 =	vadd.s32 $0x4C00, v1;
	[tilespmem:s0+$0x2000] =	vst v1  }
0x67: {  	v2 =	vsub.s32 v2, v0;
	[tilespmem:s0+$0x3000] =	vst v9  }
0x68: {  	v57 =	vadd.s32 $0x4C00, v2;
	[tilespmem:s0+$0x2010] =	vst v2  }
0x69: {  	v3 =	vsub.s32 v3, v0;
	[tilespmem:s0+$0x3010] =	vst v57  }
0x6a: {  	v56 =	vld [tilespmem:s0+$0x50];
	v58 =	vadd.s32 $0x4C00, v3;
	[tilespmem:s0+$0x2020] =	vst v3  }
0x6b: {  	v8 =	vld [tilespmem:s0+$0x60];
	v4 =	vsub.s32 v4, v0;
	[tilespmem:s0+$0x3020] =	vst v58  }
0x6c: {  	v59 =	vadd.s32 $0x4C00, v4;
	[tilespmem:s0+$0x2030] =	vst v4  }
0x6d: {  	v5 =	vsub.s32 v5, v0;
	[tilespmem:s0+$0x3030] =	vst v59  }
0x6e: {  	v60 =	vadd.s32 $0x4C00, v5;
	[tilespmem:s0+$0x2040] =	vst v5  }
0x6f: {  	v7 =	vsub.s32 v56, v0;
	[tilespmem:s0+$0x3040] =	vst v60  }
0x70: {  	v62 =	vsub.s32 v8, v0;
	[tilespmem:s0+$0x2050] =	vst v7  }
0x71: {  	v61 =	vadd.s32 $0x4C00, v7;
	[tilespmem:s0+$0x2060] =	vst v62  }
0x72: {  	v63 =	vadd.s32 $0x4C00, v62;
	[tilespmem:s0+$0x3050] =	vst v61  }
0x73: {  	[tilespmem:s0+$0x3060] =	vst v63  }
.LBB2_5:
0x74: {  	s20 =	simm.s32 $0x0;
	s0 =	rddreg [dreg:$0x7];
	p2 =	slt.s32 s30, $0x4C00  }
0x75: {  	[tilespmem:s21], [sflag:$0x2] =	stream.linear.gather [hbm4b:s0+s20], $0x1000, $0x38;
	[tilespmem:$0x1D000] =	vst v63  }
.LBB2_6:
0x76: {  	_ =	swait.ge [sflag:s22], $0x1000  }
0x77: {  	[sflag:s22] =	ssyncset.done $0x0  }
0x78: {  	[sflag:s22] =	ssyncadd.s32 $0xFFFFF000  }
0x79: {  	v0 =	vld [tilespmem:$0x1000];
	_ =	sdelay $0x2  }
0x7a: {  	v1 =	vld [tilespmem:$0x1FF0];
	_ =	sdelay $0x1  }
0x7b: {  	(v2sf) =	vpush v0, $0x0;
	_ =	sdelay $0x2  }
0x7c: {  	(v2sf) =	vpush v1, $0xF;
	_ =	sdelay $0xb  }
0x7d: {  	s0 =	spop (v2sf)  }
0x7e: {  	s0 =	sand.u32 $0xFFFFFF80, s0  }
0x7f: {  	p0 =	slt.s32 s0, $0x7FB400  }
0x80: {  	s5 =	spop (v2sf);
	s0 =	simm.s32 @!p0 $0x7FB400  }
0x81: {  	s5 =	ssub.s32 s5, s0  }
0x82: {  	p0 =	sgt.s32 s5, $0x4BFF  }
.Ltmp4:
0x83: {  	_ = 	snop;
	(pc) =	sbr.rel @p0 .LBB2_10-.Ltmp4, $1  }
0x84: {  	_ =	sdelay $0x3  }
0x85: {  	s5 =	sshrl.u32 s0, $0x3  }
0x86: {  	s30 =	sor.u32 $0x1C04, s15;
	s13 =	sadd.s32 s6, s5;
	s5 =	sadd.s32 s7, s5  }
0x87: {  	[spmem:s23], [sflag:s30] =	dma.local [hbm:s13], $0x980  }
0x88: {  	[spmem:s24], [sflag:s30] =	dma.local [hbm:s5], $0x980  }
0x89: {  	s30 =	simm.s32 $0x0  }
0x8a: {  	v1 =	vld [tilespmem:s30+$0x1070]  }
0x8b: {  	v2 =	vld [tilespmem:s30+$0x1000];
	_ =	sdelay $0x1  }
0x8c: {  	s31 =	ssub.s32 s0, s9;
	v3 =	vld [tilespmem:s30+$0x1010]  }
0x8d: {  	v0 =	vmov s31;
	v4 =	vld [tilespmem:s30+$0x1020]  }
0x8e: {  	v5 =	vld [tilespmem:s30+$0x1030];
	v1 =	vsub.s32 v1, v0  }
0x8f: {  	v6 =	vld [tilespmem:s30+$0x1040];
	v8 =	vsub.s32 v2, v0;
	[tilespmem:s30+$0x4070] =	vst v1  }
0x90: {  	v7 =	vld [tilespmem:s30+$0x1050];
	v2 =	vadd.s32 $0x4C00, v1;
	[tilespmem:s30+$0x4000] =	vst v8  }
0x91: {  	v9 =	vld [tilespmem:s30+$0x1060];
	v10 =	vadd.s32 $0x4C00, v8;
	v1 =	vsub.s32 v3, v0;
	[tilespmem:s30+$0x5070] =	vst v2  }
0x92: {  	[tilespmem:s30+$0x5000] =	vst v10;
	v3 =	vadd.s32 $0x4C00, v1;
	v2 =	vsub.s32 v4, v0  }
0x93: {  	[tilespmem:s30+$0x5010] =	vst v3;
	v4 =	vadd.s32 $0x4C00, v2;
	v3 =	vsub.s32 v5, v0  }
0x94: {  	[tilespmem:s30+$0x5020] =	vst v4;
	v5 =	vadd.s32 $0x4C00, v3;
	v4 =	vsub.s32 v6, v0  }
0x95: {  	[tilespmem:s30+$0x5030] =	vst v5;
	v6 =	vadd.s32 $0x4C00, v4;
	v5 =	vsub.s32 v7, v0  }
0x96: {  	[tilespmem:s30+$0x5040] =	vst v6;
	v7 =	vadd.s32 $0x4C00, v5;
	v6 =	vsub.s32 v9, v0  }
0x97: {  	[tilespmem:s30+$0x5050] =	vst v7;
	v7 =	vadd.s32 $0x4C00, v6  }
0x98: {  	s0 =	simm.s32 $0x80;
	s5 =	simm.s32 $0x400;
	[tilespmem:s30+$0x5060] =	vst v7  }
.LBB2_8:
0x99: {  	p1 =	sne.s32 s5, $0x3E00;
	v7 =	vld [tilespmem:s0+$0x1070];
	[tilespmem:s30+$0x4010] =	vst v1  }
0x9a: {  	v1 =	vld [tilespmem:s0+$0x1000];
	[tilespmem:s30+$0x4020] =	vst v2  }
0x9b: {  	v2 =	vld [tilespmem:s0+$0x1010];
	[tilespmem:s30+$0x4030] =	vst v3  }
0x9c: {  	v3 =	vld [tilespmem:s0+$0x1020];
	[tilespmem:s30+$0x4040] =	vst v4  }
0x9d: {  	v4 =	vld [tilespmem:s0+$0x1030];
	[tilespmem:s30+$0x4050] =	vst v5  }
0x9e: {  	v5 =	vld [tilespmem:s0+$0x1040];
	v7 =	vsub.s32 v7, v0;
	[tilespmem:s30+$0x4060] =	vst v6;
	s30 =	smov.u32 s0  }
0x9f: {  	v8 =	vsub.s32 v1, v0;
	v6 =	vld [tilespmem:s30+$0x1050];
	[tilespmem:s30+$0x4070] =	vst v7;
	v7 =	vadd.s32 $0x4C00, v7  }
0xa0: {  	v9 =	vadd.s32 $0x4C00, v8;
	v1 =	vsub.s32 v2, v0;
	v10 =	vld [tilespmem:s30+$0x1060];
	[tilespmem:s30+$0x5070] =	vst v7  }
0xa1: {  	[tilespmem:s30+$0x5000] =	vst v9;
	v7 =	vadd.s32 $0x4C00, v1;
	v2 =	vsub.s32 v3, v0  }
0xa2: {  	[tilespmem:s30+$0x5010] =	vst v7;
	v7 =	vadd.s32 $0x4C00, v2;
	v3 =	vsub.s32 v4, v0  }
0xa3: {  	[tilespmem:s30+$0x5020] =	vst v7;
	v7 =	vadd.s32 $0x4C00, v3;
	v4 =	vsub.s32 v5, v0  }
.Ltmp5:
0xa4: {  	[tilespmem:s30+$0x5030] =	vst v7;
	v7 =	vadd.s32 $0x4C00, v4;
	v5 =	vsub.s32 v6, v0;
	(pc) =	sbr.rel @p1 .LBB2_8-.Ltmp5, $4  }
0xa5: {  	[tilespmem:s30+$0x5040] =	vst v7;
	v7 =	vadd.s32 $0x4C00, v5;
	v6 =	vsub.s32 v10, v0  }
0xa6: {  	[tilespmem:s30+$0x5050] =	vst v7;
	v7 =	vadd.s32 $0x4C00, v6  }
0xa7: {  	[tilespmem:s30+$0x5060] =	vst v7  }
0xa8: {  	s0 =	sshra.s32 s5, $0x2;
	s5 =	sadd.s32 $0x200, s5;
	[tilespmem:s30+$0x4000] =	vst v8  }
0xa9: {  	v7 =	vld [tilespmem:s0+$0x1070];
	[tilespmem:s30+$0x4010] =	vst v1  }
0xaa: {  	v1 =	vld [tilespmem:s0+$0x1000];
	[tilespmem:s30+$0x4020] =	vst v2  }
0xab: {  	v2 =	vld [tilespmem:s0+$0x1010];
	[tilespmem:s30+$0x4030] =	vst v3  }
0xac: {  	v3 =	vld [tilespmem:s0+$0x1020];
	[tilespmem:s30+$0x4040] =	vst v4  }
0xad: {  	v4 =	vld [tilespmem:s0+$0x1030];
	[tilespmem:s30+$0x4050] =	vst v5  }
0xae: {  	v5 =	vld [tilespmem:s0+$0x1040];
	[tilespmem:s30+$0x4060] =	vst v6;
	v55 =	vsub.s32 v7, v0  }
0xaf: {  	[tilespmem:s0+$0x4070] =	vst v55;
	v6 =	vadd.s32 $0x4C00, v55  }
0xb0: {  	v1 =	vsub.s32 v1, v0;
	[tilespmem:s0+$0x5070] =	vst v6  }
0xb1: {  	v9 =	vadd.s32 $0x4C00, v1;
	[tilespmem:s0+$0x4000] =	vst v1  }
0xb2: {  	v2 =	vsub.s32 v2, v0;
	[tilespmem:s0+$0x5000] =	vst v9  }
0xb3: {  	v57 =	vadd.s32 $0x4C00, v2;
	[tilespmem:s0+$0x4010] =	vst v2  }
0xb4: {  	v3 =	vsub.s32 v3, v0;
	[tilespmem:s0+$0x5010] =	vst v57  }
0xb5: {  	v56 =	vld [tilespmem:s0+$0x1050];
	v58 =	vadd.s32 $0x4C00, v3;
	[tilespmem:s0+$0x4020] =	vst v3  }
0xb6: {  	v8 =	vld [tilespmem:s0+$0x1060];
	v4 =	vsub.s32 v4, v0;
	[tilespmem:s0+$0x5020] =	vst v58  }
0xb7: {  	v59 =	vadd.s32 $0x4C00, v4;
	[tilespmem:s0+$0x4030] =	vst v4  }
0xb8: {  	v5 =	vsub.s32 v5, v0;
	[tilespmem:s0+$0x5030] =	vst v59  }
0xb9: {  	v60 =	vadd.s32 $0x4C00, v5;
	[tilespmem:s0+$0x4040] =	vst v5  }
0xba: {  	v7 =	vsub.s32 v56, v0;
	[tilespmem:s0+$0x5040] =	vst v60  }
0xbb: {  	v62 =	vsub.s32 v8, v0;
	[tilespmem:s0+$0x4050] =	vst v7  }
0xbc: {  	v61 =	vadd.s32 $0x4C00, v7;
	[tilespmem:s0+$0x4060] =	vst v62  }
0xbd: {  	v63 =	vadd.s32 $0x4C00, v62;
	[tilespmem:s0+$0x5050] =	vst v61  }
0xbe: {  	[tilespmem:s0+$0x5060] =	vst v63  }
.LBB2_10:
0xbf: {  	p1 =	seq.s32 s20, $0x0  }
0xc0: {  	s0 =	simm.s32 @!p1 $0x6  }
0xc1: {  	_ =	swait.ge @!p1 [sflag:s0], $0x1000  }
0xc2: {  	[sflag:s0] =	ssyncset.done @!p1 $0x0  }
0xc3: {  	[sflag:s0] =	ssyncadd.s32 @!p1 $0xFFFFF000;
	s0 =	simm.s32 @!p1 $0x8  }
0xc4: {  	_ =	swait.ge @!p1 [sflag:s0], $0x1000  }
0xc5: {  	s5 =	simm.s32 @!p2 $0x0;
	[sflag:s0] =	ssyncset.done @!p1 $0x0  }
0xc6: {  	s13 =	simm.s32 @!p2 $0x6000;
	[sflag:s0] =	ssyncadd.s32 @!p1 $0xFFFFF000;
	s0 =	simm.s32 @!p2 $0x1000  }
0xc7: {  	[tilespmem:s13], [sflag:$0x5] =	stream.indirect.gather @!p2 [hbm4b:s6+s0], $0x1, s5, s0, $0xb8;
	[tilespmem:$0x1D000] =	vst v63  }
0xc8: {  	s13 =	simm.s32 @!p2 $0x7000  }
0xc9: {  	[tilespmem:s13], [sflag:$0x5] =	stream.indirect.gather @!p2 [hbm4b:s7+s0], $0x1, s5, s0, $0xb8;
	[tilespmem:$0x1D000] =	vst v63  }
0xca: {  	s0 =	simm.s32 @!p2 $0x5  }
0xcb: {  	_ =	swait.ge @!p2 [sflag:s0], $0x1000  }
0xcc: {  	[sflag:s0] =	ssyncset.done @!p2 $0x0  }
0xcd: {  	[sflag:s0] =	ssyncadd.s32 @!p2 $0xFFFFF000  }
0xce: {  	_ =	swait.ge @!p2 [sflag:s0], $0x1000  }
0xcf: {  	[sflag:s0] =	ssyncset.done @!p2 $0x0  }
0xd0: {  	[sflag:s0] =	ssyncadd.s32 @!p2 $0xFFFFF000;
	s0 =	simm.s32 @p2 $0x3  }
0xd1: {  	_ =	swait.ge @p2 [sflag:s0], $0x980  }
0xd2: {  	[sflag:s0] =	ssyncset.done @p2 $0x0  }
0xd3: {  	[sflag:s0] =	ssyncadd.s32 @p2 $0xFFFFF680  }
0xd4: {  	_ =	swait.ge @p2 [sflag:s0], $0x980  }
0xd5: {  	[sflag:s0] =	ssyncset.done @p2 $0x0  }
0xd6: {  	s5 =	simm.s32 @p2 $0x6000;
	[sflag:s0] =	ssyncadd.s32 @p2 $0xFFFFF680;
	s0 =	simm.s32 @p2 $0x2000  }
0xd7: {  	[tilespmem:s5], [sflag:$0x5] =	stream.indirect.gather @p2 [spmem:s2], $0x1, s0, s0, $0xb8;
	[tilespmem:$0x1D000] =	vst v63  }
0xd8: {  	s30 =	sshll.u32 s20, $0xD;
	s0 =	simm.s32 @p2 $0x5  }
0xd9: {  	s13 =	sadd.s32 s11, s30;
	_ =	swait.ge @p2 [sflag:s0], $0x2000  }
0xda: {  	s5 =	sshrl.u32 s13, $0x3;
	[sflag:s0] =	ssyncset.done @p2 $0x0  }
0xdb: {  	s13 =	sadd.s32 s8, s5;
	[sflag:s0] =	ssyncadd.s32 @p2 $0xFFFFE000;
	p2 =	seq.s32 s20, $0x3  }
0xdc: {  	[hbm4b:s13+s4] =	stream.linear.scatter [tilespmem:s25], [sflag:$0x6], $0x1000, $0x38;
	[tilespmem:$0x1D000] =	vst v63  }
0xdd: {  	s0 =	sadd.s32 @!p2 s30, s16  }
0xde: {  	s13 =	sadd.s32 s10, s5;
	s0 =	sshrl.u32 @!p2 s0, $0x3  }
0xdf: {  	[hbm4b:s13+s4] =	stream.linear.scatter [tilespmem:s26], [sflag:$0x8], $0x1000, $0x38;
	[tilespmem:$0x1D000] =	vst v63  }
0xe0: {  	s5 =	simm.s32 @!p2 $0x0;
	s0 =	sadd.s32 @!p2 s1, s0  }
0xe1: {  	[tilespmem:s5], [sflag:$0x1] =	stream.linear.gather @!p2 [hbm4b:s0+s5], $0x1000, $0x38;
	[tilespmem:$0x1D000] =	vst v63  }
0xe2: {  	s0 =	simm.s32 @!p2 $0x1  }
0xe3: {  	_ =	swait.ge @!p2 [sflag:s0], $0x1000  }
0xe4: {  	[sflag:s0] =	ssyncset.done @!p2 $0x0  }
0xe5: {  	[sflag:s0] =	ssyncadd.s32 @!p2 $0xFFFFF000  }
0xe6: {  	v0 =	vld [tilespmem:$0x0];
	_ =	sdelay $0x2  }
0xe7: {  	v1 =	vld [tilespmem:$0xFF0];
	_ =	sdelay $0x1  }
0xe8: {  	(v2sf) =	vpush v0, $0x0;
	_ =	sdelay $0x2  }
0xe9: {  	(v2sf) =	vpush v1, $0xF;
	_ =	sdelay $0xb  }
0xea: {  	s5 =	spop (v2sf)  }
0xeb: {  	s5 =	sand.u32 $0xFFFFFF80, s5  }
0xec: {  	p3 =	slt.s32 s5, $0x7FB400  }
0xed: {  	s13 =	spop (v2sf);
	s5 =	simm.s32 @!p3 $0x7FB400  }
0xee: {  	s31 =	ssub.s32 s13, s5  }
0xef: {  	p3 =	sgt.s32 @!p2 s31, $0x4BFF  }
0xf0: {  	p3 =	por p2, p3  }
.Ltmp6:
0xf1: {  	_ = 	snop;
	(pc) =	sbr.rel @p3 .LBB2_14-.Ltmp6, $1  }
0xf2: {  	_ =	sdelay $0x3  }
0xf3: {  	s0 =	sshrl.u32 s5, $0x3  }
0xf4: {  	s13 =	sadd.s32 s6, s0  }
0xf5: {  	[spmem:s12], [sflag:s19] =	dma.local [hbm:s13], $0x980  }
0xf6: {  	s0 =	sadd.s32 s7, s0;
	s13 =	sshrl.u32 s14, $0x3  }
0xf7: {  	[spmem:s13], [sflag:s19] =	dma.local [hbm:s0], $0x980  }
0xf8: {  	s0 =	simm.s32 $0x0  }
0xf9: {  	v1 =	vld [tilespmem:s0+$0x70]  }
0xfa: {  	v2 =	vld [tilespmem:s0+$0x0];
	_ =	sdelay $0x1  }
0xfb: {  	s13 =	ssub.s32 s5, s9;
	v3 =	vld [tilespmem:s0+$0x10]  }
0xfc: {  	v4 =	vld [tilespmem:s0+$0x20];
	v0 =	vmov s13  }
0xfd: {  	v5 =	vld [tilespmem:s0+$0x30];
	v1 =	vsub.s32 v1, v0  }
0xfe: {  	v6 =	vld [tilespmem:s0+$0x40];
	v8 =	vsub.s32 v2, v0;
	[tilespmem:s0+$0x2070] =	vst v1  }
0xff: {  	v7 =	vld [tilespmem:s0+$0x50];
	v2 =	vadd.s32 $0x4C00, v1;
	[tilespmem:s0+$0x2000] =	vst v8  }
0x100: {  	v9 =	vld [tilespmem:s0+$0x60];
	v10 =	vadd.s32 $0x4C00, v8;
	v1 =	vsub.s32 v3, v0;
	[tilespmem:s0+$0x3070] =	vst v2  }
0x101: {  	[tilespmem:s0+$0x3000] =	vst v10;
	v3 =	vadd.s32 $0x4C00, v1;
	v2 =	vsub.s32 v4, v0  }
0x102: {  	[tilespmem:s0+$0x3010] =	vst v3;
	v4 =	vadd.s32 $0x4C00, v2;
	v3 =	vsub.s32 v5, v0  }
0x103: {  	[tilespmem:s0+$0x3020] =	vst v4;
	v5 =	vadd.s32 $0x4C00, v3;
	v4 =	vsub.s32 v6, v0  }
0x104: {  	[tilespmem:s0+$0x3030] =	vst v5;
	v6 =	vadd.s32 $0x4C00, v4;
	v5 =	vsub.s32 v7, v0  }
0x105: {  	[tilespmem:s0+$0x3040] =	vst v6;
	v7 =	vadd.s32 $0x4C00, v5;
	v6 =	vsub.s32 v9, v0  }
0x106: {  	[tilespmem:s0+$0x3050] =	vst v7;
	v7 =	vadd.s32 $0x4C00, v6  }
0x107: {  	s5 =	simm.s32 $0x80;
	s13 =	simm.s32 $0x400;
	[tilespmem:s0+$0x3060] =	vst v7  }
.LBB2_12:
0x108: {  	p3 =	sne.s32 s13, $0x3E00;
	v7 =	vld [tilespmem:s5+$0x70];
	[tilespmem:s0+$0x2010] =	vst v1  }
0x109: {  	v1 =	vld [tilespmem:s5+$0x0];
	[tilespmem:s0+$0x2020] =	vst v2  }
0x10a: {  	v2 =	vld [tilespmem:s5+$0x10];
	[tilespmem:s0+$0x2030] =	vst v3  }
0x10b: {  	v3 =	vld [tilespmem:s5+$0x20];
	[tilespmem:s0+$0x2040] =	vst v4  }
0x10c: {  	v4 =	vld [tilespmem:s5+$0x30];
	[tilespmem:s0+$0x2050] =	vst v5  }
0x10d: {  	v5 =	vld [tilespmem:s5+$0x40];
	v7 =	vsub.s32 v7, v0;
	[tilespmem:s0+$0x2060] =	vst v6;
	s0 =	smov.u32 s5  }
0x10e: {  	v8 =	vsub.s32 v1, v0;
	v6 =	vld [tilespmem:s0+$0x50];
	[tilespmem:s0+$0x2070] =	vst v7;
	v7 =	vadd.s32 $0x4C00, v7  }
0x10f: {  	v9 =	vadd.s32 $0x4C00, v8;
	v1 =	vsub.s32 v2, v0;
	v10 =	vld [tilespmem:s0+$0x60];
	[tilespmem:s0+$0x3070] =	vst v7  }
0x110: {  	[tilespmem:s0+$0x3000] =	vst v9;
	v7 =	vadd.s32 $0x4C00, v1;
	v2 =	vsub.s32 v3, v0  }
0x111: {  	[tilespmem:s0+$0x3010] =	vst v7;
	v7 =	vadd.s32 $0x4C00, v2;
	v3 =	vsub.s32 v4, v0  }
0x112: {  	[tilespmem:s0+$0x3020] =	vst v7;
	v7 =	vadd.s32 $0x4C00, v3;
	v4 =	vsub.s32 v5, v0  }
.Ltmp7:
0x113: {  	[tilespmem:s0+$0x3030] =	vst v7;
	v7 =	vadd.s32 $0x4C00, v4;
	v5 =	vsub.s32 v6, v0;
	(pc) =	sbr.rel @p3 .LBB2_12-.Ltmp7, $4  }
0x114: {  	[tilespmem:s0+$0x3040] =	vst v7;
	v7 =	vadd.s32 $0x4C00, v5;
	v6 =	vsub.s32 v10, v0  }
0x115: {  	[tilespmem:s0+$0x3050] =	vst v7;
	v7 =	vadd.s32 $0x4C00, v6  }
0x116: {  	[tilespmem:s0+$0x3060] =	vst v7  }
0x117: {  	s5 =	sshra.s32 s13, $0x2;
	s13 =	sadd.s32 $0x200, s13;
	[tilespmem:s0+$0x2000] =	vst v8  }
0x118: {  	v7 =	vld [tilespmem:s5+$0x70];
	[tilespmem:s0+$0x2010] =	vst v1  }
0x119: {  	v1 =	vld [tilespmem:s5+$0x0];
	[tilespmem:s0+$0x2020] =	vst v2  }
0x11a: {  	v2 =	vld [tilespmem:s5+$0x10];
	[tilespmem:s0+$0x2030] =	vst v3  }
0x11b: {  	v3 =	vld [tilespmem:s5+$0x20];
	[tilespmem:s0+$0x2040] =	vst v4  }
0x11c: {  	v4 =	vld [tilespmem:s5+$0x30];
	[tilespmem:s0+$0x2050] =	vst v5  }
0x11d: {  	v5 =	vld [tilespmem:s5+$0x40];
	[tilespmem:s0+$0x2060] =	vst v6;
	v55 =	vsub.s32 v7, v0  }
0x11e: {  	[tilespmem:s5+$0x2070] =	vst v55;
	v6 =	vadd.s32 $0x4C00, v55  }
0x11f: {  	v1 =	vsub.s32 v1, v0;
	[tilespmem:s5+$0x3070] =	vst v6  }
0x120: {  	v9 =	vadd.s32 $0x4C00, v1;
	[tilespmem:s5+$0x2000] =	vst v1  }
0x121: {  	v2 =	vsub.s32 v2, v0;
	[tilespmem:s5+$0x3000] =	vst v9  }
0x122: {  	v57 =	vadd.s32 $0x4C00, v2;
	[tilespmem:s5+$0x2010] =	vst v2  }
0x123: {  	v3 =	vsub.s32 v3, v0;
	[tilespmem:s5+$0x3010] =	vst v57  }
0x124: {  	v56 =	vld [tilespmem:s5+$0x50];
	v58 =	vadd.s32 $0x4C00, v3;
	[tilespmem:s5+$0x2020] =	vst v3  }
0x125: {  	v8 =	vld [tilespmem:s5+$0x60];
	v4 =	vsub.s32 v4, v0;
	[tilespmem:s5+$0x3020] =	vst v58  }
0x126: {  	v59 =	vadd.s32 $0x4C00, v4;
	[tilespmem:s5+$0x2030] =	vst v4  }
0x127: {  	v5 =	vsub.s32 v5, v0;
	[tilespmem:s5+$0x3030] =	vst v59  }
0x128: {  	v60 =	vadd.s32 $0x4C00, v5;
	[tilespmem:s5+$0x2040] =	vst v5  }
0x129: {  	v7 =	vsub.s32 v56, v0;
	[tilespmem:s5+$0x3040] =	vst v60  }
0x12a: {  	v62 =	vsub.s32 v8, v0;
	[tilespmem:s5+$0x2050] =	vst v7  }
0x12b: {  	v61 =	vadd.s32 $0x4C00, v7;
	[tilespmem:s5+$0x2060] =	vst v62  }
0x12c: {  	v63 =	vadd.s32 $0x4C00, v62;
	[tilespmem:s5+$0x3050] =	vst v61  }
0x12d: {  	[tilespmem:s5+$0x3060] =	vst v63  }
.LBB2_14:
0x12e: {  	s0 =	simm.s32 @!p1 $0x7  }
0x12f: {  	_ =	swait.ge @!p1 [sflag:s0], $0x1000  }
0x130: {  	[sflag:s0] =	ssyncset.done @!p1 $0x0  }
0x131: {  	[sflag:s0] =	ssyncadd.s32 @!p1 $0xFFFFF000;
	s0 =	simm.s32 @!p1 $0x9  }
0x132: {  	_ =	swait.ge @!p1 [sflag:s0], $0x1000  }
0x133: {  	[sflag:s0] =	ssyncset.done @!p1 $0x0  }
0x134: {  	s5 =	simm.s32 @p0 $0x8000;
	[sflag:s0] =	ssyncadd.s32 @!p1 $0xFFFFF000;
	s0 =	simm.s32 @p0 $0x1000  }
0x135: {  	[tilespmem:s5], [sflag:$0x5] =	stream.indirect.gather @p0 [hbm4b:s6+s0], $0x1, s0, s0, $0xb8;
	[tilespmem:$0x1D000] =	vst v63  }
0x136: {  	s5 =	simm.s32 @p0 $0x9000  }
0x137: {  	[tilespmem:s5], [sflag:$0x5] =	stream.indirect.gather @p0 [hbm4b:s7+s0], $0x1, s0, s0, $0xb8;
	[tilespmem:$0x1D000] =	vst v63  }
0x138: {  	s0 =	simm.s32 @p0 $0x5  }
0x139: {  	_ =	swait.ge @p0 [sflag:s0], $0x1000  }
0x13a: {  	[sflag:s0] =	ssyncset.done @p0 $0x0  }
0x13b: {  	[sflag:s0] =	ssyncadd.s32 @p0 $0xFFFFF000  }
0x13c: {  	_ =	swait.ge @p0 [sflag:s0], $0x1000  }
0x13d: {  	[sflag:s0] =	ssyncset.done @p0 $0x0  }
0x13e: {  	[sflag:s0] =	ssyncadd.s32 @p0 $0xFFFFF000;
	s0 =	simm.s32 @!p0 $0x4  }
0x13f: {  	_ =	swait.ge @!p0 [sflag:s0], $0x980  }
0x140: {  	[sflag:s0] =	ssyncset.done @!p0 $0x0  }
0x141: {  	[sflag:s0] =	ssyncadd.s32 @!p0 $0xFFFFF680  }
0x142: {  	_ =	swait.ge @!p0 [sflag:s0], $0x980  }
0x143: {  	s13 =	simm.s32 @!p0 $0x8000;
	[sflag:s0] =	ssyncset.done @!p0 $0x0  }
0x144: {  	s5 =	simm.s32 @!p0 $0x4000;
	[sflag:s0] =	ssyncadd.s32 @!p0 $0xFFFFF680;
	s0 =	simm.s32 @!p0 $0x2000  }
0x145: {  	[tilespmem:s13], [sflag:$0x5] =	stream.indirect.gather @!p0 [spmem:s3], $0x1, s5, s0, $0xb8;
	[tilespmem:$0x1D000] =	vst v63  }
0x146: {  	s0 =	simm.s32 @!p0 $0x5  }
0x147: {  	s13 =	sadd.s32 s30, s17;
	_ =	swait.ge @!p0 [sflag:s0], $0x2000  }
.Ltmp8:
0x148: {  	s5 =	sshrl.u32 s13, $0x3;
	[sflag:s0] =	ssyncset.done @!p0 $0x0;
	(pc) =	sbr.rel @p2 .LBB2_16-.Ltmp8, $4  }
0x149: {  	s13 =	sadd.s32 s8, s5;
	[sflag:s0] =	ssyncadd.s32 @!p0 $0xFFFFE000  }
0x14a: {  	[hbm4b:s13+s4] =	stream.linear.scatter [tilespmem:s28], [sflag:$0x7], $0x1000, $0x38;
	[tilespmem:$0x1D000] =	vst v63  }
0x14b: {  	s13 =	sadd.s32 s10, s5  }
0x14c: {  	[hbm4b:s13+s4] =	stream.linear.scatter [tilespmem:s29], [sflag:$0x9], $0x1000, $0x38;
	[tilespmem:$0x1D000] =	vst v63  }
.Ltmp9:
0x14d: {  	(pc) =	sbr.rel .LBB2_6-.Ltmp9, $4  }
0x14e: {  	s0 =	sadd.s32 s30, s18  }
0x14f: {  	s0 =	sshrl.u32 s0, $0x3  }
0x150: {  	p2 =	slt.s32 s31, $0x4C00;
	s20 =	sadd.s32 $0x1, s20;
	s0 =	sadd.s32 s1, s0  }
0x151: {  	[tilespmem:s21], [sflag:$0x2] =	stream.linear.gather [hbm4b:s0+s4], $0x1000, $0x38;
	[tilespmem:$0x1D000] =	vst v63  }
.LBB2_17:
0x152: {  	_ =	sfence.sel $0x180000  }
0x153: {  	[bflag:$0x0] =	sbarrier.arrive $0xFFFF  }
0x154: {  	_ =	strace $0x90000050  }
0x155: {  	s0 =	stileid.u32;
	[bflag:$0x2] =	sbarrier.arrive $0xFFFF  }
0x156: {  	p0 =	sne.s32 s0, $0x0;
	s0 =	rddreg [dreg:$0x4]  }
0x157: {  	s0 =	sadd.s32 @!p0 $0x100000, s0  }
0x158: {  	[sflag:s0] =	ssyncadd.tile.s32 @!p0 $0x1;
	_ =	shalt  }
.Lfunc_end2:
_tile_overlayer_lowered:
.L_overlay_start_2:
0x159: {  	(tag) =	ssettag $0x2  }
0x15a: {  	s0 =	rddreg [dreg:$0x0];
	s2 =	stileid.u32  }
0x15b: {  	s1 =	rddreg [dreg:$0x1];
	p0 =	sne.s32 s2, $0x0  }
0x15c: {  	s3 =	rddreg [dreg:$0x2];
	[bflag:$0x3] =	sbarrier.arrive $0xFFFF;
	s2 =	simm.s32 @!p0 $0x1C0A  }
0x15d: {  	[timem:s3], [sflag:s2] =	dma.local @!p0 [hbm:s0], s1  }
0x15e: {  	s0 =	simm.s32 @!p0 $0xA  }
0x15f: {  	_ =	swait.ge @!p0 [sflag:s0], s1  }
0x160: {  	s1 =	ssub.s32 @!p0 $0x0, s1;
	[sflag:s0] =	ssyncset.done @!p0 $0x0  }
0x161: {  	[sflag:s0] =	ssyncadd.s32 @!p0 s1  }
0x162: {  	[bflag:$0x3] =	sbarrier.arrive $0xFFFF  }
0x163: {  	_ =	shalt  }

// kernel: kernel.7.cloned.1.call-start
scs
__scs_entry_jumppad:
0x0: {  	(pc) =	sbr.rel $0x88, $3  }
0x1: {  	(tag) =	ssettag $0x0;
	lr =	simm.s32 $0x1  }
0x2: {  	[smem:$0x3F9E] =	sst lr;
	_ =	strace $0xD0000000  }
0x3: {  	_ = 	snop  }
0x4: {  	_ = 	snop  }
0x5: {  	_ = 	snop  }
0x6: {  	_ = 	snop  }
0x7: {  	_ = 	snop  }
__scs_overlays_trampoline_lowered:
0x8: {  	[smem:$0x3FAD] =	sst s0  }
0x9: {  	[smem:$0x3FAE] =	sst s1  }
0xa: {  	[smem:$0x3FAF] =	sst s2  }
0xb: {  	[smem:$0x3FB0] =	sst s3  }
0xc: {  	[smem:$0x3FB1] =	sst s4  }
0xd: {  	[smem:$0x3FB2] =	sst s5  }
0xe: {  	[smem:$0x3FB3] =	sst s6  }
0xf: {  	[smem:$0x3FB4] =	sst s7  }
0x10: {  	[smem:$0x3FB5] =	sst s8  }
0x11: {  	[smem:$0x3FB6] =	sst s9;
	s0 =	simm.s32 @!p0 $0x0  }
0x12: {  	s1 =	sld [smem:$0x3F9C];
	s0 =	simm.s32 @p0 $0x1  }
0x13: {  	[smem:$0x3FB7] =	sst s0;
	s0 =	simm.s32 @!p1 $0x0  }
0x14: {  	s2 =	sld [smem:$0x3F9B];
	s0 =	simm.s32 @p1 $0x1  }
0x15: {  	[smem:$0x3FB8] =	sst s0;
	s0 =	simm.s32 @!p2 $0x0  }
0x16: {  	s3 =	sld [smem:$0x3FDB];
	s0 =	simm.s32 @p2 $0x1  }
0x17: {  	s4 =	simm.s32 $0x1BF5;
	[smem:$0x3FBA] =	sst s0  }
0x18: {  	s0 =	sld [smem:$0x3F9D];
	_ =	swait.ge [sflag:s4], $0x0  }
0x19: {  	s7 =	sld [smem:$0x3F9E]  }
0x1a: {  	s8 =	sadd.s32 $0xFFFFE003, lr  }
0x1b: {  	s9 =	sadd.s32 $0xFFFFFEF7, lr;
	s5 =	simm.s32 $0xFFFFFFFF;
	p2 =	slt.u32 s8, $0xFFFFF086  }
0x1c: {  	p1 =	slt.u32 s9, $0xF7A;
	s5 =	simm.s32 @!p2 $0x0  }
0x1d: {  	s5 =	simm.s32 @p1 $0x1;
	p0 =	seq.s32 s7, s2  }
0x1e: {  	s7 =	smul.u32 @!p0 $0xF7A, s2;
	p2 =	seq.s32 @!p0 s5, $0x0  }
0x1f: {  	s9 =	smul.u32 $0xF7A, s1;
	s8 =	simm.s32 @!p0 $0x1BF5;
	p2 =	por !p2, p0  }
0x20: {  	[sflag:s8] =	ssyncset.s32 @!p0 $0xFFFFF086;
	s6 =	sadd.s32 @!p0 s3, s7;
	s7 =	simm.s32 @!p0 $0x108  }
0x21: {  	s3 =	sadd.s32 s3, s9;
	s6 =	sadd.s32 @!p0 $0x88, s6;
	s7 =	simm.s32 @p2 $0x1082  }
0x22: {  	[simem:s7], [sflag:s8] =	dma.local @!p0 [hbm:s6], $0xF7A  }
0x23: {  	s9 =	sor.u32 $0xD0000000, s2;
	s6 =	simm.s32 $0x108;
	_ =	swait.ge @!p0 [sflag:s8], $0x0  }
0x24: {  	s3 =	sadd.s32 $0x88, s3;
	s6 =	simm.s32 @!p1 $0x1082;
	[sflag:s4] =	ssyncset.s32 $0xFFFFF086  }
0x25: {  	[simem:s6], [sflag:s4] =	dma.local [hbm:s3], $0xF7A  }
0x26: {  	[smem:$0x3F9E] =	sst s1;
	(tag) =	ssettag s2;
	_ =	strace s9  }
0x27: {  	s1 =	sld [smem:$0x3FAE]  }
0x28: {  	s2 =	sld [smem:$0x3FAF]  }
0x29: {  	s4 =	sld [smem:$0x3FB1]  }
0x2a: {  	p0 =	seq.s32 s5, $0x0;
	s5 =	sld [smem:$0x3FB2]  }
0x2b: {  	s6 =	sld [smem:$0x3FB3]  }
0x2c: {  	s7 =	sld [smem:$0x3FB4]  }
0x2d: {  	s3 =	simm.s32 $0x108;
	s8 =	sld [smem:$0x3FB5]  }
0x2e: {  	s3 =	simm.s32 @!p0 $0x1082;
	s9 =	sld [smem:$0x3FB6]  }
0x2f: {  	lr =	sadd.s32 s0, s3;
	s0 =	sld [smem:$0x3FAD]  }
0x30: {  	s3 =	sld [smem:$0x3FB0]  }
0x31: {  	[smem:$0x3FB9] =	sst s10  }
0x32: {  	s10 =	sld [smem:$0x3FB7];
	_ =	sdelay $0x3  }
0x33: {  	p0 =	seq.s32 s10, $0x1;
	s10 =	sld [smem:$0x3FB9];
	_ =	sdelay $0x3  }
0x34: {  	[smem:$0x3FB9] =	sst s10  }
0x35: {  	s10 =	sld [smem:$0x3FB8];
	_ =	sdelay $0x3  }
0x36: {  	p1 =	seq.s32 s10, $0x1;
	s10 =	sld [smem:$0x3FB9];
	_ =	sdelay $0x3  }
0x37: {  	[smem:$0x3FB9] =	sst s10  }
0x38: {  	s10 =	sld [smem:$0x3FBA]  }
0x39: {  	_ = 	snop;
	(pc) =	sbr.ind lr, $3  }
0x3a: {  	_ = 	snop  }
0x3b: {  	_ = 	snop  }
0x3c: {  	p2 =	seq.s32 s10, $0x1;
	s10 =	sld [smem:$0x3FB9]  }
0x3d: {  	_ =	shalt  }
0x3e: {  	_ =	shalt  }
0x3f: {  	_ =	shalt  }
0x40: {  	_ =	shalt  }
0x41: {  	_ =	shalt  }
0x42: {  	_ =	shalt  }
0x43: {  	_ =	shalt  }
0x44: {  	_ =	shalt  }
0x45: {  	_ =	shalt  }
0x46: {  	_ =	shalt  }
0x47: {  	_ =	shalt  }
0x48: {  	_ =	shalt  }
0x49: {  	_ =	shalt  }
0x4a: {  	_ =	shalt  }
0x4b: {  	_ =	shalt  }
0x4c: {  	_ =	shalt  }
0x4d: {  	_ =	shalt  }
0x4e: {  	_ =	shalt  }
0x4f: {  	_ =	shalt  }
0x50: {  	_ =	shalt  }
0x51: {  	_ =	shalt  }
0x52: {  	_ =	shalt  }
0x53: {  	_ =	shalt  }
0x54: {  	_ =	shalt  }
0x55: {  	_ =	shalt  }
0x56: {  	_ =	shalt  }
0x57: {  	_ =	shalt  }
0x58: {  	_ =	shalt  }
0x59: {  	_ =	shalt  }
0x5a: {  	_ =	shalt  }
0x5b: {  	_ =	shalt  }
0x5c: {  	_ =	shalt  }
0x5d: {  	_ =	shalt  }
0x5e: {  	_ =	shalt  }
0x5f: {  	_ =	shalt  }
0x60: {  	_ =	shalt  }
0x61: {  	_ =	shalt  }
0x62: {  	_ =	shalt  }
0x63: {  	_ =	shalt  }
0x64: {  	_ =	shalt  }
0x65: {  	_ =	shalt  }
0x66: {  	_ =	shalt  }
0x67: {  	_ =	shalt  }
0x68: {  	_ =	shalt  }
0x69: {  	_ =	shalt  }
0x6a: {  	_ =	shalt  }
0x6b: {  	_ =	shalt  }
0x6c: {  	_ =	shalt  }
0x6d: {  	_ =	shalt  }
0x6e: {  	_ =	shalt  }
0x6f: {  	_ =	shalt  }
0x70: {  	_ =	shalt  }
0x71: {  	_ =	shalt  }
0x72: {  	_ =	shalt  }
0x73: {  	_ =	shalt  }
0x74: {  	_ =	shalt  }
0x75: {  	_ =	shalt  }
0x76: {  	_ =	shalt  }
0x77: {  	_ =	shalt  }
0x78: {  	_ =	shalt  }
0x79: {  	_ =	shalt  }
0x7a: {  	_ =	shalt  }
0x7b: {  	_ =	shalt  }
0x7c: {  	_ =	shalt  }
0x7d: {  	_ =	shalt  }
0x7e: {  	_ =	shalt  }
0x7f: {  	_ =	shalt  }
0x80: {  	_ =	shalt  }
0x81: {  	_ =	shalt  }
0x82: {  	_ =	shalt  }
0x83: {  	_ =	shalt  }
0x84: {  	_ =	shalt  }
0x85: {  	_ =	shalt  }
0x86: {  	_ =	shalt  }
0x87: {  	_ =	shalt  }
.Lfunc_end0:
.L_simem_size_0:
called_computation.3_lowered:
.L_overlay_start_0:
0x88: {  	s2 =	sld [smem:$0x3FD9]  }
0x89: {  	s3 =	sld [smem:$0x3FFE];
	_ =	sdelay $0x1  }
0x8a: {  	s1 =	srdreg.scid  }
0x8b: {  	s0 =	sand.u32 $0x1, s1  }
0x8c: {  	s16 =	sshll.u32 s0, $0xA;
	s2 =	sadd.s32 s3, s2  }
0x8d: {  	s2 =	sadd.s32 s2, s16  }
0x8e: {  	[smem:$0x3FC5] =	sst s2  }
0x8f: {  	_ = 	snop  }
0x90: {  	(tm) =	ssettm $0x1  }
0x91: {  	s17 =	sld [smem:$0x3FFB];
	_ =	sdelay $0x3  }
0x92: {  	_ =	strace s17  }
0x93: {  	s2 =	sld [smem:$0x3FFC];
	_ =	sdelay $0x3  }
0x94: {  	_ =	strace s2  }
0x95: {  	s2 =	sld [smem:$0x3FFD];
	_ =	sdelay $0x3  }
0x96: {  	_ =	strace s2  }
0x97: {  	_ =	strace $0x8FFFFFFF  }
0x98: {  	s18 =	sld [smem:$0x3FDB];
	_ =	sdelay $0x1  }
0x99: {  	s19 =	simm.s32 $_scs_section_size  }
0x9a: {  	s4 =	simm.s32 $_size__tile_overlayer_lowered;
	s5 =	simm.s32 $_tile_overlayer_lowered  }
0x9b: {  	s22 =	simm.s32 $0x1BFF;
	s21 =	sshll.u32 s5, $0x1;
	s2 =	sadd.s32 s19, s18  }
0x9c: {  	s6 =	simm.s32 $0x0;
	s20 =	sshll.u32 s4, $0x1;
	s4 =	sadd.s32 s21, s2  }
0x9d: {  	[timem:s6], [sflag:s22] =	dma.local [hbm:s4], s20  }
0x9e: {  	_ =	swait.ge [sflag:s22], s20  }
0x9f: {  	s3 =	ssub.s32 $0x0, s20;
	[sflag:s22] =	ssyncset.done $0x0  }
0xa0: {  	[sflag:s22] =	ssyncadd.s32 s3;
	_ =	sdelay $0x1  }
0xa1: {  	s23 =	simm.s32 $0x1B8B  }
0xa2: {  	_ =	swait.ge [sflag:s23], $0x1  }
0xa3: {  	[sflag:s23] =	ssyncset.done $0x0  }
0xa4: {  	s25 =	simm.s32 $0x1B8E;
	s24 =	sld [smem:$0x3FFE];
	[sflag:s23] =	ssyncadd.s32 $0xFFFFFFFF  }
0xa5: {  	s26 =	simm.s32 $execute0_lowered;
	[smem:$0x3FD2] =	sst s25  }
0xa6: {  	s4 =	sshll.u32 s26, $0x1;
	_ =	strace $0x8000004C;
	[dreg:$0x1] =	wrdreg $0xFFFFFFFF  }
0xa7: {  	s28 =	simm.s32 $_size_execute0_lowered;
	s2 =	sadd.s32 s2, s4;
	[dreg:$0x0] =	wrdreg $0x0  }
0xa8: {  	s4 =	sshll.u32 s28, $0x1;
	[dreg:$0x2] =	wrdreg s2  }
0xa9: {  	[dreg:$0x3] =	wrdreg s4  }
0xaa: {  	[dreg:$0x4] =	wrdreg $0xC0  }
0xab: {  	_ =	task [dreg:s6], $0x5FFFF  }
0xac: {  	[dreg:$0x1] =	wrdreg $0xFFFFFFFF  }
0xad: {  	[dreg:$0x0] =	wrdreg $0x60  }
0xae: {  	[dreg:$0x2] =	wrdreg s24  }
0xaf: {  	[dreg:$0x3] =	wrdreg $0xA0000  }
0xb0: {  	[dreg:$0x4] =	wrdreg $0x138000  }
0xb1: {  	[dreg:$0x5] =	wrdreg $0xA  }
0xb2: {  	_ =	task.clear_ibuf [dreg:s6], $0x6FFFF;
	_ =	strace $0x9000004C  }
0xb3: {  	s29 =	simm.s32 $0xA;
	_ =	strace $0x8000004E  }
0xb4: {  	_ =	swait.ge [sflag:s29], $0x1  }
0xb5: {  	[sflag:s29] =	ssyncadd.s32 $0xFFFFFFFF  }
0xb6: {  	_ =	strace $0x9000004E  }
0xb7: {  	_ =	sfence  }
0xb8: {  	s30 =	sld [smem:$0x0];
	_ =	sdelay $0x2  }
0xb9: {  	s31 =	sshll.u32 s1, $0xD;
	s1 =	sshrl.u32 s1, $0x2  }
0xba: {  	s3 =	sand.u32 $0x4000, s31;
	s1 =	sadd.s32 s1, s30  }
0xbb: {  	s0 =	sor.u32 s3, s0;
	s1 =	sshll.u32 s1, $0x11  }
0xbc: {  	s0 =	sor.u32 s1, s0  }
0xbd: {  	s0 =	sadd.s32 $0x8F2B, s0  }
0xbe: {  	[sflag:s0] =	ssyncadd.remote.s32 $0x1  }
0xbf: {  	_ =	sfence.sel $0xFFFF  }
0xc0: {  	[dreg:$0x0] =	wrdreg $0xFFFFFFFF;
	(pc) =	sbr.abs _section_cstart, $3  }
0xc1: {  	[dreg:$0x1] =	wrdreg $0xFFFFFFFF  }
0xc2: {  	_ =	task.clear_ibuf [dreg:s6], $0x2FFFF;
	_ =	strace $0x9FFFFFFF  }
0xc3: {  	(tm) =	ssettm $0x7FFFFFFF  }
tec
execute0_lowered:
.L_overlay_start_1:
0x0: {  	(tag) =	ssettag $0x1  }
0x1: {  	s0 =	rddreg [dreg:$0x0]  }
0x2: {  	s1 =	rddreg [dreg:$0x1]  }
0x3: {  	s2 =	rddreg [dreg:$0x2]  }
0x4: {  	s3 =	simm.s32 $0x0;
	s4 =	srdreg.scid;
	s12 =	stileid.u32  }
0x5: {  	s21 =	simm.s32 $0x1000;
	s22 =	simm.s32 $0x2;
	s28 =	simm.s32 $0x8000  }
0x6: {  	s29 =	simm.s32 $0x9000;
	[smem:$0x7FF] =	sst s3;
	s5 =	sadd.s32 $0x2400, s0  }
0x7: {  	s6 =	sadd.s32 $0x102400, s0;
	s7 =	sadd.s32 $0x202400, s0;
	s4 =	sand.u32 $0x1, s4  }
0x8: {  	s8 =	sadd.s32 $0x220E00, s0;
	s9 =	sshll.u32 s12, $0x10;
	s10 =	sshll.u32 s4, $0xF  }
0x9: {  	_ =	strace $0x8000004D;
	s4 =	ssub.s32 $0x2, s4;
	s11 =	sor.u32 s10, s9  }
0xa: {  	s9 =	smul.u32 $0x9800, s12;
	s10 =	sadd.s32 $0x23F800, s0;
	s25 =	sshrl.u32 s4, $0x1  }
0xb: {  	s11 =	smin.u32 s11, $0xEC240;
	s0 =	ssub.s32 s4, s25;
	s25 =	simm.s32 $0x6000  }
0xc: {  	s26 =	sadd.s32 $0x4C00, s9;
	s30 =	sshrl.u32 s11, $0x3;
	s13 =	sadd.s32 s9, s1  }
0xd: {  	s31 =	sadd.s32 s9, s2;
	s16 =	sor.u32 $0x2000, s11;
	s17 =	sor.u32 $0x1000, s11  }
.Ltmp0:
0xe: {  	s18 =	sor.u32 $0x3000, s11;
	s0 =	smax.u32 s0, $0x1;
	(pc) =	sbr.rel .LBB2_1-.Ltmp0, $4  }
0xf: {  	s12 =	sadd.s32 s7, s30;
	[dreg:$0x5] =	wrdreg s13;
	s14 =	sadd.s32 s26, s1  }
0x10: {  	s4 =	sadd.s32 s26, s2;
	[dreg:$0x7] =	wrdreg s0;
	s23 =	sshrl.u32 s31, $0x3  }
0x11: {  	s26 =	simm.s32 $0x7000;
	[dreg:$0x4] =	wrdreg s12;
	s12 =	sadd.s32 $0x200, s12  }
0x12: {  	s24 =	sshrl.u32 s4, $0x3;
	[dreg:$0x6] =	wrdreg s12;
	s12 =	simm.s32 $0x0  }
.LBB2_16:
0x13: {  	s0 =	simm.s32 $0x6  }
0x14: {  	_ =	swait.ge [sflag:s0], $0x1000  }
0x15: {  	[sflag:s0] =	ssyncset.done $0x0  }
0x16: {  	s20 =	simm.s32 $0x8;
	[sflag:s0] =	ssyncadd.s32 $0xFFFFF000  }
0x17: {  	_ =	swait.ge [sflag:s20], $0x1000  }
0x18: {  	[sflag:s20] =	ssyncset.done $0x0  }
0x19: {  	s30 =	simm.s32 $0x7;
	[sflag:s20] =	ssyncadd.s32 $0xFFFFF000  }
0x1a: {  	_ =	swait.ge [sflag:s30], $0x1000  }
0x1b: {  	[sflag:s30] =	ssyncset.done $0x0  }
0x1c: {  	s4 =	simm.s32 $0x9;
	[sflag:s30] =	ssyncadd.s32 $0xFFFFF000  }
0x1d: {  	_ =	swait.ge [sflag:s4], $0x1000  }
0x1e: {  	s12 =	rddreg [dreg:$0x8]  }
0x1f: {  	s31 =	rddreg [dreg:$0x7];
	s12 =	sadd.s32 $0x1, s12  }
0x20: {  	p0 =	sne.s32 s12, s31  }
.Ltmp1:
0x21: {  	_ = 	snop;
	(pc) =	sbr.rel @!p0 .LBB2_17-.Ltmp1, $3  }
0x22: {  	_ =	sdelay $0x1  }
0x23: {  	[sflag:s4] =	ssyncset.done $0x0  }
0x24: {  	[sflag:s4] =	ssyncadd.s32 $0xFFFFF000  }
.LBB2_1:
0x25: {  	[dreg:$0x8] =	wrdreg s12  }
0x26: {  	s0 =	rddreg [dreg:$0x4];
	s15 =	simm.s32 $0xA  }
0x27: {  	[tilespmem:s3], [sflag:$0xA] =	stream.linear.gather [hbm4b:s0+s3], $0x1000, $0x38;
	[tilespmem:$0x1D000] =	vst v63  }
0x28: {  	_ =	swait.ge [sflag:s15], $0x1000  }
0x29: {  	[sflag:s15] =	ssyncset.done $0x0  }
0x2a: {  	[sflag:s15] =	ssyncadd.s32 $0xFFFFF000  }
0x2b: {  	v0 =	vld [tilespmem:$0x0];
	_ =	sdelay $0x2  }
0x2c: {  	v1 =	vld [tilespmem:$0xFF0];
	_ =	sdelay $0x1  }
0x2d: {  	(v2sf) =	vpush v0, $0x0;
	_ =	sdelay $0x2  }
0x2e: {  	(v2sf) =	vpush v1, $0xF;
	_ =	sdelay $0xb  }
0x2f: {  	s19 =	spop (v2sf)  }
0x30: {  	s0 =	sand.u32 $0xFFFFFF80, s19  }
0x31: {  	p0 =	slt.s32 s0, $0x7FB400  }
0x32: {  	s4 =	spop (v2sf);
	s0 =	simm.s32 @!p0 $0x7FB400  }
0x33: {  	s30 =	ssub.s32 s4, s0  }
0x34: {  	p0 =	sgt.s32 s30, $0x4BFF  }
.Ltmp2:
0x35: {  	_ = 	snop;
	(pc) =	sbr.rel @p0 .LBB2_5-.Ltmp2, $4  }
0x36: {  	_ = 	snop  }
0x37: {  	s20 =	stileid.u32  }
0x38: {  	s31 =	rddreg [dreg:$0x5];
	s15 =	sshll.u32 s20, $0x6  }
0x39: {  	s12 =	sshrl.u32 s31, $0x3;
	s19 =	sor.u32 $0x1C03, s15  }
0x3a: {  	s4 =	sshrl.u32 s0, $0x3  }
0x3b: {  	s20 =	sshrl.u32 s14, $0x3;
	s13 =	sadd.s32 s5, s4;
	s4 =	sadd.s32 s6, s4  }
0x3c: {  	[spmem:s12], [sflag:s19] =	dma.local [hbm:s13], $0x980  }
0x3d: {  	[spmem:s20], [sflag:s19] =	dma.local [hbm:s4], $0x980  }
0x3e: {  	s20 =	simm.s32 $0x0  }
0x3f: {  	v1 =	vld [tilespmem:s20+$0x70]  }
0x40: {  	v2 =	vld [tilespmem:s20+$0x0];
	_ =	sdelay $0x1  }
0x41: {  	s31 =	ssub.s32 s0, s9;
	v3 =	vld [tilespmem:s20+$0x10]  }
0x42: {  	v0 =	vmov s31;
	v4 =	vld [tilespmem:s20+$0x20]  }
0x43: {  	v5 =	vld [tilespmem:s20+$0x30];
	v1 =	vsub.s32 v1, v0  }
0x44: {  	v6 =	vld [tilespmem:s20+$0x40];
	v8 =	vsub.s32 v2, v0;
	[tilespmem:s20+$0x2070] =	vst v1  }
0x45: {  	v7 =	vld [tilespmem:s20+$0x50];
	v2 =	vadd.s32 $0x4C00, v1;
	[tilespmem:s20+$0x2000] =	vst v8  }
0x46: {  	v9 =	vld [tilespmem:s20+$0x60];
	v10 =	vadd.s32 $0x4C00, v8;
	v1 =	vsub.s32 v3, v0;
	[tilespmem:s20+$0x3070] =	vst v2  }
0x47: {  	[tilespmem:s20+$0x3000] =	vst v10;
	v3 =	vadd.s32 $0x4C00, v1;
	v2 =	vsub.s32 v4, v0  }
0x48: {  	[tilespmem:s20+$0x3010] =	vst v3;
	v4 =	vadd.s32 $0x4C00, v2;
	v3 =	vsub.s32 v5, v0  }
0x49: {  	[tilespmem:s20+$0x3020] =	vst v4;
	v5 =	vadd.s32 $0x4C00, v3;
	v4 =	vsub.s32 v6, v0  }
0x4a: {  	[tilespmem:s20+$0x3030] =	vst v5;
	v6 =	vadd.s32 $0x4C00, v4;
	v5 =	vsub.s32 v7, v0  }
0x4b: {  	[tilespmem:s20+$0x3040] =	vst v6;
	v7 =	vadd.s32 $0x4C00, v5;
	v6 =	vsub.s32 v9, v0  }
0x4c: {  	[tilespmem:s20+$0x3050] =	vst v7;
	v7 =	vadd.s32 $0x4C00, v6  }
0x4d: {  	s0 =	simm.s32 $0x80;
	s4 =	simm.s32 $0x400;
	[tilespmem:s20+$0x3060] =	vst v7  }
.LBB2_3:
0x4e: {  	p0 =	sne.s32 s4, $0x3E00;
	v7 =	vld [tilespmem:s0+$0x70];
	[tilespmem:s20+$0x2010] =	vst v1  }
0x4f: {  	v1 =	vld [tilespmem:s0+$0x0];
	[tilespmem:s20+$0x2020] =	vst v2  }
0x50: {  	v2 =	vld [tilespmem:s0+$0x10];
	[tilespmem:s20+$0x2030] =	vst v3  }
0x51: {  	v3 =	vld [tilespmem:s0+$0x20];
	[tilespmem:s20+$0x2040] =	vst v4  }
0x52: {  	v4 =	vld [tilespmem:s0+$0x30];
	[tilespmem:s20+$0x2050] =	vst v5  }
0x53: {  	v5 =	vld [tilespmem:s0+$0x40];
	v7 =	vsub.s32 v7, v0;
	[tilespmem:s20+$0x2060] =	vst v6;
	s20 =	smov.u32 s0  }
0x54: {  	v8 =	vsub.s32 v1, v0;
	v6 =	vld [tilespmem:s20+$0x50];
	[tilespmem:s20+$0x2070] =	vst v7;
	v7 =	vadd.s32 $0x4C00, v7  }
0x55: {  	v9 =	vadd.s32 $0x4C00, v8;
	v1 =	vsub.s32 v2, v0;
	v10 =	vld [tilespmem:s20+$0x60];
	[tilespmem:s20+$0x3070] =	vst v7  }
0x56: {  	[tilespmem:s20+$0x3000] =	vst v9;
	v7 =	vadd.s32 $0x4C00, v1;
	v2 =	vsub.s32 v3, v0  }
0x57: {  	[tilespmem:s20+$0x3010] =	vst v7;
	v7 =	vadd.s32 $0x4C00, v2;
	v3 =	vsub.s32 v4, v0  }
0x58: {  	[tilespmem:s20+$0x3020] =	vst v7;
	v7 =	vadd.s32 $0x4C00, v3;
	v4 =	vsub.s32 v5, v0  }
.Ltmp3:
0x59: {  	[tilespmem:s20+$0x3030] =	vst v7;
	v7 =	vadd.s32 $0x4C00, v4;
	v5 =	vsub.s32 v6, v0;
	(pc) =	sbr.rel @p0 .LBB2_3-.Ltmp3, $4  }
0x5a: {  	[tilespmem:s20+$0x3040] =	vst v7;
	v7 =	vadd.s32 $0x4C00, v5;
	v6 =	vsub.s32 v10, v0  }
0x5b: {  	[tilespmem:s20+$0x3050] =	vst v7;
	v7 =	vadd.s32 $0x4C00, v6  }
0x5c: {  	[tilespmem:s20+$0x3060] =	vst v7  }
0x5d: {  	s0 =	sshra.s32 s4, $0x2;
	s4 =	sadd.s32 $0x200, s4;
	[tilespmem:s20+$0x2000] =	vst v8  }
0x5e: {  	v7 =	vld [tilespmem:s0+$0x70];
	[tilespmem:s20+$0x2010] =	vst v1  }
0x5f: {  	v1 =	vld [tilespmem:s0+$0x0];
	[tilespmem:s20+$0x2020] =	vst v2  }
0x60: {  	v2 =	vld [tilespmem:s0+$0x10];
	[tilespmem:s20+$0x2030] =	vst v3  }
0x61: {  	v3 =	vld [tilespmem:s0+$0x20];
	[tilespmem:s20+$0x2040] =	vst v4  }
0x62: {  	v4 =	vld [tilespmem:s0+$0x30];
	[tilespmem:s20+$0x2050] =	vst v5  }
0x63: {  	v5 =	vld [tilespmem:s0+$0x40];
	[tilespmem:s20+$0x2060] =	vst v6;
	v55 =	vsub.s32 v7, v0  }
0x64: {  	[tilespmem:s0+$0x2070] =	vst v55;
	v6 =	vadd.s32 $0x4C00, v55  }
0x65: {  	v1 =	vsub.s32 v1, v0;
	[tilespmem:s0+$0x3070] =	vst v6  }
0x66: {  	v9 =	vadd.s32 $0x4C00, v1;
	[tilespmem:s0+$0x2000] =	vst v1  }
0x67: {  	v2 =	vsub.s32 v2, v0;
	[tilespmem:s0+$0x3000] =	vst v9  }
0x68: {  	v57 =	vadd.s32 $0x4C00, v2;
	[tilespmem:s0+$0x2010] =	vst v2  }
0x69: {  	v3 =	vsub.s32 v3, v0;
	[tilespmem:s0+$0x3010] =	vst v57  }
0x6a: {  	v56 =	vld [tilespmem:s0+$0x50];
	v58 =	vadd.s32 $0x4C00, v3;
	[tilespmem:s0+$0x2020] =	vst v3  }
0x6b: {  	v8 =	vld [tilespmem:s0+$0x60];
	v4 =	vsub.s32 v4, v0;
	[tilespmem:s0+$0x3020] =	vst v58  }
0x6c: {  	v59 =	vadd.s32 $0x4C00, v4;
	[tilespmem:s0+$0x2030] =	vst v4  }
0x6d: {  	v5 =	vsub.s32 v5, v0;
	[tilespmem:s0+$0x3030] =	vst v59  }
0x6e: {  	v60 =	vadd.s32 $0x4C00, v5;
	[tilespmem:s0+$0x2040] =	vst v5  }
0x6f: {  	v7 =	vsub.s32 v56, v0;
	[tilespmem:s0+$0x3040] =	vst v60  }
0x70: {  	v62 =	vsub.s32 v8, v0;
	[tilespmem:s0+$0x2050] =	vst v7  }
0x71: {  	v61 =	vadd.s32 $0x4C00, v7;
	[tilespmem:s0+$0x2060] =	vst v62  }
0x72: {  	v63 =	vadd.s32 $0x4C00, v62;
	[tilespmem:s0+$0x3050] =	vst v61  }
0x73: {  	[tilespmem:s0+$0x3060] =	vst v63  }
.LBB2_5:
0x74: {  	s20 =	simm.s32 $0x0;
	s0 =	rddreg [dreg:$0x6];
	p2 =	slt.s32 s30, $0x4C00  }
0x75: {  	[tilespmem:s21], [sflag:$0x2] =	stream.linear.gather [hbm4b:s0+s20], $0x1000, $0x38;
	[tilespmem:$0x1D000] =	vst v63  }
.LBB2_6:
0x76: {  	_ =	swait.ge [sflag:s22], $0x1000  }
0x77: {  	[sflag:s22] =	ssyncset.done $0x0  }
0x78: {  	[sflag:s22] =	ssyncadd.s32 $0xFFFFF000  }
0x79: {  	v0 =	vld [tilespmem:$0x1000];
	_ =	sdelay $0x2  }
0x7a: {  	v1 =	vld [tilespmem:$0x1FF0];
	_ =	sdelay $0x1  }
0x7b: {  	(v2sf) =	vpush v0, $0x0;
	_ =	sdelay $0x2  }
0x7c: {  	(v2sf) =	vpush v1, $0xF;
	_ =	sdelay $0xb  }
0x7d: {  	s0 =	spop (v2sf)  }
0x7e: {  	s0 =	sand.u32 $0xFFFFFF80, s0  }
0x7f: {  	p0 =	slt.s32 s0, $0x7FB400  }
0x80: {  	s4 =	spop (v2sf);
	s0 =	simm.s32 @!p0 $0x7FB400  }
0x81: {  	s4 =	ssub.s32 s4, s0  }
0x82: {  	p0 =	sgt.s32 s4, $0x4BFF  }
.Ltmp4:
0x83: {  	_ = 	snop;
	(pc) =	sbr.rel @p0 .LBB2_10-.Ltmp4, $1  }
0x84: {  	_ =	sdelay $0x3  }
0x85: {  	s4 =	sshrl.u32 s0, $0x3  }
0x86: {  	s30 =	sor.u32 $0x1C04, s15;
	s13 =	sadd.s32 s5, s4;
	s4 =	sadd.s32 s6, s4  }
0x87: {  	[spmem:s23], [sflag:s30] =	dma.local [hbm:s13], $0x980  }
0x88: {  	[spmem:s24], [sflag:s30] =	dma.local [hbm:s4], $0x980  }
0x89: {  	s30 =	simm.s32 $0x0  }
0x8a: {  	v1 =	vld [tilespmem:s30+$0x1070]  }
0x8b: {  	v2 =	vld [tilespmem:s30+$0x1000];
	_ =	sdelay $0x1  }
0x8c: {  	s31 =	ssub.s32 s0, s9;
	v3 =	vld [tilespmem:s30+$0x1010]  }
0x8d: {  	v0 =	vmov s31;
	v4 =	vld [tilespmem:s30+$0x1020]  }
0x8e: {  	v5 =	vld [tilespmem:s30+$0x1030];
	v1 =	vsub.s32 v1, v0  }
0x8f: {  	v6 =	vld [tilespmem:s30+$0x1040];
	v8 =	vsub.s32 v2, v0;
	[tilespmem:s30+$0x4070] =	vst v1  }
0x90: {  	v7 =	vld [tilespmem:s30+$0x1050];
	v2 =	vadd.s32 $0x4C00, v1;
	[tilespmem:s30+$0x4000] =	vst v8  }
0x91: {  	v9 =	vld [tilespmem:s30+$0x1060];
	v10 =	vadd.s32 $0x4C00, v8;
	v1 =	vsub.s32 v3, v0;
	[tilespmem:s30+$0x5070] =	vst v2  }
0x92: {  	[tilespmem:s30+$0x5000] =	vst v10;
	v3 =	vadd.s32 $0x4C00, v1;
	v2 =	vsub.s32 v4, v0  }
0x93: {  	[tilespmem:s30+$0x5010] =	vst v3;
	v4 =	vadd.s32 $0x4C00, v2;
	v3 =	vsub.s32 v5, v0  }
0x94: {  	[tilespmem:s30+$0x5020] =	vst v4;
	v5 =	vadd.s32 $0x4C00, v3;
	v4 =	vsub.s32 v6, v0  }
0x95: {  	[tilespmem:s30+$0x5030] =	vst v5;
	v6 =	vadd.s32 $0x4C00, v4;
	v5 =	vsub.s32 v7, v0  }
0x96: {  	[tilespmem:s30+$0x5040] =	vst v6;
	v7 =	vadd.s32 $0x4C00, v5;
	v6 =	vsub.s32 v9, v0  }
0x97: {  	[tilespmem:s30+$0x5050] =	vst v7;
	v7 =	vadd.s32 $0x4C00, v6  }
0x98: {  	s0 =	simm.s32 $0x80;
	s4 =	simm.s32 $0x400;
	[tilespmem:s30+$0x5060] =	vst v7  }
.LBB2_8:
0x99: {  	p1 =	sne.s32 s4, $0x3E00;
	v7 =	vld [tilespmem:s0+$0x1070];
	[tilespmem:s30+$0x4010] =	vst v1  }
0x9a: {  	v1 =	vld [tilespmem:s0+$0x1000];
	[tilespmem:s30+$0x4020] =	vst v2  }
0x9b: {  	v2 =	vld [tilespmem:s0+$0x1010];
	[tilespmem:s30+$0x4030] =	vst v3  }
0x9c: {  	v3 =	vld [tilespmem:s0+$0x1020];
	[tilespmem:s30+$0x4040] =	vst v4  }
0x9d: {  	v4 =	vld [tilespmem:s0+$0x1030];
	[tilespmem:s30+$0x4050] =	vst v5  }
0x9e: {  	v5 =	vld [tilespmem:s0+$0x1040];
	v7 =	vsub.s32 v7, v0;
	[tilespmem:s30+$0x4060] =	vst v6;
	s30 =	smov.u32 s0  }
0x9f: {  	v8 =	vsub.s32 v1, v0;
	v6 =	vld [tilespmem:s30+$0x1050];
	[tilespmem:s30+$0x4070] =	vst v7;
	v7 =	vadd.s32 $0x4C00, v7  }
0xa0: {  	v9 =	vadd.s32 $0x4C00, v8;
	v1 =	vsub.s32 v2, v0;
	v10 =	vld [tilespmem:s30+$0x1060];
	[tilespmem:s30+$0x5070] =	vst v7  }
0xa1: {  	[tilespmem:s30+$0x5000] =	vst v9;
	v7 =	vadd.s32 $0x4C00, v1;
	v2 =	vsub.s32 v3, v0  }
0xa2: {  	[tilespmem:s30+$0x5010] =	vst v7;
	v7 =	vadd.s32 $0x4C00, v2;
	v3 =	vsub.s32 v4, v0  }
0xa3: {  	[tilespmem:s30+$0x5020] =	vst v7;
	v7 =	vadd.s32 $0x4C00, v3;
	v4 =	vsub.s32 v5, v0  }
.Ltmp5:
0xa4: {  	[tilespmem:s30+$0x5030] =	vst v7;
	v7 =	vadd.s32 $0x4C00, v4;
	v5 =	vsub.s32 v6, v0;
	(pc) =	sbr.rel @p1 .LBB2_8-.Ltmp5, $4  }
0xa5: {  	[tilespmem:s30+$0x5040] =	vst v7;
	v7 =	vadd.s32 $0x4C00, v5;
	v6 =	vsub.s32 v10, v0  }
0xa6: {  	[tilespmem:s30+$0x5050] =	vst v7;
	v7 =	vadd.s32 $0x4C00, v6  }
0xa7: {  	[tilespmem:s30+$0x5060] =	vst v7  }
0xa8: {  	s0 =	sshra.s32 s4, $0x2;
	s4 =	sadd.s32 $0x200, s4;
	[tilespmem:s30+$0x4000] =	vst v8  }
0xa9: {  	v7 =	vld [tilespmem:s0+$0x1070];
	[tilespmem:s30+$0x4010] =	vst v1  }
0xaa: {  	v1 =	vld [tilespmem:s0+$0x1000];
	[tilespmem:s30+$0x4020] =	vst v2  }
0xab: {  	v2 =	vld [tilespmem:s0+$0x1010];
	[tilespmem:s30+$0x4030] =	vst v3  }
0xac: {  	v3 =	vld [tilespmem:s0+$0x1020];
	[tilespmem:s30+$0x4040] =	vst v4  }
0xad: {  	v4 =	vld [tilespmem:s0+$0x1030];
	[tilespmem:s30+$0x4050] =	vst v5  }
0xae: {  	v5 =	vld [tilespmem:s0+$0x1040];
	[tilespmem:s30+$0x4060] =	vst v6;
	v55 =	vsub.s32 v7, v0  }
0xaf: {  	[tilespmem:s0+$0x4070] =	vst v55;
	v6 =	vadd.s32 $0x4C00, v55  }
0xb0: {  	v1 =	vsub.s32 v1, v0;
	[tilespmem:s0+$0x5070] =	vst v6  }
0xb1: {  	v9 =	vadd.s32 $0x4C00, v1;
	[tilespmem:s0+$0x4000] =	vst v1  }
0xb2: {  	v2 =	vsub.s32 v2, v0;
	[tilespmem:s0+$0x5000] =	vst v9  }
0xb3: {  	v57 =	vadd.s32 $0x4C00, v2;
	[tilespmem:s0+$0x4010] =	vst v2  }
0xb4: {  	v3 =	vsub.s32 v3, v0;
	[tilespmem:s0+$0x5010] =	vst v57  }
0xb5: {  	v56 =	vld [tilespmem:s0+$0x1050];
	v58 =	vadd.s32 $0x4C00, v3;
	[tilespmem:s0+$0x4020] =	vst v3  }
0xb6: {  	v8 =	vld [tilespmem:s0+$0x1060];
	v4 =	vsub.s32 v4, v0;
	[tilespmem:s0+$0x5020] =	vst v58  }
0xb7: {  	v59 =	vadd.s32 $0x4C00, v4;
	[tilespmem:s0+$0x4030] =	vst v4  }
0xb8: {  	v5 =	vsub.s32 v5, v0;
	[tilespmem:s0+$0x5030] =	vst v59  }
0xb9: {  	v60 =	vadd.s32 $0x4C00, v5;
	[tilespmem:s0+$0x4040] =	vst v5  }
0xba: {  	v7 =	vsub.s32 v56, v0;
	[tilespmem:s0+$0x5040] =	vst v60  }
0xbb: {  	v62 =	vsub.s32 v8, v0;
	[tilespmem:s0+$0x4050] =	vst v7  }
0xbc: {  	v61 =	vadd.s32 $0x4C00, v7;
	[tilespmem:s0+$0x4060] =	vst v62  }
0xbd: {  	v63 =	vadd.s32 $0x4C00, v62;
	[tilespmem:s0+$0x5050] =	vst v61  }
0xbe: {  	[tilespmem:s0+$0x5060] =	vst v63  }
.LBB2_10:
0xbf: {  	p1 =	seq.s32 s20, $0x0  }
0xc0: {  	s0 =	simm.s32 @!p1 $0x6  }
0xc1: {  	_ =	swait.ge @!p1 [sflag:s0], $0x1000  }
0xc2: {  	[sflag:s0] =	ssyncset.done @!p1 $0x0  }
0xc3: {  	[sflag:s0] =	ssyncadd.s32 @!p1 $0xFFFFF000;
	s0 =	simm.s32 @!p1 $0x8  }
0xc4: {  	_ =	swait.ge @!p1 [sflag:s0], $0x1000  }
0xc5: {  	s4 =	simm.s32 @!p2 $0x0;
	[sflag:s0] =	ssyncset.done @!p1 $0x0  }
0xc6: {  	s13 =	simm.s32 @!p2 $0x6000;
	[sflag:s0] =	ssyncadd.s32 @!p1 $0xFFFFF000;
	s0 =	simm.s32 @!p2 $0x1000  }
0xc7: {  	[tilespmem:s13], [sflag:$0x5] =	stream.indirect.gather @!p2 [hbm4b:s5+s0], $0x1, s4, s0, $0xb8;
	[tilespmem:$0x1D000] =	vst v63  }
0xc8: {  	s13 =	simm.s32 @!p2 $0x7000  }
0xc9: {  	[tilespmem:s13], [sflag:$0x5] =	stream.indirect.gather @!p2 [hbm4b:s6+s0], $0x1, s4, s0, $0xb8;
	[tilespmem:$0x1D000] =	vst v63  }
0xca: {  	s0 =	simm.s32 @!p2 $0x5  }
0xcb: {  	_ =	swait.ge @!p2 [sflag:s0], $0x1000  }
0xcc: {  	[sflag:s0] =	ssyncset.done @!p2 $0x0  }
0xcd: {  	[sflag:s0] =	ssyncadd.s32 @!p2 $0xFFFFF000  }
0xce: {  	_ =	swait.ge @!p2 [sflag:s0], $0x1000  }
0xcf: {  	[sflag:s0] =	ssyncset.done @!p2 $0x0  }
0xd0: {  	[sflag:s0] =	ssyncadd.s32 @!p2 $0xFFFFF000;
	s0 =	simm.s32 @p2 $0x3  }
0xd1: {  	_ =	swait.ge @p2 [sflag:s0], $0x980  }
0xd2: {  	[sflag:s0] =	ssyncset.done @p2 $0x0  }
0xd3: {  	[sflag:s0] =	ssyncadd.s32 @p2 $0xFFFFF680  }
0xd4: {  	_ =	swait.ge @p2 [sflag:s0], $0x980  }
0xd5: {  	[sflag:s0] =	ssyncset.done @p2 $0x0  }
0xd6: {  	s4 =	simm.s32 @p2 $0x6000;
	[sflag:s0] =	ssyncadd.s32 @p2 $0xFFFFF680;
	s0 =	simm.s32 @p2 $0x2000  }
0xd7: {  	[tilespmem:s4], [sflag:$0x5] =	stream.indirect.gather @p2 [spmem:s1], $0x1, s0, s0, $0xb8;
	[tilespmem:$0x1D000] =	vst v63  }
0xd8: {  	s30 =	sshll.u32 s20, $0xD;
	s0 =	simm.s32 @p2 $0x5  }
0xd9: {  	s13 =	sadd.s32 s11, s30;
	_ =	swait.ge @p2 [sflag:s0], $0x2000  }
0xda: {  	s4 =	sshrl.u32 s13, $0x3;
	[sflag:s0] =	ssyncset.done @p2 $0x0  }
0xdb: {  	s13 =	sadd.s32 s8, s4;
	[sflag:s0] =	ssyncadd.s32 @p2 $0xFFFFE000;
	p2 =	seq.s32 s20, $0x3  }
0xdc: {  	[hbm4b:s13+s3] =	stream.linear.scatter [tilespmem:s25], [sflag:$0x6], $0x1000, $0x38;
	[tilespmem:$0x1D000] =	vst v63  }
0xdd: {  	s0 =	sadd.s32 @!p2 s30, s16  }
0xde: {  	s13 =	sadd.s32 s10, s4;
	s0 =	sshrl.u32 @!p2 s0, $0x3  }
0xdf: {  	[hbm4b:s13+s3] =	stream.linear.scatter [tilespmem:s26], [sflag:$0x8], $0x1000, $0x38;
	[tilespmem:$0x1D000] =	vst v63  }
0xe0: {  	s4 =	simm.s32 @!p2 $0x0;
	s0 =	sadd.s32 @!p2 s7, s0  }
0xe1: {  	[tilespmem:s4], [sflag:$0x1] =	stream.linear.gather @!p2 [hbm4b:s0+s4], $0x1000, $0x38;
	[tilespmem:$0x1D000] =	vst v63  }
0xe2: {  	s0 =	simm.s32 @!p2 $0x1  }
0xe3: {  	_ =	swait.ge @!p2 [sflag:s0], $0x1000  }
0xe4: {  	[sflag:s0] =	ssyncset.done @!p2 $0x0  }
0xe5: {  	[sflag:s0] =	ssyncadd.s32 @!p2 $0xFFFFF000  }
0xe6: {  	v0 =	vld [tilespmem:$0x0];
	_ =	sdelay $0x2  }
0xe7: {  	v1 =	vld [tilespmem:$0xFF0];
	_ =	sdelay $0x1  }
0xe8: {  	(v2sf) =	vpush v0, $0x0;
	_ =	sdelay $0x2  }
0xe9: {  	(v2sf) =	vpush v1, $0xF;
	_ =	sdelay $0xb  }
0xea: {  	s4 =	spop (v2sf)  }
0xeb: {  	s4 =	sand.u32 $0xFFFFFF80, s4  }
0xec: {  	p3 =	slt.s32 s4, $0x7FB400  }
0xed: {  	s13 =	spop (v2sf);
	s4 =	simm.s32 @!p3 $0x7FB400  }
0xee: {  	s31 =	ssub.s32 s13, s4  }
0xef: {  	p3 =	sgt.s32 @!p2 s31, $0x4BFF  }
0xf0: {  	p3 =	por p2, p3  }
.Ltmp6:
0xf1: {  	_ = 	snop;
	(pc) =	sbr.rel @p3 .LBB2_14-.Ltmp6, $1  }
0xf2: {  	_ =	sdelay $0x3  }
0xf3: {  	s0 =	sshrl.u32 s4, $0x3  }
0xf4: {  	s13 =	sadd.s32 s5, s0  }
0xf5: {  	[spmem:s12], [sflag:s19] =	dma.local [hbm:s13], $0x980  }
0xf6: {  	s0 =	sadd.s32 s6, s0;
	s13 =	sshrl.u32 s14, $0x3  }
0xf7: {  	[spmem:s13], [sflag:s19] =	dma.local [hbm:s0], $0x980  }
0xf8: {  	s0 =	simm.s32 $0x0  }
0xf9: {  	v1 =	vld [tilespmem:s0+$0x70]  }
0xfa: {  	v2 =	vld [tilespmem:s0+$0x0];
	_ =	sdelay $0x1  }
0xfb: {  	s13 =	ssub.s32 s4, s9;
	v3 =	vld [tilespmem:s0+$0x10]  }
0xfc: {  	v4 =	vld [tilespmem:s0+$0x20];
	v0 =	vmov s13  }
0xfd: {  	v5 =	vld [tilespmem:s0+$0x30];
	v1 =	vsub.s32 v1, v0  }
0xfe: {  	v6 =	vld [tilespmem:s0+$0x40];
	v8 =	vsub.s32 v2, v0;
	[tilespmem:s0+$0x2070] =	vst v1  }
0xff: {  	v7 =	vld [tilespmem:s0+$0x50];
	v2 =	vadd.s32 $0x4C00, v1;
	[tilespmem:s0+$0x2000] =	vst v8  }
0x100: {  	v9 =	vld [tilespmem:s0+$0x60];
	v10 =	vadd.s32 $0x4C00, v8;
	v1 =	vsub.s32 v3, v0;
	[tilespmem:s0+$0x3070] =	vst v2  }
0x101: {  	[tilespmem:s0+$0x3000] =	vst v10;
	v3 =	vadd.s32 $0x4C00, v1;
	v2 =	vsub.s32 v4, v0  }
0x102: {  	[tilespmem:s0+$0x3010] =	vst v3;
	v4 =	vadd.s32 $0x4C00, v2;
	v3 =	vsub.s32 v5, v0  }
0x103: {  	[tilespmem:s0+$0x3020] =	vst v4;
	v5 =	vadd.s32 $0x4C00, v3;
	v4 =	vsub.s32 v6, v0  }
0x104: {  	[tilespmem:s0+$0x3030] =	vst v5;
	v6 =	vadd.s32 $0x4C00, v4;
	v5 =	vsub.s32 v7, v0  }
0x105: {  	[tilespmem:s0+$0x3040] =	vst v6;
	v7 =	vadd.s32 $0x4C00, v5;
	v6 =	vsub.s32 v9, v0  }
0x106: {  	[tilespmem:s0+$0x3050] =	vst v7;
	v7 =	vadd.s32 $0x4C00, v6  }
0x107: {  	s4 =	simm.s32 $0x80;
	s13 =	simm.s32 $0x400;
	[tilespmem:s0+$0x3060] =	vst v7  }
.LBB2_12:
0x108: {  	p3 =	sne.s32 s13, $0x3E00;
	v7 =	vld [tilespmem:s4+$0x70];
	[tilespmem:s0+$0x2010] =	vst v1  }
0x109: {  	v1 =	vld [tilespmem:s4+$0x0];
	[tilespmem:s0+$0x2020] =	vst v2  }
0x10a: {  	v2 =	vld [tilespmem:s4+$0x10];
	[tilespmem:s0+$0x2030] =	vst v3  }
0x10b: {  	v3 =	vld [tilespmem:s4+$0x20];
	[tilespmem:s0+$0x2040] =	vst v4  }
0x10c: {  	v4 =	vld [tilespmem:s4+$0x30];
	[tilespmem:s0+$0x2050] =	vst v5  }
0x10d: {  	v5 =	vld [tilespmem:s4+$0x40];
	v7 =	vsub.s32 v7, v0;
	[tilespmem:s0+$0x2060] =	vst v6;
	s0 =	smov.u32 s4  }
0x10e: {  	v8 =	vsub.s32 v1, v0;
	v6 =	vld [tilespmem:s0+$0x50];
	[tilespmem:s0+$0x2070] =	vst v7;
	v7 =	vadd.s32 $0x4C00, v7  }
0x10f: {  	v9 =	vadd.s32 $0x4C00, v8;
	v1 =	vsub.s32 v2, v0;
	v10 =	vld [tilespmem:s0+$0x60];
	[tilespmem:s0+$0x3070] =	vst v7  }
0x110: {  	[tilespmem:s0+$0x3000] =	vst v9;
	v7 =	vadd.s32 $0x4C00, v1;
	v2 =	vsub.s32 v3, v0  }
0x111: {  	[tilespmem:s0+$0x3010] =	vst v7;
	v7 =	vadd.s32 $0x4C00, v2;
	v3 =	vsub.s32 v4, v0  }
0x112: {  	[tilespmem:s0+$0x3020] =	vst v7;
	v7 =	vadd.s32 $0x4C00, v3;
	v4 =	vsub.s32 v5, v0  }
.Ltmp7:
0x113: {  	[tilespmem:s0+$0x3030] =	vst v7;
	v7 =	vadd.s32 $0x4C00, v4;
	v5 =	vsub.s32 v6, v0;
	(pc) =	sbr.rel @p3 .LBB2_12-.Ltmp7, $4  }
0x114: {  	[tilespmem:s0+$0x3040] =	vst v7;
	v7 =	vadd.s32 $0x4C00, v5;
	v6 =	vsub.s32 v10, v0  }
0x115: {  	[tilespmem:s0+$0x3050] =	vst v7;
	v7 =	vadd.s32 $0x4C00, v6  }
0x116: {  	[tilespmem:s0+$0x3060] =	vst v7  }
0x117: {  	s4 =	sshra.s32 s13, $0x2;
	s13 =	sadd.s32 $0x200, s13;
	[tilespmem:s0+$0x2000] =	vst v8  }
0x118: {  	v7 =	vld [tilespmem:s4+$0x70];
	[tilespmem:s0+$0x2010] =	vst v1  }
0x119: {  	v1 =	vld [tilespmem:s4+$0x0];
	[tilespmem:s0+$0x2020] =	vst v2  }
0x11a: {  	v2 =	vld [tilespmem:s4+$0x10];
	[tilespmem:s0+$0x2030] =	vst v3  }
0x11b: {  	v3 =	vld [tilespmem:s4+$0x20];
	[tilespmem:s0+$0x2040] =	vst v4  }
0x11c: {  	v4 =	vld [tilespmem:s4+$0x30];
	[tilespmem:s0+$0x2050] =	vst v5  }
0x11d: {  	v5 =	vld [tilespmem:s4+$0x40];
	[tilespmem:s0+$0x2060] =	vst v6;
	v55 =	vsub.s32 v7, v0  }
0x11e: {  	[tilespmem:s4+$0x2070] =	vst v55;
	v6 =	vadd.s32 $0x4C00, v55  }
0x11f: {  	v1 =	vsub.s32 v1, v0;
	[tilespmem:s4+$0x3070] =	vst v6  }
0x120: {  	v9 =	vadd.s32 $0x4C00, v1;
	[tilespmem:s4+$0x2000] =	vst v1  }
0x121: {  	v2 =	vsub.s32 v2, v0;
	[tilespmem:s4+$0x3000] =	vst v9  }
0x122: {  	v57 =	vadd.s32 $0x4C00, v2;
	[tilespmem:s4+$0x2010] =	vst v2  }
0x123: {  	v3 =	vsub.s32 v3, v0;
	[tilespmem:s4+$0x3010] =	vst v57  }
0x124: {  	v56 =	vld [tilespmem:s4+$0x50];
	v58 =	vadd.s32 $0x4C00, v3;
	[tilespmem:s4+$0x2020] =	vst v3  }
0x125: {  	v8 =	vld [tilespmem:s4+$0x60];
	v4 =	vsub.s32 v4, v0;
	[tilespmem:s4+$0x3020] =	vst v58  }
0x126: {  	v59 =	vadd.s32 $0x4C00, v4;
	[tilespmem:s4+$0x2030] =	vst v4  }
0x127: {  	v5 =	vsub.s32 v5, v0;
	[tilespmem:s4+$0x3030] =	vst v59  }
0x128: {  	v60 =	vadd.s32 $0x4C00, v5;
	[tilespmem:s4+$0x2040] =	vst v5  }
0x129: {  	v7 =	vsub.s32 v56, v0;
	[tilespmem:s4+$0x3040] =	vst v60  }
0x12a: {  	v62 =	vsub.s32 v8, v0;
	[tilespmem:s4+$0x2050] =	vst v7  }
0x12b: {  	v61 =	vadd.s32 $0x4C00, v7;
	[tilespmem:s4+$0x2060] =	vst v62  }
0x12c: {  	v63 =	vadd.s32 $0x4C00, v62;
	[tilespmem:s4+$0x3050] =	vst v61  }
0x12d: {  	[tilespmem:s4+$0x3060] =	vst v63  }
.LBB2_14:
0x12e: {  	s0 =	simm.s32 @!p1 $0x7  }
0x12f: {  	_ =	swait.ge @!p1 [sflag:s0], $0x1000  }
0x130: {  	[sflag:s0] =	ssyncset.done @!p1 $0x0  }
0x131: {  	[sflag:s0] =	ssyncadd.s32 @!p1 $0xFFFFF000;
	s0 =	simm.s32 @!p1 $0x9  }
0x132: {  	_ =	swait.ge @!p1 [sflag:s0], $0x1000  }
0x133: {  	[sflag:s0] =	ssyncset.done @!p1 $0x0  }
0x134: {  	s4 =	simm.s32 @p0 $0x8000;
	[sflag:s0] =	ssyncadd.s32 @!p1 $0xFFFFF000;
	s0 =	simm.s32 @p0 $0x1000  }
0x135: {  	[tilespmem:s4], [sflag:$0x5] =	stream.indirect.gather @p0 [hbm4b:s5+s0], $0x1, s0, s0, $0xb8;
	[tilespmem:$0x1D000] =	vst v63  }
0x136: {  	s4 =	simm.s32 @p0 $0x9000  }
0x137: {  	[tilespmem:s4], [sflag:$0x5] =	stream.indirect.gather @p0 [hbm4b:s6+s0], $0x1, s0, s0, $0xb8;
	[tilespmem:$0x1D000] =	vst v63  }
0x138: {  	s0 =	simm.s32 @p0 $0x5  }
0x139: {  	_ =	swait.ge @p0 [sflag:s0], $0x1000  }
0x13a: {  	[sflag:s0] =	ssyncset.done @p0 $0x0  }
0x13b: {  	[sflag:s0] =	ssyncadd.s32 @p0 $0xFFFFF000  }
0x13c: {  	_ =	swait.ge @p0 [sflag:s0], $0x1000  }
0x13d: {  	[sflag:s0] =	ssyncset.done @p0 $0x0  }
0x13e: {  	[sflag:s0] =	ssyncadd.s32 @p0 $0xFFFFF000;
	s0 =	simm.s32 @!p0 $0x4  }
0x13f: {  	_ =	swait.ge @!p0 [sflag:s0], $0x980  }
0x140: {  	[sflag:s0] =	ssyncset.done @!p0 $0x0  }
0x141: {  	[sflag:s0] =	ssyncadd.s32 @!p0 $0xFFFFF680  }
0x142: {  	_ =	swait.ge @!p0 [sflag:s0], $0x980  }
0x143: {  	s13 =	simm.s32 @!p0 $0x8000;
	[sflag:s0] =	ssyncset.done @!p0 $0x0  }
0x144: {  	s4 =	simm.s32 @!p0 $0x4000;
	[sflag:s0] =	ssyncadd.s32 @!p0 $0xFFFFF680;
	s0 =	simm.s32 @!p0 $0x2000  }
0x145: {  	[tilespmem:s13], [sflag:$0x5] =	stream.indirect.gather @!p0 [spmem:s2], $0x1, s4, s0, $0xb8;
	[tilespmem:$0x1D000] =	vst v63  }
0x146: {  	s0 =	simm.s32 @!p0 $0x5  }
0x147: {  	s13 =	sadd.s32 s30, s17;
	_ =	swait.ge @!p0 [sflag:s0], $0x2000  }
.Ltmp8:
0x148: {  	s4 =	sshrl.u32 s13, $0x3;
	[sflag:s0] =	ssyncset.done @!p0 $0x0;
	(pc) =	sbr.rel @p2 .LBB2_16-.Ltmp8, $4  }
0x149: {  	s13 =	sadd.s32 s8, s4;
	[sflag:s0] =	ssyncadd.s32 @!p0 $0xFFFFE000  }
0x14a: {  	[hbm4b:s13+s3] =	stream.linear.scatter [tilespmem:s28], [sflag:$0x7], $0x1000, $0x38;
	[tilespmem:$0x1D000] =	vst v63  }
0x14b: {  	s13 =	sadd.s32 s10, s4  }
0x14c: {  	[hbm4b:s13+s3] =	stream.linear.scatter [tilespmem:s29], [sflag:$0x9], $0x1000, $0x38;
	[tilespmem:$0x1D000] =	vst v63  }
.Ltmp9:
0x14d: {  	(pc) =	sbr.rel .LBB2_6-.Ltmp9, $4  }
0x14e: {  	s0 =	sadd.s32 s30, s18  }
0x14f: {  	s0 =	sshrl.u32 s0, $0x3  }
0x150: {  	p2 =	slt.s32 s31, $0x4C00;
	s20 =	sadd.s32 $0x1, s20;
	s0 =	sadd.s32 s7, s0  }
0x151: {  	[tilespmem:s21], [sflag:$0x2] =	stream.linear.gather [hbm4b:s0+s3], $0x1000, $0x38;
	[tilespmem:$0x1D000] =	vst v63  }
.LBB2_17:
0x152: {  	_ =	sfence.sel $0x180000  }
0x153: {  	[bflag:$0x0] =	sbarrier.arrive $0xFFFF  }
0x154: {  	_ =	strace $0x9000004D  }
0x155: {  	s0 =	stileid.u32;
	[bflag:$0x2] =	sbarrier.arrive $0xFFFF  }
0x156: {  	p0 =	sne.s32 s0, $0x0;
	s0 =	rddreg [dreg:$0x3]  }
0x157: {  	s0 =	sadd.s32 @!p0 $0x100000, s0  }
0x158: {  	[sflag:s0] =	ssyncadd.tile.s32 @!p0 $0x1;
	_ =	shalt  }
.Lfunc_end2:
_tile_overlayer_lowered:
.L_overlay_start_2:
0x159: {  	(tag) =	ssettag $0x2  }
0x15a: {  	s0 =	rddreg [dreg:$0x0];
	s2 =	stileid.u32  }
0x15b: {  	s1 =	rddreg [dreg:$0x1];
	p0 =	sne.s32 s2, $0x0  }
0x15c: {  	s3 =	rddreg [dreg:$0x2];
	[bflag:$0x3] =	sbarrier.arrive $0xFFFF;
	s2 =	simm.s32 @!p0 $0x1C0A  }
0x15d: {  	[timem:s3], [sflag:s2] =	dma.local @!p0 [hbm:s0], s1  }
0x15e: {  	s0 =	simm.s32 @!p0 $0xA  }
0x15f: {  	_ =	swait.ge @!p0 [sflag:s0], s1  }
0x160: {  	s1 =	ssub.s32 @!p0 $0x0, s1;
	[sflag:s0] =	ssyncset.done @!p0 $0x0  }
0x161: {  	[sflag:s0] =	ssyncadd.s32 @!p0 s1  }
0x162: {  	[bflag:$0x3] =	sbarrier.arrive $0xFFFF  }
0x163: {  	_ =	shalt  }

// kernel: sparse-core-data-format-call.1.cloned.1.call-start
scs
called_computation.1_lowered:
.L_overlay_start_0:
0x0: {  	s2 =	sld [smem:$0x3FD9]  }
0x1: {  	s3 =	sld [smem:$0x3FFE];
	_ =	sdelay $0x1  }
0x2: {  	s1 =	srdreg.scid  }
0x3: {  	s0 =	sand.u32 $0x1, s1  }
0x4: {  	s18 =	sshll.u32 s0, $0xA;
	s2 =	sadd.s32 s3, s2  }
0x5: {  	s2 =	sadd.s32 s2, s18  }
0x6: {  	[smem:$0x3FC5] =	sst s2  }
0x7: {  	_ = 	snop  }
0x8: {  	s2 =	sld [smem:$0x3FC9];
	(tm) =	ssettm $0x1  }
0x9: {  	s19 =	sld [smem:$0x3FFB];
	_ =	sdelay $0x3  }
0xa: {  	_ =	strace s19  }
0xb: {  	s3 =	sld [smem:$0x3FFC];
	_ =	sdelay $0x3  }
0xc: {  	_ =	strace s3  }
0xd: {  	s3 =	sld [smem:$0x3FFD];
	_ =	sdelay $0x3  }
0xe: {  	_ =	strace s3  }
0xf: {  	_ =	strace $0x8FFFFFFF  }
0x10: {  	s20 =	sld [smem:$0x3FDB];
	_ =	sdelay $0x1  }
0x11: {  	s4 =	simm.s32 $_scs_section_size  }
0x12: {  	s5 =	simm.s32 $_size__tile_overlayer_lowered;
	s6 =	simm.s32 $_tile_overlayer_lowered  }
0x13: {  	s23 =	simm.s32 $0x1BFF;
	s22 =	sshll.u32 s6, $0x1;
	s3 =	sadd.s32 s4, s20  }
0x14: {  	s7 =	simm.s32 $0x0;
	s21 =	sshll.u32 s5, $0x1;
	s5 =	sadd.s32 s22, s3  }
0x15: {  	[timem:s7], [sflag:s23] =	dma.local [hbm:s5], s21  }
0x16: {  	_ =	swait.ge [sflag:s23], s21  }
0x17: {  	s4 =	ssub.s32 $0x0, s21;
	[sflag:s23] =	ssyncset.done $0x0  }
0x18: {  	[sflag:s23] =	ssyncadd.s32 s4;
	_ =	sdelay $0x1  }
0x19: {  	s24 =	simm.s32 $0x1B8B  }
0x1a: {  	_ =	swait.ge [sflag:s24], $0x1  }
0x1b: {  	[sflag:s24] =	ssyncset.done $0x0  }
0x1c: {  	s26 =	simm.s32 $0x1B8E;
	s25 =	sld [smem:$0x3FFE];
	[sflag:s24] =	ssyncadd.s32 $0xFFFFFFFF  }
0x1d: {  	s27 =	simm.s32 $execute0_lowered;
	[smem:$0x3FD2] =	sst s26  }
0x1e: {  	s5 =	sshll.u32 s27, $0x1;
	_ =	strace $0x80000046;
	[dreg:$0x1] =	wrdreg $0xFFFFFFFF  }
0x1f: {  	s28 =	simm.s32 $_size_execute0_lowered;
	s3 =	sadd.s32 s3, s5;
	[dreg:$0x0] =	wrdreg $0x0  }
0x20: {  	s5 =	sshll.u32 s28, $0x1;
	[dreg:$0x2] =	wrdreg s3  }
0x21: {  	[dreg:$0x3] =	wrdreg s5  }
0x22: {  	[dreg:$0x4] =	wrdreg $0xC0  }
0x23: {  	_ =	task [dreg:s7], $0x5FFFF  }
0x24: {  	[dreg:$0x1] =	wrdreg $0xFFFFFFFF  }
0x25: {  	[dreg:$0x0] =	wrdreg $0x60  }
0x26: {  	[dreg:$0x2] =	wrdreg s2  }
0x27: {  	[dreg:$0x3] =	wrdreg s25  }
0x28: {  	[dreg:$0x4] =	wrdreg $0xA  }
0x29: {  	_ =	task.clear_ibuf [dreg:s7], $0x5FFFF;
	_ =	strace $0x90000046  }
0x2a: {  	s29 =	simm.s32 $0xA;
	_ =	strace $0x80000048  }
0x2b: {  	_ =	swait.ge [sflag:s29], $0x1  }
0x2c: {  	[sflag:s29] =	ssyncadd.s32 $0xFFFFFFFF  }
0x2d: {  	_ =	strace $0x90000048  }
0x2e: {  	_ =	sfence  }
0x2f: {  	s30 =	sld [smem:$0x0];
	_ =	sdelay $0x2  }
0x30: {  	s31 =	sshll.u32 s1, $0xD;
	s1 =	sshrl.u32 s1, $0x2  }
0x31: {  	s3 =	sand.u32 $0x4000, s31;
	s1 =	sadd.s32 s1, s30  }
0x32: {  	s0 =	sor.u32 s3, s0;
	s1 =	sshll.u32 s1, $0x11  }
0x33: {  	s0 =	sor.u32 s1, s0  }
0x34: {  	s0 =	sadd.s32 $0x8F2B, s0  }
0x35: {  	[sflag:s0] =	ssyncadd.remote.s32 $0x1  }
0x36: {  	_ =	sfence.sel $0xFFFF  }
0x37: {  	[dreg:$0x0] =	wrdreg $0xFFFFFFFF;
	(pc) =	sbr.abs _section_cstart, $3  }
0x38: {  	[dreg:$0x1] =	wrdreg $0xFFFFFFFF  }
0x39: {  	_ =	task.clear_ibuf [dreg:s7], $0x2FFFF;
	_ =	strace $0x9FFFFFFF  }
0x3a: {  	(tm) =	ssettm $0x7FFFFFFF  }
0x3b: {  	_ =	shalt  }
tec
execute0_lowered:
.L_overlay_start_1:
0x0: {  	(tag) =	ssettag $0x1  }
0x1: {  	s0 =	srdreg.scid  }
0x2: {  	s1 =	sshll.u32 s0, $0x4  }
0x3: {  	s2 =	rddreg [dreg:$0x0];
	s0 =	stileid.u32;
	s1 =	sand.u32 $0x10, s1  }
0x4: {  	s4 =	rddreg [dreg:$0x1];
	s7 =	simm.s32 $0x1;
	s1 =	sor.u32 s0, s1  }
0x5: {  	s8 =	simm.s32 $0x2;
	s9 =	simm.s32 $0x0;
	s3 =	sshll.u32 s1, $0x1  }
0x6: {  	s12 =	simm.s32 $0x0;
	s11 =	simm.s32 $0x0;
	s6 =	ssub.s32 $0x400, s3  }
.Ltmp0:
0x7: {  	s4 =	sadd.s32 $0x2400, s4;
	s5 =	sand.u32 $0x3E, s6;
	(pc) =	sbr.rel .LBB1_1-.Ltmp0, $4  }
0x8: {  	s1 =	rddreg [dreg:$0x2];
	_ =	strace $0x80000047;
	p0 =	sne.s32 s5, $0x0  }
0x9: {  	s6 =	sshrl.u32 s6, $0x6;
	s5 =	simm.s32 $0x1;
	s7 =	simm.s32 @!p0 $0x0  }
0xa: {  	s10 =	smov.u32 s3;
	[sflag:s5] =	ssyncpa.u1 $0x0;
	s6 =	sadd.s32 s7, s6  }
0xb: {  	[sflag:s8] =	ssyncpa.u1 $0x0;
	s8 =	simm.s32 $0x0;
	s7 =	sadd.s32 $0x1, s6  }
.LBB1_9:
0xc: {  	s14 =	sadd.s32 $0x40, s10  }
0xd: {  	p1 =	sgt.s32 s14, $0x3FF  }
0xe: {  	s14 =	smov.u32 @p1 s3;
	p1 =	sne.s32 s11, s7  }
.Ltmp1:
0xf: {  	p0 =	slt.u32 s11, $0x2;
	(pc) =	sbr.rel @!p1 .LBB1_10-.Ltmp1, $4  }
0x10: {  	s13 =	simm.s32 @!p0 $0x2  }
0x11: {  	s15 =	sadd.s32 $0x1, s11;
	_ =	swait.ge @!p0 [sflag:s13], $0x4000  }
0x12: {  	s12 =	smov.u32 s10;
	s9 =	sadd.s32 $0x4000, s9;
	[sflag:s13] =	ssyncset.done @!p0 $0x0  }
0x13: {  	s11 =	smov.u32 s15;
	s10 =	smov.u32 s14;
	[sflag:s13] =	ssyncadd.s32 @!p0 $0xFFFFC000  }
.LBB1_1:
0x14: {  	p0 =	sge.u32 s11, s6  }
0x15: {  	s13 =	sxor.u32 @!p0 $0xFFFFFFFF, s11  }
0x16: {  	s31 =	sadd.s32 $0xFFFFFFFF, s11;
	s14 =	sshll.u32 @!p0 s10, $0xA;
	s13 =	sshll.u32 @!p0 s13, $0xE  }
0x17: {  	s15 =	simm.s32 @!p0 $0x0;
	s14 =	sadd.s32 @!p0 s2, s14;
	s13 =	sand.u32 @!p0 $0x4000, s13  }
0x18: {  	[tilespmem:s13], [sflag:$0x1] =	stream.linear.gather @!p0 [hbm4b:s14+s15], $0x4000, $0x38;
	[tilespmem:$0x10000] =	vst v63  }
0x19: {  	p0 =	sge.u32 s31, s6  }
.Ltmp2:
0x1a: {  	_ = 	snop;
	(pc) =	sbr.rel @p0 .LBB1_9-.Ltmp2, $1  }
0x1b: {  	_ =	sdelay $0x3  }
0x1c: {  	s13 =	sshll.u32 s9, $0x2  }
0x1d: {  	_ =	swait.ge [sflag:s5], $0x4000;
	s14 =	sshll.u32 s11, $0xE;
	s16 =	simm.s32 $0x0  }
0x1e: {  	p1 =	por $0x1, $0x1;
	s13 =	sand.u32 $0x10000, s13;
	[sflag:s5] =	ssyncset.done $0x0  }
0x1f: {  	s14 =	sand.u32 $0x4000, s14;
	s15 =	sshrl.u32 s13, $0x2;
	[sflag:s5] =	ssyncadd.s32 $0xFFFFC000  }
0x20: {  	s13 =	sor.u32 $0x8000, s14;
	s14 =	sadd.s32 $0x8040, s15;
	s15 =	sadd.s32 $0x40, s15  }
.LBB1_3:
0x21: {  	s16 =	sshll.u32 s16, $0x2  }
0x22: {  	p0 =	por p1, p1;
	s17 =	sshra.s32 s16, $0x2  }
0x23: {  	s18 =	simm.s32 $0x0;
	s16 =	sadd.s32 s17, s14;
	s17 =	sadd.s32 s17, s15  }
.LBB1_4:
0x24: {  	v0 =	vmov s17;
	_ =	sdelay $0x3  }
0x25: {  	s20 =	simm.s32 $0x0  }
0x26: {  	v6 =	vld.idx.msk [tilespmem:v0+s20+$0x30 ss:$0x1], $0xffff  }
0x27: {  	v7 =	vld.idx.msk [tilespmem:v0+s20+$0xFFFFFFC0 ss:$0x1], $0xffff  }
0x28: {  	v5 =	vld.idx.msk [tilespmem:v0+s20+$0xFFFFFFD0 ss:$0x1], $0xffff  }
0x29: {  	v4 =	vld.idx.msk [tilespmem:v0+s20+$0xFFFFFFE0 ss:$0x1], $0xffff  }
0x2a: {  	v3 =	vld.idx.msk [tilespmem:v0+s20+$0xFFFFFFF0 ss:$0x1], $0xffff  }
0x2b: {  	v1 =	vld.idx.msk [tilespmem:v0+s20+$0x0 ss:$0x1], $0xffff  }
0x2c: {  	v2 =	vld.idx.msk [tilespmem:v0+s20+$0x10 ss:$0x1], $0xffff;
	[tilespmem:s16+$0x30] =	vst v6  }
0x2d: {  	s19 =	simm.s32 $0x80;
	s21 =	simm.s32 $0x400;
	[tilespmem:s16+$0xFFFFFFC0] =	vst v7;
	v6 =	vld.idx.msk [tilespmem:v0+s20+$0x20 ss:$0x1], $0xffff;
	s20 =	smov.u32 s16  }
.LBB1_5:
0x2e: {  	p1 =	sne.s32 s21, $0xE00;
	v7 =	vld.idx.msk [tilespmem:v0+s19+$0x30 ss:$0x1], $0xffff;
	[tilespmem:s20+$0xFFFFFFD0] =	vst v5  }
0x2f: {  	v8 =	vld.idx.msk [tilespmem:v0+s19+$0xFFFFFFC0 ss:$0x1], $0xffff;
	[tilespmem:s20+$0xFFFFFFE0] =	vst v4  }
0x30: {  	v5 =	vld.idx.msk [tilespmem:v0+s19+$0xFFFFFFD0 ss:$0x1], $0xffff;
	[tilespmem:s20+$0xFFFFFFF0] =	vst v3  }
.Ltmp3:
0x31: {  	v4 =	vld.idx.msk [tilespmem:v0+s19+$0xFFFFFFE0 ss:$0x1], $0xffff;
	[tilespmem:s20+$0x0] =	vst v1;
	(pc) =	sbr.rel @p1 .LBB1_5-.Ltmp3, $4  }
0x32: {  	v3 =	vld.idx.msk [tilespmem:v0+s19+$0xFFFFFFF0 ss:$0x1], $0xffff;
	[tilespmem:s20+$0x10] =	vst v2  }
0x33: {  	v1 =	vld.idx.msk [tilespmem:v0+s19+$0x0 ss:$0x1], $0xffff;
	[tilespmem:s20+$0x20] =	vst v6;
	s20 =	sadd.s32 $0x400, s20  }
0x34: {  	v2 =	vld.idx.msk [tilespmem:v0+s19+$0x10 ss:$0x1], $0xffff;
	[tilespmem:s20+$0x30] =	vst v7  }
0x35: {  	[tilespmem:s20+$0xFFFFFFC0] =	vst v8;
	v6 =	vld.idx.msk [tilespmem:v0+s19+$0x20 ss:$0x1], $0xffff;
	s19 =	sshra.s32 s21, $0x2;
	s21 =	sadd.s32 $0x200, s21  }
0x36: {  	_ =	sdelay $0x2  }
0x37: {  	[tilespmem:s20+$0xFFFFFFD0] =	vst v5  }
0x38: {  	v56 =	vld.idx.msk [tilespmem:v0+s19+$0x30 ss:$0x1], $0xffff;
	[tilespmem:s20+$0xFFFFFFE0] =	vst v4  }
0x39: {  	v57 =	vld.idx.msk [tilespmem:v0+s19+$0xFFFFFFC0 ss:$0x1], $0xffff;
	[tilespmem:s20+$0xFFFFFFF0] =	vst v3  }
0x3a: {  	v58 =	vld.idx.msk [tilespmem:v0+s19+$0xFFFFFFD0 ss:$0x1], $0xffff;
	[tilespmem:s20+$0x0] =	vst v1  }
0x3b: {  	v59 =	vld.idx.msk [tilespmem:v0+s19+$0xFFFFFFE0 ss:$0x1], $0xffff;
	[tilespmem:s20+$0x10] =	vst v2  }
0x3c: {  	v60 =	vld.idx.msk [tilespmem:v0+s19+$0xFFFFFFF0 ss:$0x1], $0xffff;
	s31 =	sadd.s32 $0x400, s20;
	[tilespmem:s20+$0x20] =	vst v6  }
0x3d: {  	v61 =	vld.idx.msk [tilespmem:v0+s19+$0x0 ss:$0x1], $0xffff;
	[tilespmem:s31+$0x30] =	vst v56  }
0x3e: {  	v62 =	vld.idx.msk [tilespmem:v0+s19+$0x10 ss:$0x1], $0xffff;
	s18 =	sadd.s32 $0x1, s18;
	[tilespmem:s31+$0xFFFFFFC0] =	vst v57  }
0x3f: {  	v63 =	vld.idx.msk [tilespmem:v0+s19+$0x20 ss:$0x1], $0xffff;
	p1 =	sne.s32 s18, $0x8;
	[tilespmem:s31+$0xFFFFFFD0] =	vst v58  }
.Ltmp4:
0x40: {  	[tilespmem:s31+$0xFFFFFFE0] =	vst v59;
	(pc) =	sbr.rel @p1 .LBB1_4-.Ltmp4, $4  }
0x41: {  	[tilespmem:s31+$0xFFFFFFF0] =	vst v60  }
0x42: {  	[tilespmem:s31+$0x0] =	vst v61  }
0x43: {  	[tilespmem:s31+$0x10] =	vst v62  }
0x44: {  	s16 =	sadd.s32 $0x80, s16;
	s17 =	sadd.s32 $0x400, s17;
	[tilespmem:s31+$0x20] =	vst v63  }
.Ltmp5:
0x45: {  	(pc) =	sbr.rel @p0 .LBB1_3-.Ltmp5, $2  }
0x46: {  	_ =	sdelay $0x2  }
0x47: {  	s16 =	simm.s32 $0x2000;
	p1 =	por $0x0, $0x0  }
.Ltmp6:
0x48: {  	(pc) =	sbr.rel .LBB1_9-.Ltmp6, $4  }
0x49: {  	_ = 	snop  }
0x4a: {  	s12 =	sshll.u32 s12, $0xA  }
0x4b: {  	s12 =	sadd.s32 s4, s12  }
0x4c: {  	[hbm4b:s12+s8] =	stream.linear.scatter [tilespmem:s13], [sflag:$0x2], $0x4000, $0x38;
	[tilespmem:$0x10000] =	vst v63  }
.LBB1_10:
0x4d: {  	_ =	sfence.sel $0x180000  }
0x4e: {  	s2 =	simm.s32 $0x1;
	[bflag:$0x0] =	sbarrier.arrive $0xFFFF  }
0x4f: {  	s31 =	simm.s32 $0x2;
	[sflag:s2] =	ssyncpa.u1 $0x1  }
0x50: {  	[sflag:s31] =	ssyncpa.u1 $0x1  }
0x51: {  	p0 =	sne.s32 s0, $0x0;
	_ =	strace $0x90000047  }
0x52: {  	s0 =	sadd.s32 @!p0 $0x100000, s1;
	[bflag:$0x2] =	sbarrier.arrive $0xFFFF  }
0x53: {  	[sflag:s0] =	ssyncadd.tile.s32 @!p0 $0x1;
	_ =	shalt  }
.Lfunc_end1:
_tile_overlayer_lowered:
.L_overlay_start_2:
0x54: {  	(tag) =	ssettag $0x2  }
0x55: {  	s0 =	rddreg [dreg:$0x0];
	s2 =	stileid.u32  }
0x56: {  	s1 =	rddreg [dreg:$0x1];
	p0 =	sne.s32 s2, $0x0  }
0x57: {  	s3 =	rddreg [dreg:$0x2];
	[bflag:$0x3] =	sbarrier.arrive $0xFFFF;
	s2 =	simm.s32 @!p0 $0x1C01  }
0x58: {  	[timem:s3], [sflag:s2] =	dma.local @!p0 [hbm:s0], s1  }
0x59: {  	s0 =	simm.s32 @!p0 $0x1  }
0x5a: {  	_ =	swait.ge @!p0 [sflag:s0], s1  }
0x5b: {  	s1 =	ssub.s32 @!p0 $0x0, s1;
	[sflag:s0] =	ssyncset.done @!p0 $0x0  }
0x5c: {  	[sflag:s0] =	ssyncadd.s32 @!p0 s1  }
0x5d: {  	[bflag:$0x3] =	sbarrier.arrive $0xFFFF  }
0x5e: {  	_ =	shalt  }

// kernel: sparse-core-data-format-call.cloned.1.call-start
scs
called_computation_lowered:
.L_overlay_start_0:
0x0: {  	s2 =	sld [smem:$0x3FD9]  }
0x1: {  	s3 =	sld [smem:$0x3FFE];
	_ =	sdelay $0x1  }
0x2: {  	s1 =	srdreg.scid  }
0x3: {  	s0 =	sand.u32 $0x1, s1  }
0x4: {  	s18 =	sshll.u32 s0, $0xA;
	s2 =	sadd.s32 s3, s2  }
0x5: {  	s2 =	sadd.s32 s2, s18  }
0x6: {  	[smem:$0x3FC5] =	sst s2  }
0x7: {  	_ = 	snop  }
0x8: {  	s19 =	sld [smem:$0x3FC8];
	(tm) =	ssettm $0x1  }
0x9: {  	s20 =	sld [smem:$0x3FFB];
	_ =	sdelay $0x3  }
0xa: {  	_ =	strace s20  }
0xb: {  	s2 =	sld [smem:$0x3FFC];
	_ =	sdelay $0x3  }
0xc: {  	_ =	strace s2  }
0xd: {  	s2 =	sld [smem:$0x3FFD];
	_ =	sdelay $0x3  }
0xe: {  	_ =	strace s2  }
0xf: {  	_ =	strace $0x8FFFFFFF  }
0x10: {  	s21 =	sld [smem:$0x3FDB];
	_ =	sdelay $0x1  }
0x11: {  	s4 =	simm.s32 $_scs_section_size  }
0x12: {  	s5 =	simm.s32 $_size__tile_overlayer_lowered;
	s6 =	simm.s32 $_tile_overlayer_lowered  }
0x13: {  	s7 =	simm.s32 $0x1BFF;
	s22 =	sshll.u32 s6, $0x1;
	s4 =	sadd.s32 s4, s21  }
0x14: {  	s23 =	simm.s32 $0x0;
	s5 =	sshll.u32 s5, $0x1;
	s6 =	sadd.s32 s22, s4  }
0x15: {  	[timem:s23], [sflag:s7] =	dma.local [hbm:s6], s5  }
0x16: {  	_ =	swait.ge [sflag:s7], s5  }
0x17: {  	s5 =	ssub.s32 $0x0, s5;
	[sflag:s7] =	ssyncset.done $0x0  }
0x18: {  	[sflag:s7] =	ssyncadd.s32 s5;
	_ =	sdelay $0x1  }
0x19: {  	s24 =	simm.s32 $0x1B8B  }
0x1a: {  	_ =	swait.ge [sflag:s24], $0x1  }
0x1b: {  	[sflag:s24] =	ssyncset.done $0x0  }
0x1c: {  	[sflag:s24] =	ssyncadd.s32 $0xFFFFFFFF  }
0x1d: {  	s5 =	sld [smem:$0x0]  }
0x1e: {  	s6 =	sand.u32 $0xFFFFFFFE, s1  }
0x1f: {  	p0 =	sne.s32 s1, s6  }
0x20: {  	s6 =	sshll.u32 @p0 s6, $0xE  }
0x21: {  	s6 =	sadd.s32 @p0 $0x11B8D, s6;
	s7 =	sshll.u32 @p0 s5, $0x11  }
0x22: {  	s6 =	sor.u32 @p0 s7, s6  }
0x23: {  	[sflag:s6] =	ssyncadd.remote.s32 @p0 $0x1;
	_ =	sdelay $0x1  }
0x24: {  	s6 =	simm.s32 @p0 $0x1B8D  }
0x25: {  	_ =	swait.eq @p0 [sflag:s6], $0x1  }
0x26: {  	[sflag:s6] =	ssyncadd.s32 @p0 $0xFFFFFFFF  }
0x27: {  	s7 =	sshll.u32 @!p0 s1, $0xE  }
0x28: {  	s7 =	sor.u32 @!p0 $0x4000, s7;
	s6 =	simm.s32 @!p0 $0x1B8D  }
0x29: {  	s5 =	sshll.u32 @!p0 s5, $0x11;
	s7 =	sadd.s32 @!p0 $0x11B8D, s7;
	_ =	swait.eq @!p0 [sflag:s6], $0x1  }
0x2a: {  	s5 =	sor.u32 @!p0 s5, s7;
	[sflag:s6] =	ssyncadd.s32 @!p0 $0xFFFFFFFF  }
0x2b: {  	s26 =	simm.s32 $0x1B8E;
	s25 =	sld [smem:$0x3FFE];
	[sflag:s5] =	ssyncadd.remote.s32 @!p0 $0x1  }
0x2c: {  	s27 =	simm.s32 $execute0_lowered;
	[smem:$0x3FD2] =	sst s26  }
0x2d: {  	s6 =	sshll.u32 s27, $0x1;
	_ =	strace $0x80000049;
	[dreg:$0x1] =	wrdreg $0xFFFFFFFF  }
0x2e: {  	s28 =	simm.s32 $_size_execute0_lowered;
	s4 =	sadd.s32 s4, s6;
	[dreg:$0x0] =	wrdreg $0x0  }
0x2f: {  	s6 =	sshll.u32 s28, $0x1;
	[dreg:$0x2] =	wrdreg s4  }
0x30: {  	[dreg:$0x3] =	wrdreg s6  }
0x31: {  	[dreg:$0x4] =	wrdreg $0xC0  }
0x32: {  	_ =	task [dreg:s23], $0x5FFFF  }
0x33: {  	[dreg:$0x1] =	wrdreg $0xFFFFFFFF  }
0x34: {  	[dreg:$0x0] =	wrdreg $0x60  }
0x35: {  	[dreg:$0x2] =	wrdreg s19  }
0x36: {  	[dreg:$0x3] =	wrdreg s25  }
0x37: {  	[dreg:$0x4] =	wrdreg $0x9  }
0x38: {  	_ =	task.clear_ibuf [dreg:s23], $0x5FFFF;
	_ =	strace $0x90000049  }
0x39: {  	s29 =	simm.s32 $0x9;
	_ =	strace $0x8000004B  }
0x3a: {  	_ =	swait.ge [sflag:s29], $0x1  }
0x3b: {  	[sflag:s29] =	ssyncadd.s32 $0xFFFFFFFF  }
0x3c: {  	_ =	strace $0x9000004B  }
0x3d: {  	_ =	sfence  }
0x3e: {  	s30 =	sld [smem:$0x0];
	_ =	sdelay $0x2  }
0x3f: {  	s31 =	sshll.u32 s1, $0xD;
	s1 =	sshrl.u32 s1, $0x2  }
0x40: {  	s4 =	sand.u32 $0x4000, s31;
	s1 =	sadd.s32 s1, s30  }
0x41: {  	s0 =	sor.u32 s4, s0;
	s1 =	sshll.u32 s1, $0x11  }
0x42: {  	s0 =	sor.u32 s1, s0  }
0x43: {  	s0 =	sadd.s32 $0x8F2B, s0  }
0x44: {  	[sflag:s0] =	ssyncadd.remote.s32 $0x1  }
0x45: {  	_ =	sfence.sel $0xFFFF  }
0x46: {  	[dreg:$0x0] =	wrdreg $0xFFFFFFFF;
	(pc) =	sbr.abs _section_cstart, $3  }
0x47: {  	[dreg:$0x1] =	wrdreg $0xFFFFFFFF  }
0x48: {  	_ =	task.clear_ibuf [dreg:s23], $0x2FFFF;
	_ =	strace $0x9FFFFFFF  }
0x49: {  	(tm) =	ssettm $0x7FFFFFFF  }
tec
execute0_lowered:
.L_overlay_start_1:
0x0: {  	(tag) =	ssettag $0x1  }
0x1: {  	s0 =	srdreg.scid  }
0x2: {  	s1 =	sshll.u32 s0, $0x4  }
0x3: {  	s2 =	rddreg [dreg:$0x0];
	s0 =	stileid.u32;
	s1 =	sand.u32 $0x10, s1  }
0x4: {  	s4 =	rddreg [dreg:$0x1];
	s7 =	simm.s32 $0x1;
	s1 =	sor.u32 s0, s1  }
0x5: {  	s8 =	simm.s32 $0x2;
	s9 =	simm.s32 $0x0;
	s3 =	sshll.u32 s1, $0x1  }
0x6: {  	s12 =	simm.s32 $0x0;
	s11 =	simm.s32 $0x0;
	s6 =	ssub.s32 $0x400, s3  }
.Ltmp0:
0x7: {  	s4 =	sadd.s32 $0x102400, s4;
	s5 =	sand.u32 $0x3E, s6;
	(pc) =	sbr.rel .LBB1_1-.Ltmp0, $4  }
0x8: {  	s1 =	rddreg [dreg:$0x2];
	_ =	strace $0x8000004A;
	p0 =	sne.s32 s5, $0x0  }
0x9: {  	s6 =	sshrl.u32 s6, $0x6;
	s5 =	simm.s32 $0x1;
	s7 =	simm.s32 @!p0 $0x0  }
0xa: {  	s10 =	smov.u32 s3;
	[sflag:s5] =	ssyncpa.u1 $0x0;
	s6 =	sadd.s32 s7, s6  }
0xb: {  	[sflag:s8] =	ssyncpa.u1 $0x0;
	s8 =	simm.s32 $0x0;
	s7 =	sadd.s32 $0x1, s6  }
.LBB1_9:
0xc: {  	s14 =	sadd.s32 $0x40, s10  }
0xd: {  	p1 =	sgt.s32 s14, $0x3FF  }
0xe: {  	s14 =	smov.u32 @p1 s3;
	p1 =	sne.s32 s11, s7  }
.Ltmp1:
0xf: {  	p0 =	slt.u32 s11, $0x2;
	(pc) =	sbr.rel @!p1 .LBB1_10-.Ltmp1, $4  }
0x10: {  	s13 =	simm.s32 @!p0 $0x2  }
0x11: {  	s15 =	sadd.s32 $0x1, s11;
	_ =	swait.ge @!p0 [sflag:s13], $0x4000  }
0x12: {  	s12 =	smov.u32 s10;
	s9 =	sadd.s32 $0x4000, s9;
	[sflag:s13] =	ssyncset.done @!p0 $0x0  }
0x13: {  	s11 =	smov.u32 s15;
	s10 =	smov.u32 s14;
	[sflag:s13] =	ssyncadd.s32 @!p0 $0xFFFFC000  }
.LBB1_1:
0x14: {  	p0 =	sge.u32 s11, s6  }
0x15: {  	s13 =	sxor.u32 @!p0 $0xFFFFFFFF, s11  }
0x16: {  	s31 =	sadd.s32 $0xFFFFFFFF, s11;
	s14 =	sshll.u32 @!p0 s10, $0xA;
	s13 =	sshll.u32 @!p0 s13, $0xE  }
0x17: {  	s15 =	simm.s32 @!p0 $0x0;
	s14 =	sadd.s32 @!p0 s2, s14;
	s13 =	sand.u32 @!p0 $0x4000, s13  }
0x18: {  	[tilespmem:s13], [sflag:$0x1] =	stream.linear.gather @!p0 [hbm4b:s14+s15], $0x4000, $0x38;
	[tilespmem:$0x10000] =	vst v63  }
0x19: {  	p0 =	sge.u32 s31, s6  }
.Ltmp2:
0x1a: {  	_ = 	snop;
	(pc) =	sbr.rel @p0 .LBB1_9-.Ltmp2, $1  }
0x1b: {  	_ =	sdelay $0x3  }
0x1c: {  	s13 =	sshll.u32 s9, $0x2  }
0x1d: {  	_ =	swait.ge [sflag:s5], $0x4000;
	s14 =	sshll.u32 s11, $0xE;
	s16 =	simm.s32 $0x0  }
0x1e: {  	p1 =	por $0x1, $0x1;
	s13 =	sand.u32 $0x10000, s13;
	[sflag:s5] =	ssyncset.done $0x0  }
0x1f: {  	s14 =	sand.u32 $0x4000, s14;
	s15 =	sshrl.u32 s13, $0x2;
	[sflag:s5] =	ssyncadd.s32 $0xFFFFC000  }
0x20: {  	s13 =	sor.u32 $0x8000, s14;
	s14 =	sadd.s32 $0x8040, s15;
	s15 =	sadd.s32 $0x40, s15  }
.LBB1_3:
0x21: {  	s16 =	sshll.u32 s16, $0x2  }
0x22: {  	p0 =	por p1, p1;
	s17 =	sshra.s32 s16, $0x2  }
0x23: {  	s18 =	simm.s32 $0x0;
	s16 =	sadd.s32 s17, s14;
	s17 =	sadd.s32 s17, s15  }
.LBB1_4:
0x24: {  	v0 =	vmov s17;
	_ =	sdelay $0x3  }
0x25: {  	s20 =	simm.s32 $0x0  }
0x26: {  	v6 =	vld.idx.msk [tilespmem:v0+s20+$0x30 ss:$0x1], $0xffff  }
0x27: {  	v7 =	vld.idx.msk [tilespmem:v0+s20+$0xFFFFFFC0 ss:$0x1], $0xffff  }
0x28: {  	v5 =	vld.idx.msk [tilespmem:v0+s20+$0xFFFFFFD0 ss:$0x1], $0xffff  }
0x29: {  	v4 =	vld.idx.msk [tilespmem:v0+s20+$0xFFFFFFE0 ss:$0x1], $0xffff  }
0x2a: {  	v3 =	vld.idx.msk [tilespmem:v0+s20+$0xFFFFFFF0 ss:$0x1], $0xffff  }
0x2b: {  	v1 =	vld.idx.msk [tilespmem:v0+s20+$0x0 ss:$0x1], $0xffff  }
0x2c: {  	v2 =	vld.idx.msk [tilespmem:v0+s20+$0x10 ss:$0x1], $0xffff;
	[tilespmem:s16+$0x30] =	vst v6  }
0x2d: {  	s19 =	simm.s32 $0x80;
	s21 =	simm.s32 $0x400;
	[tilespmem:s16+$0xFFFFFFC0] =	vst v7;
	v6 =	vld.idx.msk [tilespmem:v0+s20+$0x20 ss:$0x1], $0xffff;
	s20 =	smov.u32 s16  }
.LBB1_5:
0x2e: {  	p1 =	sne.s32 s21, $0xE00;
	v7 =	vld.idx.msk [tilespmem:v0+s19+$0x30 ss:$0x1], $0xffff;
	[tilespmem:s20+$0xFFFFFFD0] =	vst v5  }
0x2f: {  	v8 =	vld.idx.msk [tilespmem:v0+s19+$0xFFFFFFC0 ss:$0x1], $0xffff;
	[tilespmem:s20+$0xFFFFFFE0] =	vst v4  }
0x30: {  	v5 =	vld.idx.msk [tilespmem:v0+s19+$0xFFFFFFD0 ss:$0x1], $0xffff;
	[tilespmem:s20+$0xFFFFFFF0] =	vst v3  }
.Ltmp3:
0x31: {  	v4 =	vld.idx.msk [tilespmem:v0+s19+$0xFFFFFFE0 ss:$0x1], $0xffff;
	[tilespmem:s20+$0x0] =	vst v1;
	(pc) =	sbr.rel @p1 .LBB1_5-.Ltmp3, $4  }
0x32: {  	v3 =	vld.idx.msk [tilespmem:v0+s19+$0xFFFFFFF0 ss:$0x1], $0xffff;
	[tilespmem:s20+$0x10] =	vst v2  }
0x33: {  	v1 =	vld.idx.msk [tilespmem:v0+s19+$0x0 ss:$0x1], $0xffff;
	[tilespmem:s20+$0x20] =	vst v6;
	s20 =	sadd.s32 $0x400, s20  }
0x34: {  	v2 =	vld.idx.msk [tilespmem:v0+s19+$0x10 ss:$0x1], $0xffff;
	[tilespmem:s20+$0x30] =	vst v7  }
0x35: {  	[tilespmem:s20+$0xFFFFFFC0] =	vst v8;
	v6 =	vld.idx.msk [tilespmem:v0+s19+$0x20 ss:$0x1], $0xffff;
	s19 =	sshra.s32 s21, $0x2;
	s21 =	sadd.s32 $0x200, s21  }
0x36: {  	_ =	sdelay $0x2  }
0x37: {  	[tilespmem:s20+$0xFFFFFFD0] =	vst v5  }
0x38: {  	v56 =	vld.idx.msk [tilespmem:v0+s19+$0x30 ss:$0x1], $0xffff;
	[tilespmem:s20+$0xFFFFFFE0] =	vst v4  }
0x39: {  	v57 =	vld.idx.msk [tilespmem:v0+s19+$0xFFFFFFC0 ss:$0x1], $0xffff;
	[tilespmem:s20+$0xFFFFFFF0] =	vst v3  }
0x3a: {  	v58 =	vld.idx.msk [tilespmem:v0+s19+$0xFFFFFFD0 ss:$0x1], $0xffff;
	[tilespmem:s20+$0x0] =	vst v1  }
0x3b: {  	v59 =	vld.idx.msk [tilespmem:v0+s19+$0xFFFFFFE0 ss:$0x1], $0xffff;
	[tilespmem:s20+$0x10] =	vst v2  }
0x3c: {  	v60 =	vld.idx.msk [tilespmem:v0+s19+$0xFFFFFFF0 ss:$0x1], $0xffff;
	s31 =	sadd.s32 $0x400, s20;
	[tilespmem:s20+$0x20] =	vst v6  }
0x3d: {  	v61 =	vld.idx.msk [tilespmem:v0+s19+$0x0 ss:$0x1], $0xffff;
	[tilespmem:s31+$0x30] =	vst v56  }
0x3e: {  	v62 =	vld.idx.msk [tilespmem:v0+s19+$0x10 ss:$0x1], $0xffff;
	s18 =	sadd.s32 $0x1, s18;
	[tilespmem:s31+$0xFFFFFFC0] =	vst v57  }
0x3f: {  	v63 =	vld.idx.msk [tilespmem:v0+s19+$0x20 ss:$0x1], $0xffff;
	p1 =	sne.s32 s18, $0x8;
	[tilespmem:s31+$0xFFFFFFD0] =	vst v58  }
.Ltmp4:
0x40: {  	[tilespmem:s31+$0xFFFFFFE0] =	vst v59;
	(pc) =	sbr.rel @p1 .LBB1_4-.Ltmp4, $4  }
0x41: {  	[tilespmem:s31+$0xFFFFFFF0] =	vst v60  }
0x42: {  	[tilespmem:s31+$0x0] =	vst v61  }
0x43: {  	[tilespmem:s31+$0x10] =	vst v62  }
0x44: {  	s16 =	sadd.s32 $0x80, s16;
	s17 =	sadd.s32 $0x400, s17;
	[tilespmem:s31+$0x20] =	vst v63  }
.Ltmp5:
0x45: {  	(pc) =	sbr.rel @p0 .LBB1_3-.Ltmp5, $2  }
0x46: {  	_ =	sdelay $0x2  }
0x47: {  	s16 =	simm.s32 $0x2000;
	p1 =	por $0x0, $0x0  }
.Ltmp6:
0x48: {  	(pc) =	sbr.rel .LBB1_9-.Ltmp6, $4  }
0x49: {  	_ = 	snop  }
0x4a: {  	s12 =	sshll.u32 s12, $0xA  }
0x4b: {  	s12 =	sadd.s32 s4, s12  }
0x4c: {  	[hbm4b:s12+s8] =	stream.linear.scatter [tilespmem:s13], [sflag:$0x2], $0x4000, $0x38;
	[tilespmem:$0x10000] =	vst v63  }
.LBB1_10:
0x4d: {  	_ =	sfence.sel $0x180000  }
0x4e: {  	s2 =	simm.s32 $0x1;
	[bflag:$0x0] =	sbarrier.arrive $0xFFFF  }
0x4f: {  	s31 =	simm.s32 $0x2;
	[sflag:s2] =	ssyncpa.u1 $0x1  }
0x50: {  	[sflag:s31] =	ssyncpa.u1 $0x1  }
0x51: {  	p0 =	sne.s32 s0, $0x0;
	_ =	strace $0x9000004A  }
0x52: {  	s0 =	sadd.s32 @!p0 $0x100000, s1;
	[bflag:$0x2] =	sbarrier.arrive $0xFFFF  }
0x53: {  	[sflag:s0] =	ssyncadd.tile.s32 @!p0 $0x1;
	_ =	shalt  }
.Lfunc_end1:
_tile_overlayer_lowered:
.L_overlay_start_2:
0x54: {  	(tag) =	ssettag $0x2  }
0x55: {  	s0 =	rddreg [dreg:$0x0];
	s2 =	stileid.u32  }
0x56: {  	s1 =	rddreg [dreg:$0x1];
	p0 =	sne.s32 s2, $0x0  }
0x57: {  	s3 =	rddreg [dreg:$0x2];
	[bflag:$0x3] =	sbarrier.arrive $0xFFFF;
	s2 =	simm.s32 @!p0 $0x1C01  }
0x58: {  	[timem:s3], [sflag:s2] =	dma.local @!p0 [hbm:s0], s1  }
0x59: {  	s0 =	simm.s32 @!p0 $0x1  }
0x5a: {  	_ =	swait.ge @!p0 [sflag:s0], s1  }
0x5b: {  	s1 =	ssub.s32 @!p0 $0x0, s1;
	[sflag:s0] =	ssyncset.done @!p0 $0x0  }
0x5c: {  	[sflag:s0] =	ssyncadd.s32 @!p0 s1  }
0x5d: {  	[bflag:$0x3] =	sbarrier.arrive $0xFFFF  }
0x5e: {  	_ =	shalt  }

</sc_bundles>
